<compile_context>
chip_gen: v7x
topology: tpu7x:2x2x1
jax: 0.10.2.dev20260603
libtpu: 0.0.44.dev20260713+nightly
codegen_flags: <defaults>
</compile_context>

<pallas_src>
import dataclasses
import functools

import jax
import jax.numpy as jnp
from jax import lax
from jax.experimental import pallas as pl
from jax.experimental.pallas import tpu as pltpu
from jax.experimental.pallas import tpu_sc as plsc

N = 10000
E = 320000
D = 128

NC = 2
NS = 16
NW = NC * NS
CH = 128
NCHUNK = E // CH
ITERS = -(-NCHUNK // NW)
ROWS_PT = 624
ROWS_LAST = N - (NS - 1) * ROWS_PT

DEG_BLK = 2000
DEG_NB = E // NW // DEG_BLK


def _rowwise(copy_fn, sid):
  base = pl.multiple_of(sid * ROWS_PT, 8)

  @pl.when(sid < NS - 1)
  def _():
    copy_fn(base, ROWS_PT)

  @pl.when(sid == NS - 1)
  def _():
    copy_fn(base, ROWS_LAST)

BN = 512

def _sc_compiler_params():
  cp = pltpu.CompilerParams()
  if "needs_layout_passes" in pltpu.CompilerParams.__dataclass_fields__:
    cp = dataclasses.replace(cp, needs_layout_passes=False)
  return cp


@functools.cache
def _mesh():
  return plsc.VectorSubcoreMesh(core_axis_name="c", subcore_axis_name="s",
                                num_cores=NC, num_subcores=NS)



def _sc_degree(dst):

  @functools.partial(
      pl.kernel,
      out_type=jax.ShapeDtypeStruct((NW * N,), jnp.float32),
      mesh=_mesh(),
      scratch_types=[
          pltpu.VMEM((2 * DEG_BLK,), jnp.int32),
          pltpu.VMEM((N,), jnp.float32),
          pltpu.SemaphoreType.DMA((2,)),
      ],
      compiler_params=_sc_compiler_params(),
  )
  def k(dst_hbm, out_hbm, idxv, hist, sidx):
    cid = lax.axis_index("c")
    sid = lax.axis_index("s")
    w = cid * NS + sid

    @pl.loop(0, N // 16)
    def _(i):
      hist[pl.ds(i * 16, 16)] = jnp.zeros((16,), jnp.float32)

    def idx_copy(i):
      ib = lax.rem(i, 2)
      off = pl.multiple_of(w * (E // NW) + i * DEG_BLK, 8)
      return pltpu.make_async_copy(dst_hbm.at[pl.ds(off, DEG_BLK)],
                                   idxv.at[pl.ds(ib * DEG_BLK, DEG_BLK)],
                                   sidx.at[ib])

    idx_copy(0).start()

    @pl.loop(0, DEG_NB)
    def _(i):
      idx_copy(i).wait()

      @pl.when(i + 1 < DEG_NB)
      def _():
        idx_copy(i + 1).start()

      base = lax.rem(i, 2) * DEG_BLK

      @pl.loop(0, DEG_BLK // 16)
      def _(j):
        v = idxv[pl.ds(base + j * 16, 16)]
        plsc.addupdate_scatter(hist, [v], jnp.ones((16,), jnp.float32))

    pltpu.sync_copy(hist, out_hbm.at[pl.ds(pl.multiple_of(w * N, 8), N)])

  return k(dst)


def _sc_scatter(g, src, dst, zeros):

  @functools.partial(
      pl.kernel,
      out_type=[jax.ShapeDtypeStruct((N, D), jnp.float32),
                jax.ShapeDtypeStruct((N, D), jnp.float32)],
      mesh=_mesh(),
      scratch_types=[
          pltpu.VMEM((4, CH), jnp.int32),
          pltpu.VMEM((4, CH), jnp.int32),
          pltpu.VMEM((3, CH, D), jnp.float32),
          pltpu.VMEM_SHARED((N, D), jnp.float32),
          pltpu.SemaphoreType.DMA((4,)),
          pltpu.SemaphoreType.DMA((3,)),
          pltpu.SemaphoreType.DMA((2,)),
      ],
  )
  def k(g_hbm, src_hbm, dst_hbm, zeros_hbm, out0_hbm, out1_hbm, srcv, dstv,
        rows, acc, sidx, sgat, sscat):
    cid = lax.axis_index("c")
    sid = lax.axis_index("s")
    w = cid * NS + sid
    ti = (NCHUNK - 1 - w) // NW + 1

    def init(start, nrows):
      s = pl.ds(start, nrows)

      @pl.when(cid == 0)
      def _():
        pltpu.sync_copy(g_hbm.at[s], acc.at[s])

      @pl.when(cid != 0)
      def _():
        pltpu.sync_copy(zeros_hbm.at[s], acc.at[s])

    _rowwise(init, sid)

    def eoff(i):
      return pl.ds(pl.multiple_of((w + i * NW) * CH, 8), CH)

    def idx_copies(i):
      ib = lax.rem(i, 4)
      return (pltpu.make_async_copy(src_hbm.at[eoff(i)], srcv.at[ib],
                                    sidx.at[ib]),
              pltpu.make_async_copy(dst_hbm.at[eoff(i)], dstv.at[ib],
                                    sidx.at[ib]))

    def idx_start(i):
      a, b = idx_copies(i)
      a.start()
      b.start()

    def idx_wait(i):
      a, b = idx_copies(i)
      a.wait()
      b.wait()

    def gather_copy(i):
      return pltpu.make_async_copy(g_hbm.at[srcv.at[lax.rem(i, 4)]],
                                   rows.at[lax.rem(i, 3)],
                                   sgat.at[lax.rem(i, 3)])

    def scat_start(i):
      pltpu.async_copy(rows.at[lax.rem(i, 3)], acc.at[dstv.at[lax.rem(i, 4)]],
                       sscat.at[lax.rem(i, 2)], add=True)

    def scat_wait(i):
      pltpu.make_async_copy(rows.at[lax.rem(i, 3)],
                            acc.at[dstv.at[lax.rem(i, 4)]],
                            sscat.at[lax.rem(i, 2)]).wait()

    idx_start(0)

    @pl.when(1 < ti)
    def _():
      idx_start(1)

    @pl.when(2 < ti)
    def _():
      idx_start(2)

    idx_wait(0)
    gather_copy(0).start()

    @pl.when(1 < ti)
    def _():
      idx_wait(1)
      gather_copy(1).start()

    plsc.subcore_barrier()

    @pl.loop(0, ITERS)
    def _(i):
      @pl.when(i < ti)
      def _():
        @pl.when(i >= 1)
        def _():
          scat_wait(i - 1)

        @pl.when(i + 3 < ti)
        def _():
          idx_start(i + 3)

        @pl.when(i + 2 < ti)
        def _():
          idx_wait(i + 2)
          gather_copy(i + 2).start()

        gather_copy(i).wait()
        scat_start(i)

    scat_wait(ti - 1)
    plsc.subcore_barrier()

    def writeback(start, nrows):
      s = pl.ds(start, nrows)

      @pl.when(cid == 0)
      def _():
        pltpu.sync_copy(acc.at[s], out0_hbm.at[s])

      @pl.when(cid != 0)
      def _():
        pltpu.sync_copy(acc.at[s], out1_hbm.at[s])

    _rowwise(writeback, sid)

  return k(g, src, dst, zeros)



_DOT = functools.partial(jnp.dot, preferred_element_type=jnp.float32,
                         precision=lax.Precision.DEFAULT)


def _dinv_of(deg_blk):
  return lax.rsqrt(jnp.sum(deg_blk, axis=0) + 1.0)[:, None]


_GRID = (pl.cdiv(N, BN),)
_BLK = pl.BlockSpec((BN, D), lambda i: (i, 0))
_WBLK = pl.BlockSpec((D, D), lambda i: (0, 0))
_BBLK = pl.BlockSpec((1, D), lambda i: (0, 0))
_DEGBLK = pl.BlockSpec((NW, BN), lambda i: (0, i))


def _affine_scaled(x, WT, b, deg2d):
  def body(x_ref, w_ref, b_ref, g_ref, o_ref):
    s = _dinv_of(g_ref[...])
    o_ref[...] = (_DOT(x_ref[...], w_ref[...]) + b_ref[...]) * s

  return pl.pallas_call(
      body,
      grid=_GRID,
      in_specs=[_BLK, _WBLK, _BBLK, _DEGBLK],
      out_specs=_BLK,
      out_shape=jax.ShapeDtypeStruct((N, D), jnp.float32),
  )(x, WT, b.reshape(1, D), deg2d)


def _combine_linear(a0, a1, deg2d, b, WT):
  def body(a0_ref, a1_ref, g_ref, b_ref, w_ref, o_ref):
    s = _dinv_of(g_ref[...])
    h = jnp.maximum((a0_ref[...] + a1_ref[...]) * s + b_ref[...], 0.0)
    o_ref[...] = _DOT(h, w_ref[...]) * s

  return pl.pallas_call(
      body,
      grid=_GRID,
      in_specs=[_BLK, _BLK, _DEGBLK, _BBLK, _WBLK],
      out_specs=_BLK,
      out_shape=jax.ShapeDtypeStruct((N, D), jnp.float32),
  )(a0, a1, deg2d, b.reshape(1, D), WT)


def _finalize(a0, a1, deg2d, b):
  def body(a0_ref, a1_ref, g_ref, b_ref, o_ref):
    s = _dinv_of(g_ref[...])
    o_ref[...] = jnp.maximum(
        (a0_ref[...] + a1_ref[...]) * s + b_ref[...], 0.0)

  return pl.pallas_call(
      body,
      grid=_GRID,
      in_specs=[_BLK, _BLK, _DEGBLK, _BBLK],
      out_specs=_BLK,
      out_shape=jax.ShapeDtypeStruct((N, D), jnp.float32),
  )(a0, a1, deg2d, b.reshape(1, D))



def kernel(x, edge_index, W_in, b_in, W1, b1, W2, b2):
  src = edge_index[0]
  dst = edge_index[1]
  zeros_nd = jnp.zeros((N, D), jnp.float32)

  deg2d = _sc_degree(dst).reshape(NW, N)

  Wc = W_in.T @ W1.T
  bc = b_in @ W1.T
  g1 = _affine_scaled(x, Wc, bc, deg2d)
  a0, a1 = _sc_scatter(g1, src, dst, zeros_nd)
  g2 = _combine_linear(a0, a1, deg2d, b1, W2.T)
  a0, a1 = _sc_scatter(g2, src, dst, zeros_nd)
  return _finalize(a0, a1, deg2d, b2)

# --- scband reference (transcript-rebuilt; emitter-appended) ---
"""Pipeline reference for scband-gnnencoder-4741643895614 (READ-ONLY COPY).

The authoritative reference and input builder live on the scoring server;
editing this copy changes nothing except your own understanding.
"""

import jax, jax.numpy as jnp
import numpy as np

N = 10000
E = 320000
NODE_DIM = 128
HIDDEN = 128


def setup_inputs(seed: int = 0) -> dict:
    key = jax.random.key(seed)
    ks = jax.random.split(key, 8)
    x = jax.random.normal(ks[0], (N, NODE_DIM), dtype=jnp.float32)
    edge_index = jax.random.randint(ks[1], (2, E), 0, N, dtype=jnp.int32)
    W_in = jax.random.normal(ks[2], (HIDDEN, NODE_DIM), dtype=jnp.float32) * 0.05
    b_in = jnp.zeros((HIDDEN,), dtype=jnp.float32)
    W1 = jax.random.normal(ks[3], (HIDDEN, HIDDEN), dtype=jnp.float32) * 0.05
    b1 = jnp.zeros((HIDDEN,), dtype=jnp.float32)
    W2 = jax.random.normal(ks[4], (HIDDEN, HIDDEN), dtype=jnp.float32) * 0.05
    b2 = jnp.zeros((HIDDEN,), dtype=jnp.float32)
    return {"x": x, "edge_index": edge_index, "W_in": W_in, "b_in": b_in,
            "W1": W1, "b1": b1, "W2": W2, "b2": b2}


def _gcn_conv(h, edge_index, W, b):
    # PyG-style GCNConv: add self-loops, symmetric normalization, linear, scatter-add.
    src = edge_index[0]
    dst = edge_index[1]
    loop = jnp.arange(N, dtype=src.dtype)
    src2 = jnp.concatenate([src, loop])
    dst2 = jnp.concatenate([dst, loop])
    deg = jnp.zeros((N,), dtype=h.dtype).at[dst2].add(1.0)
    dinv = jax.lax.rsqrt(jnp.maximum(deg, 1e-12))
    norm = dinv[src2] * dinv[dst2]
    h = h @ W.T
    msg = h[src2] * norm[:, None]
    out = jnp.zeros((N, h.shape[1]), dtype=h.dtype).at[dst2].add(msg)
    return out + b


def reference(x, edge_index, W_in, b_in, W1, b1, W2, b2):
    h = x @ W_in.T + b_in
    for W, b in ((W1, b1), (W2, b2)):
        h = _gcn_conv(h, edge_index, W, b)
        h = jax.nn.relu(h)
        # dropout=0.0 -> identity
    return h

if __name__ == "__main__":
    import jax
    _d = setup_inputs()
    print(jax.jit(kernel)(*tuple(_d.values())))

</pallas_src>

<mosaic_0001>
#map = affine_map<(d0, d1) -> (0)>
module attributes {stable_mosaic.version = 14 : i64} {
  func.func @k(%arg0: i32, %arg1: i32, %arg2: memref<320000xi32, #tpu.memory_space<hbm>>, %arg3: memref<320000xf32, #tpu.memory_space<hbm>>, %arg4: memref<4000xi32, #tpu.memory_space<vmem>>, %arg5: memref<10000xf32, #tpu.memory_space<vmem>>, %arg6: memref<2x!tpu.dma_semaphore, #tpu.memory_space<semaphore_mem>>) attributes {dimension_semantics = [#tpu.dimension_semantics<core_parallel>, #tpu.dimension_semantics<subcore_parallel>], iteration_bounds = array<i64: 2, 16>, scalar_prefetch = 0 : i64, scratch_operands = 3 : i64, tpu.core_type = #tpu.core_type<sc_vector_subcore>, window_params = [{transform_indices = #map}, {transform_indices = #map}]} {
    %mul3A = arith.constant 16 : i32
    %mul3A_0 = arith.muli %arg0, %mul3A : i32
    %add3A = arith.addi %mul3A_0, %arg1 : i32
    %scan3A = arith.constant 0 : i32
    %scan3A_1 = arith.constant 625 : i32
    %scan3A_2 = arith.addi %scan3A, %scan3A_1 : i32
    %scan3A_3 = arith.constant 1 : i32
    scf.for %scan3A_26 = %scan3A to %scan3A_2 step %scan3A_3  : i32 {
      %mul3A_27 = arith.constant 1 : i32
      %mul3A_28 = arith.muli %scan3A_26, %mul3A_27 : i32
      %add3A_29 = arith.constant 0 : i32
      %add3A_30 = arith.addi %add3A_29, %mul3A_28 : i32
      %broadcast_in_dim3A = arith.constant 0.000000e+00 : f32
      %broadcast_in_dim3A_31 = vector.broadcast %broadcast_in_dim3A : f32 to vector<16xf32>
      %mul3A_32 = arith.constant 16 : i32
      %mul3A_33 = arith.muli %add3A_30, %mul3A_32 : i32
      %swap3A = arith.index_cast %mul3A_33 : i32 to index
      %swap3A_34 = tpu.vector_load %arg5[%swap3A] {strides = array<i32>} : memref<10000xf32, #tpu.memory_space<vmem>>, vector<16xf32>,
      tpu.vector_store %arg5[%swap3A], %broadcast_in_dim3A_31 {strides = array<i32>} : memref<10000xf32, #tpu.memory_space<vmem>>, vector<16xf32>,
    }
    %scan3A_4 = arith.constant 625 : i32
    %rem3A = arith.constant 0 : i32
    %rem3A_5 = arith.constant 2 : i32
    %rem3A_6 = arith.remsi %rem3A, %rem3A_5 : i32
    %mul3A_7 = arith.constant 10000 : i32
    %mul3A_8 = arith.muli %add3A, %mul3A_7 : i32
    %add3A_9 = arith.constant 0 : i32
    %add3A_10 = arith.addi %mul3A_8, %add3A_9 : i32
    %multiple_of3A = tpu.assume_multiple %add3A_10, 8 : i32
    %mul3A_11 = arith.constant 2000 : i32
    %mul3A_12 = arith.muli %rem3A_6, %mul3A_11 : i32
    %dma_start3A = tpu.memref_slice %arg4[%mul3A_12] : memref<4000xi32, #tpu.memory_space<vmem>> -> memref<2000xi32, #tpu.memory_space<vmem>>
    %dma_start3A_13 = tpu.memref_slice %arg2[%multiple_of3A] : memref<320000xi32, #tpu.memory_space<hbm>> -> memref<2000xi32, #tpu.memory_space<hbm>>
    %dma_start3A_14 = tpu.memref_slice %arg6[%rem3A_6] : memref<2x!tpu.dma_semaphore, #tpu.memory_space<semaphore_mem>> -> memref<1x!tpu.dma_semaphore, #tpu.memory_space<semaphore_mem>>
    %dma_start3A_15 = tpu.memref_squeeze %dma_start3A_14 : memref<1x!tpu.dma_semaphore, #tpu.memory_space<semaphore_mem>> -> memref<!tpu.dma_semaphore, #tpu.memory_space<semaphore_mem>>
    %dma_start3A_16 = tpu.memref_slice %arg4[%mul3A_12] : memref<4000xi32, #tpu.memory_space<vmem>> -> memref<2000xi32, #tpu.memory_space<vmem>>
    %dma_start3A_17 = tpu.memref_slice %arg2[%multiple_of3A] : memref<320000xi32, #tpu.memory_space<hbm>> -> memref<2000xi32, #tpu.memory_space<hbm>>
    tpu.enqueue_dma source(%dma_start3A_17 : memref<2000xi32, #tpu.memory_space<hbm>>) target(%dma_start3A_16 : memref<2000xi32, #tpu.memory_space<vmem>>) target_semaphore(%dma_start3A_15 : memref<!tpu.dma_semaphore, #tpu.memory_space<semaphore_mem>>)
    %scan3A_18 = arith.constant 0 : i32
    %scan3A_19 = arith.constant 5 : i32
    %scan3A_20 = arith.addi %scan3A_18, %scan3A_19 : i32
    %scan3A_21 = arith.constant 1 : i32
    scf.for %scan3A_26 = %scan3A_18 to %scan3A_20 step %scan3A_21  : i32 {
      %mul3A_27 = arith.constant 1 : i32
      %mul3A_28 = arith.muli %scan3A_26, %mul3A_27 : i32
      %add3A_29 = arith.constant 0 : i32
      %add3A_30 = arith.addi %add3A_29, %mul3A_28 : i32
      %rem3A_31 = arith.constant 2 : i32
      %rem3A_32 = arith.remsi %add3A_30, %rem3A_31 : i32
      %mul3A_33 = arith.constant 10000 : i32
      %mul3A_34 = arith.muli %add3A, %mul3A_33 : i32
      %mul3A_35 = arith.constant 2000 : i32
      %mul3A_36 = arith.muli %add3A_30, %mul3A_35 : i32
      %add3A_37 = arith.addi %mul3A_34, %mul3A_36 : i32
      %multiple_of3A_38 = tpu.assume_multiple %add3A_37, 8 : i32
      %mul3A_39 = arith.constant 2000 : i32
      %mul3A_40 = arith.muli %rem3A_32, %mul3A_39 : i32
      %dma_wait3A = tpu.memref_slice %arg4[%mul3A_40] : memref<4000xi32, #tpu.memory_space<vmem>> -> memref<2000xi32, #tpu.memory_space<vmem>>
      %dma_wait3A_41 = tpu.memref_slice %arg2[%multiple_of3A_38] : memref<320000xi32, #tpu.memory_space<hbm>> -> memref<2000xi32, #tpu.memory_space<hbm>>
      %dma_wait3A_42 = tpu.memref_slice %arg6[%rem3A_32] : memref<2x!tpu.dma_semaphore, #tpu.memory_space<semaphore_mem>> -> memref<1x!tpu.dma_semaphore, #tpu.memory_space<semaphore_mem>>
      %dma_wait3A_43 = tpu.memref_squeeze %dma_wait3A_42 : memref<1x!tpu.dma_semaphore, #tpu.memory_space<semaphore_mem>> -> memref<!tpu.dma_semaphore, #tpu.memory_space<semaphore_mem>>
      %dma_wait3A_44 = tpu.memref_slice %arg4[%mul3A_40] : memref<4000xi32, #tpu.memory_space<vmem>> -> memref<2000xi32, #tpu.memory_space<vmem>>
      %dma_wait3A_45 = tpu.memref_slice %arg2[%multiple_of3A_38] : memref<320000xi32, #tpu.memory_space<hbm>> -> memref<2000xi32, #tpu.memory_space<hbm>>
      tpu.wait_dma2 semaphore(%dma_wait3A_43 : memref<!tpu.dma_semaphore, #tpu.memory_space<semaphore_mem>>) src(%dma_wait3A_45 : memref<2000xi32, #tpu.memory_space<hbm>>) dst(%dma_wait3A_44 : memref<2000xi32, #tpu.memory_space<vmem>>)
      %add3A_46 = arith.constant 1 : i32
      %add3A_47 = arith.addi %add3A_30, %add3A_46 : i32
      %lt3A = arith.constant 5 : i32
      %lt3A_48 = arith.cmpi slt, %add3A_47, %lt3A : i32
      %convert_element_type3A = arith.extui %lt3A_48 : i1 to i32
      %cond3A = arith.constant 0 : i32
      %cond3A_49 = arith.cmpi ne, %convert_element_type3A, %cond3A : i32
      scf.if %cond3A_49 {
        %add3A_59 = arith.constant 1 : i32
        %add3A_60 = arith.addi %add3A_30, %add3A_59 : i32
        %rem3A_61 = arith.constant 2 : i32
        %rem3A_62 = arith.remsi %add3A_60, %rem3A_61 : i32
        %mul3A_63 = arith.constant 10000 : i32
        %mul3A_64 = arith.muli %add3A, %mul3A_63 : i32
        %mul3A_65 = arith.constant 2000 : i32
        %mul3A_66 = arith.muli %add3A_60, %mul3A_65 : i32
        %add3A_67 = arith.addi %mul3A_64, %mul3A_66 : i32
        %multiple_of3A_68 = tpu.assume_multiple %add3A_67, 8 : i32
        %mul3A_69 = arith.constant 2000 : i32
        %mul3A_70 = arith.muli %rem3A_62, %mul3A_69 : i32
        %dma_start3A_71 = tpu.memref_slice %arg4[%mul3A_70] : memref<4000xi32, #tpu.memory_space<vmem>> -> memref<2000xi32, #tpu.memory_space<vmem>>
        %dma_start3A_72 = tpu.memref_slice %arg2[%multiple_of3A_68] : memref<320000xi32, #tpu.memory_space<hbm>> -> memref<2000xi32, #tpu.memory_space<hbm>>
        %dma_start3A_73 = tpu.memref_slice %arg6[%rem3A_62] : memref<2x!tpu.dma_semaphore, #tpu.memory_space<semaphore_mem>> -> memref<1x!tpu.dma_semaphore, #tpu.memory_space<semaphore_mem>>
        %dma_start3A_74 = tpu.memref_squeeze %dma_start3A_73 : memref<1x!tpu.dma_semaphore, #tpu.memory_space<semaphore_mem>> -> memref<!tpu.dma_semaphore, #tpu.memory_space<semaphore_mem>>
        %dma_start3A_75 = tpu.memref_slice %arg4[%mul3A_70] : memref<4000xi32, #tpu.memory_space<vmem>> -> memref<2000xi32, #tpu.memory_space<vmem>>
        %dma_start3A_76 = tpu.memref_slice %arg2[%multiple_of3A_68] : memref<320000xi32, #tpu.memory_space<hbm>> -> memref<2000xi32, #tpu.memory_space<hbm>>
        tpu.enqueue_dma source(%dma_start3A_76 : memref<2000xi32, #tpu.memory_space<hbm>>) target(%dma_start3A_75 : memref<2000xi32, #tpu.memory_space<vmem>>) target_semaphore(%dma_start3A_74 : memref<!tpu.dma_semaphore, #tpu.memory_space<semaphore_mem>>)
      } else {
      }
      %rem3A_50 = arith.constant 2 : i32
      %rem3A_51 = arith.remsi %add3A_30, %rem3A_50 : i32
      %mul3A_52 = arith.constant 2000 : i32
      %mul3A_53 = arith.muli %rem3A_51, %mul3A_52 : i32
      %scan3A_54 = arith.constant 0 : i32
      %scan3A_55 = arith.constant 125 : i32
      %scan3A_56 = arith.addi %scan3A_54, %scan3A_55 : i32
      %scan3A_57 = arith.constant 1 : i32
      scf.for %scan3A_59 = %scan3A_54 to %scan3A_56 step %scan3A_57  : i32 {
        %mul3A_60 = arith.constant 1 : i32
        %mul3A_61 = arith.muli %scan3A_59, %mul3A_60 : i32
        %add3A_62 = arith.constant 0 : i32
        %add3A_63 = arith.addi %add3A_62, %mul3A_61 : i32
        %mul3A_64 = arith.constant 16 : i32
        %mul3A_65 = arith.muli %add3A_63, %mul3A_64 : i32
        %add3A_66 = arith.addi %mul3A_53, %mul3A_65 : i32
        %get3A = arith.index_cast %add3A_66 : i32 to index
        %get3A_67 = tpu.vector_load %arg4[%get3A] {strides = array<i32>} : memref<4000xi32, #tpu.memory_space<vmem>>, vector<16xi32>,
        %broadcast_in_dim3A = arith.constant 1.000000e+00 : f32
        %broadcast_in_dim3A_68 = vector.broadcast %broadcast_in_dim3A : f32 to vector<16xf32>
        tpu.vector_store_idx %arg5[%get3A_67], %broadcast_in_dim3A_68 {add = true} : memref<10000xf32, #tpu.memory_space<vmem>>[vector<16xi32>], vector<16xf32>,
      }
      %scan3A_58 = arith.constant 125 : i32
    }
    %scan3A_22 = arith.constant 5 : i32
    %mul3A_23 = arith.constant 10000 : i32
    %mul3A_24 = arith.muli %add3A, %mul3A_23 : i32
    %multiple_of3A_25 = tpu.assume_multiple %mul3A_24, 8 : i32
    "tpu.region"() ({
      %run_scoped3A = tpu.sem_alloc : memref<!tpu.dma_semaphore, #tpu.memory_space<semaphore_mem>>
      %dma_start3A_26 = tpu.memref_slice %arg3[%multiple_of3A_25] : memref<320000xf32, #tpu.memory_space<hbm>> -> memref<10000xf32, #tpu.memory_space<hbm>>
      %dma_start3A_27 = tpu.memref_slice %arg3[%multiple_of3A_25] : memref<320000xf32, #tpu.memory_space<hbm>> -> memref<10000xf32, #tpu.memory_space<hbm>>
      tpu.enqueue_dma source(%arg5 : memref<10000xf32, #tpu.memory_space<vmem>>) target(%dma_start3A_27 : memref<10000xf32, #tpu.memory_space<hbm>>) target_semaphore(%run_scoped3A : memref<!tpu.dma_semaphore, #tpu.memory_space<semaphore_mem>>)
      %dma_wait3A = tpu.memref_slice %arg3[%multiple_of3A_25] : memref<320000xf32, #tpu.memory_space<hbm>> -> memref<10000xf32, #tpu.memory_space<hbm>>
      %dma_wait3A_28 = tpu.memref_slice %arg3[%multiple_of3A_25] : memref<320000xf32, #tpu.memory_space<hbm>> -> memref<10000xf32, #tpu.memory_space<hbm>>
      tpu.wait_dma2 semaphore(%run_scoped3A : memref<!tpu.dma_semaphore, #tpu.memory_space<semaphore_mem>>) src(%arg5 : memref<10000xf32, #tpu.memory_space<vmem>>) dst(%dma_wait3A_28 : memref<10000xf32, #tpu.memory_space<hbm>>)
      tpu.yield
    }) : () -> ()
    return
  }
}

#map = affine_map<(d0, d1) -> (0, 0)>
#map1 = affine_map<(d0, d1) -> (0)>
module attributes {stable_mosaic.version = 14 : i64} {
  func.func @k(%arg0: i32, %arg1: i32, %arg2: memref<10000x128xf32, #tpu.memory_space<hbm>>, %arg3: memref<320000xi32, #tpu.memory_space<hbm>>, %arg4: memref<320000xi32, #tpu.memory_space<hbm>>, %arg5: memref<10000x128xf32, #tpu.memory_space<hbm>>, %arg6: memref<10000x128xf32, #tpu.memory_space<hbm>>, %arg7: memref<10000x128xf32, #tpu.memory_space<hbm>>, %arg8: memref<4x128xi32, #tpu.memory_space<vmem>>, %arg9: memref<4x128xi32, #tpu.memory_space<vmem>>, %arg10: memref<3x128x128xf32, #tpu.memory_space<vmem>>, %arg11: memref<10000x128xf32, #tpu.memory_space<vmem_shared>>, %arg12: memref<4x!tpu.dma_semaphore, #tpu.memory_space<semaphore_mem>>, %arg13: memref<3x!tpu.dma_semaphore, #tpu.memory_space<semaphore_mem>>, %arg14: memref<2x!tpu.dma_semaphore, #tpu.memory_space<semaphore_mem>>) attributes {dimension_semantics = [#tpu.dimension_semantics<core_parallel>, #tpu.dimension_semantics<subcore_parallel>], iteration_bounds = array<i64: 2, 16>, scalar_prefetch = 0 : i64, scratch_operands = 7 : i64, tpu.core_type = #tpu.core_type<sc_vector_subcore>, window_params = [{transform_indices = #map}, {transform_indices = #map1}, {transform_indices = #map1}, {transform_indices = #map}, {transform_indices = #map}, {transform_indices = #map}]} {
    %mul3A = arith.constant 16 : i32
    %mul3A_0 = arith.muli %arg0, %mul3A : i32
    %add3A = arith.addi %mul3A_0, %arg1 : i32
    %sub3A = arith.constant 2499 : i32
    %sub3A_1 = arith.subi %sub3A, %add3A : i32
    %jit3A = arith.constant 32 : i32
    %div3A = arith.divsi %sub3A_1, %jit3A : i32
    %sign3A = arith.constant 0 : i32
    %sign3A_2 = arith.cmpi sgt, %sub3A_1, %sign3A : i32
    %sign3A_3 = arith.extui %sign3A_2 : i1 to i32
    %sign3A_4 = arith.constant 0 : i32
    %sign3A_5 = arith.cmpi slt, %sub3A_1, %sign3A_4 : i32
    %sign3A_6 = arith.extui %sign3A_5 : i1 to i32
    %sign3A_7 = arith.subi %sign3A_3, %sign3A_6 : i32
    %sign3A_8 = arith.constant 0 : i32
    %sign3A_9 = arith.cmpi sgt, %jit3A, %sign3A_8 : i32
    %sign3A_10 = arith.extui %sign3A_9 : i1 to i32
    %sign3A_11 = arith.constant 0 : i32
    %sign3A_12 = arith.cmpi slt, %jit3A, %sign3A_11 : i32
    %sign3A_13 = arith.extui %sign3A_12 : i1 to i32
    %sign3A_14 = arith.subi %sign3A_10, %sign3A_13 : i32
    %ne3A = arith.cmpi ne, %sign3A_7, %sign3A_14 : i32
    %rem3A = arith.remsi %sub3A_1, %jit3A : i32
    %ne3A_15 = arith.constant 0 : i32
    %ne3A_16 = arith.cmpi ne, %rem3A, %ne3A_15 : i32
    %and3A = arith.andi %ne3A, %ne3A_16 : i1
    %sub3A_17 = arith.constant 1 : i32
    %sub3A_18 = arith.subi %div3A, %sub3A_17 : i32
    %select_n3A = arith.select %and3A, %sub3A_18, %div3A : i32
    %add3A_19 = arith.constant 1 : i32
    %add3A_20 = arith.addi %select_n3A, %add3A_19 : i32
    %mul3A_21 = arith.constant 624 : i32
    %mul3A_22 = arith.muli %arg1, %mul3A_21 : i32
    %multiple_of3A = tpu.assume_multiple %mul3A_22, 8 : i32
    %lt3A = arith.constant 15 : i32
    %lt3A_23 = arith.cmpi slt, %arg1, %lt3A : i32
    %convert_element_type3A = arith.extui %lt3A_23 : i1 to i32
    %cond3A = arith.constant 0 : i32
    %cond3A_24 = arith.cmpi ne, %convert_element_type3A, %cond3A : i32
    scf.if %cond3A_24 {
      %eq3A_166 = arith.constant 0 : i32
      %eq3A_167 = arith.cmpi eq, %arg0, %eq3A_166 : i32
      %convert_element_type3A_168 = arith.extui %eq3A_167 : i1 to i32
      %cond3A_169 = arith.constant 0 : i32
      %cond3A_170 = arith.cmpi ne, %convert_element_type3A_168, %cond3A_169 : i32
      scf.if %cond3A_170 {
        "tpu.region"() ({
          %run_scoped3A = tpu.sem_alloc : memref<!tpu.dma_semaphore, #tpu.memory_space<semaphore_mem>>
          %dma_start3A_176 = arith.constant 0 : i32
          %dma_start3A_177 = tpu.memref_slice %arg11[%multiple_of3A, %dma_start3A_176] : memref<10000x128xf32, #tpu.memory_space<vmem_shared>> -> memref<624x128xf32, #tpu.memory_space<vmem_shared>>
          %dma_start3A_178 = arith.constant 0 : i32
          %dma_start3A_179 = tpu.memref_slice %arg2[%multiple_of3A, %dma_start3A_178] : memref<10000x128xf32, #tpu.memory_space<hbm>> -> memref<624x128xf32, #tpu.memory_space<hbm>>
          tpu.enqueue_dma source(%dma_start3A_179 : memref<624x128xf32, #tpu.memory_space<hbm>>) target(%dma_start3A_177 : memref<624x128xf32, #tpu.memory_space<vmem_shared>>) target_semaphore(%run_scoped3A : memref<!tpu.dma_semaphore, #tpu.memory_space<semaphore_mem>>)
          %dma_wait3A_180 = arith.constant 0 : i32
          %dma_wait3A_181 = tpu.memref_slice %arg11[%multiple_of3A, %dma_wait3A_180] : memref<10000x128xf32, #tpu.memory_space<vmem_shared>> -> memref<624x128xf32, #tpu.memory_space<vmem_shared>>
          %dma_wait3A_182 = arith.constant 0 : i32
          %dma_wait3A_183 = tpu.memref_slice %arg2[%multiple_of3A, %dma_wait3A_182] : memref<10000x128xf32, #tpu.memory_space<hbm>> -> memref<624x128xf32, #tpu.memory_space<hbm>>
          tpu.wait_dma2 semaphore(%run_scoped3A : memref<!tpu.dma_semaphore, #tpu.memory_space<semaphore_mem>>) src(%dma_wait3A_183 : memref<624x128xf32, #tpu.memory_space<hbm>>) dst(%dma_wait3A_181 : memref<624x128xf32, #tpu.memory_space<vmem_shared>>)
          tpu.yield
        }) : () -> ()
      } else {
      }
      %ne3A_171 = arith.constant 0 : i32
      %ne3A_172 = arith.cmpi ne, %arg0, %ne3A_171 : i32
      %convert_element_type3A_173 = arith.extui %ne3A_172 : i1 to i32
      %cond3A_174 = arith.constant 0 : i32
      %cond3A_175 = arith.cmpi ne, %convert_element_type3A_173, %cond3A_174 : i32
      scf.if %cond3A_175 {
        "tpu.region"() ({
          %run_scoped3A = tpu.sem_alloc : memref<!tpu.dma_semaphore, #tpu.memory_space<semaphore_mem>>
          %dma_start3A_176 = arith.constant 0 : i32
          %dma_start3A_177 = tpu.memref_slice %arg11[%multiple_of3A, %dma_start3A_176] : memref<10000x128xf32, #tpu.memory_space<vmem_shared>> -> memref<624x128xf32, #tpu.memory_space<vmem_shared>>
          %dma_start3A_178 = arith.constant 0 : i32
          %dma_start3A_179 = tpu.memref_slice %arg5[%multiple_of3A, %dma_start3A_178] : memref<10000x128xf32, #tpu.memory_space<hbm>> -> memref<624x128xf32, #tpu.memory_space<hbm>>
          tpu.enqueue_dma source(%dma_start3A_179 : memref<624x128xf32, #tpu.memory_space<hbm>>) target(%dma_start3A_177 : memref<624x128xf32, #tpu.memory_space<vmem_shared>>) target_semaphore(%run_scoped3A : memref<!tpu.dma_semaphore, #tpu.memory_space<semaphore_mem>>)
          %dma_wait3A_180 = arith.constant 0 : i32
          %dma_wait3A_181 = tpu.memref_slice %arg11[%multiple_of3A, %dma_wait3A_180] : memref<10000x128xf32, #tpu.memory_space<vmem_shared>> -> memref<624x128xf32, #tpu.memory_space<vmem_shared>>
          %dma_wait3A_182 = arith.constant 0 : i32
          %dma_wait3A_183 = tpu.memref_slice %arg5[%multiple_of3A, %dma_wait3A_182] : memref<10000x128xf32, #tpu.memory_space<hbm>> -> memref<624x128xf32, #tpu.memory_space<hbm>>
          tpu.wait_dma2 semaphore(%run_scoped3A : memref<!tpu.dma_semaphore, #tpu.memory_space<semaphore_mem>>) src(%dma_wait3A_183 : memref<624x128xf32, #tpu.memory_space<hbm>>) dst(%dma_wait3A_181 : memref<624x128xf32, #tpu.memory_space<vmem_shared>>)
          tpu.yield
        }) : () -> ()
      } else {
      }
    } else {
    }
    %eq3A = arith.constant 15 : i32
    %eq3A_25 = arith.cmpi eq, %arg1, %eq3A : i32
    %convert_element_type3A_26 = arith.extui %eq3A_25 : i1 to i32
    %cond3A_27 = arith.constant 0 : i32
    %cond3A_28 = arith.cmpi ne, %convert_element_type3A_26, %cond3A_27 : i32
    scf.if %cond3A_28 {
      %eq3A_166 = arith.constant 0 : i32
      %eq3A_167 = arith.cmpi eq, %arg0, %eq3A_166 : i32
      %convert_element_type3A_168 = arith.extui %eq3A_167 : i1 to i32
      %cond3A_169 = arith.constant 0 : i32
      %cond3A_170 = arith.cmpi ne, %convert_element_type3A_168, %cond3A_169 : i32
      scf.if %cond3A_170 {
        "tpu.region"() ({
          %run_scoped3A = tpu.sem_alloc : memref<!tpu.dma_semaphore, #tpu.memory_space<semaphore_mem>>
          %dma_start3A_176 = arith.constant 0 : i32
          %dma_start3A_177 = tpu.memref_slice %arg11[%multiple_of3A, %dma_start3A_176] : memref<10000x128xf32, #tpu.memory_space<vmem_shared>> -> memref<640x128xf32, #tpu.memory_space<vmem_shared>>
          %dma_start3A_178 = arith.constant 0 : i32
          %dma_start3A_179 = tpu.memref_slice %arg2[%multiple_of3A, %dma_start3A_178] : memref<10000x128xf32, #tpu.memory_space<hbm>> -> memref<640x128xf32, #tpu.memory_space<hbm>>
          tpu.enqueue_dma source(%dma_start3A_179 : memref<640x128xf32, #tpu.memory_space<hbm>>) target(%dma_start3A_177 : memref<640x128xf32, #tpu.memory_space<vmem_shared>>) target_semaphore(%run_scoped3A : memref<!tpu.dma_semaphore, #tpu.memory_space<semaphore_mem>>)
          %dma_wait3A_180 = arith.constant 0 : i32
          %dma_wait3A_181 = tpu.memref_slice %arg11[%multiple_of3A, %dma_wait3A_180] : memref<10000x128xf32, #tpu.memory_space<vmem_shared>> -> memref<640x128xf32, #tpu.memory_space<vmem_shared>>
          %dma_wait3A_182 = arith.constant 0 : i32
          %dma_wait3A_183 = tpu.memref_slice %arg2[%multiple_of3A, %dma_wait3A_182] : memref<10000x128xf32, #tpu.memory_space<hbm>> -> memref<640x128xf32, #tpu.memory_space<hbm>>
          tpu.wait_dma2 semaphore(%run_scoped3A : memref<!tpu.dma_semaphore, #tpu.memory_space<semaphore_mem>>) src(%dma_wait3A_183 : memref<640x128xf32, #tpu.memory_space<hbm>>) dst(%dma_wait3A_181 : memref<640x128xf32, #tpu.memory_space<vmem_shared>>)
          tpu.yield
        }) : () -> ()
      } else {
      }
      %ne3A_171 = arith.constant 0 : i32
      %ne3A_172 = arith.cmpi ne, %arg0, %ne3A_171 : i32
      %convert_element_type3A_173 = arith.extui %ne3A_172 : i1 to i32
      %cond3A_174 = arith.constant 0 : i32
      %cond3A_175 = arith.cmpi ne, %convert_element_type3A_173, %cond3A_174 : i32
      scf.if %cond3A_175 {
        "tpu.region"() ({
          %run_scoped3A = tpu.sem_alloc : memref<!tpu.dma_semaphore, #tpu.memory_space<semaphore_mem>>
          %dma_start3A_176 = arith.constant 0 : i32
          %dma_start3A_177 = tpu.memref_slice %arg11[%multiple_of3A, %dma_start3A_176] : memref<10000x128xf32, #tpu.memory_space<vmem_shared>> -> memref<640x128xf32, #tpu.memory_space<vmem_shared>>
          %dma_start3A_178 = arith.constant 0 : i32
          %dma_start3A_179 = tpu.memref_slice %arg5[%multiple_of3A, %dma_start3A_178] : memref<10000x128xf32, #tpu.memory_space<hbm>> -> memref<640x128xf32, #tpu.memory_space<hbm>>
          tpu.enqueue_dma source(%dma_start3A_179 : memref<640x128xf32, #tpu.memory_space<hbm>>) target(%dma_start3A_177 : memref<640x128xf32, #tpu.memory_space<vmem_shared>>) target_semaphore(%run_scoped3A : memref<!tpu.dma_semaphore, #tpu.memory_space<semaphore_mem>>)
          %dma_wait3A_180 = arith.constant 0 : i32
          %dma_wait3A_181 = tpu.memref_slice %arg11[%multiple_of3A, %dma_wait3A_180] : memref<10000x128xf32, #tpu.memory_space<vmem_shared>> -> memref<640x128xf32, #tpu.memory_space<vmem_shared>>
          %dma_wait3A_182 = arith.constant 0 : i32
          %dma_wait3A_183 = tpu.memref_slice %arg5[%multiple_of3A, %dma_wait3A_182] : memref<10000x128xf32, #tpu.memory_space<hbm>> -> memref<640x128xf32, #tpu.memory_space<hbm>>
          tpu.wait_dma2 semaphore(%run_scoped3A : memref<!tpu.dma_semaphore, #tpu.memory_space<semaphore_mem>>) src(%dma_wait3A_183 : memref<640x128xf32, #tpu.memory_space<hbm>>) dst(%dma_wait3A_181 : memref<640x128xf32, #tpu.memory_space<vmem_shared>>)
          tpu.yield
        }) : () -> ()
      } else {
      }
    } else {
    }
    %rem3A_29 = arith.constant 0 : i32
    %rem3A_30 = arith.constant 4 : i32
    %rem3A_31 = arith.remsi %rem3A_29, %rem3A_30 : i32
    %add3A_32 = arith.constant 0 : i32
    %add3A_33 = arith.addi %add3A, %add3A_32 : i32
    %mul3A_34 = arith.constant 128 : i32
    %mul3A_35 = arith.muli %add3A_33, %mul3A_34 : i32
    %multiple_of3A_36 = tpu.assume_multiple %mul3A_35, 8 : i32
    %add3A_37 = arith.constant 0 : i32
    %add3A_38 = arith.addi %add3A, %add3A_37 : i32
    %mul3A_39 = arith.constant 128 : i32
    %mul3A_40 = arith.muli %add3A_38, %mul3A_39 : i32
    %multiple_of3A_41 = tpu.assume_multiple %mul3A_40, 8 : i32
    %dma_start3A = arith.constant 0 : i32
    %dma_start3A_42 = tpu.memref_slice %arg8[%rem3A_31, %dma_start3A] : memref<4x128xi32, #tpu.memory_space<vmem>> -> memref<1x128xi32, #tpu.memory_space<vmem>>
    %dma_start3A_43 = tpu.memref_squeeze %dma_start3A_42 : memref<1x128xi32, #tpu.memory_space<vmem>> -> memref<128xi32, #tpu.memory_space<vmem>>
    %dma_start3A_44 = tpu.memref_slice %arg3[%multiple_of3A_36] : memref<320000xi32, #tpu.memory_space<hbm>> -> memref<128xi32, #tpu.memory_space<hbm>>
    %dma_start3A_45 = tpu.memref_slice %arg12[%rem3A_31] : memref<4x!tpu.dma_semaphore, #tpu.memory_space<semaphore_mem>> -> memref<1x!tpu.dma_semaphore, #tpu.memory_space<semaphore_mem>>
    %dma_start3A_46 = tpu.memref_squeeze %dma_start3A_45 : memref<1x!tpu.dma_semaphore, #tpu.memory_space<semaphore_mem>> -> memref<!tpu.dma_semaphore, #tpu.memory_space<semaphore_mem>>
    %dma_start3A_47 = arith.constant 0 : i32
    %dma_start3A_48 = tpu.memref_slice %arg8[%rem3A_31, %dma_start3A_47] : memref<4x128xi32, #tpu.memory_space<vmem>> -> memref<1x128xi32, #tpu.memory_space<vmem>>
    %dma_start3A_49 = tpu.memref_squeeze %dma_start3A_48 : memref<1x128xi32, #tpu.memory_space<vmem>> -> memref<128xi32, #tpu.memory_space<vmem>>
    %dma_start3A_50 = tpu.memref_slice %arg3[%multiple_of3A_36] : memref<320000xi32, #tpu.memory_space<hbm>> -> memref<128xi32, #tpu.memory_space<hbm>>
    tpu.enqueue_dma source(%dma_start3A_50 : memref<128xi32, #tpu.memory_space<hbm>>) target(%dma_start3A_49 : memref<128xi32, #tpu.memory_space<vmem>>) target_semaphore(%dma_start3A_46 : memref<!tpu.dma_semaphore, #tpu.memory_space<semaphore_mem>>)
    %dma_start3A_51 = arith.constant 0 : i32
    %dma_start3A_52 = tpu.memref_slice %arg9[%rem3A_31, %dma_start3A_51] : memref<4x128xi32, #tpu.memory_space<vmem>> -> memref<1x128xi32, #tpu.memory_space<vmem>>
    %dma_start3A_53 = tpu.memref_squeeze %dma_start3A_52 : memref<1x128xi32, #tpu.memory_space<vmem>> -> memref<128xi32, #tpu.memory_space<vmem>>
    %dma_start3A_54 = tpu.memref_slice %arg4[%multiple_of3A_41] : memref<320000xi32, #tpu.memory_space<hbm>> -> memref<128xi32, #tpu.memory_space<hbm>>
    %dma_start3A_55 = tpu.memref_slice %arg12[%rem3A_31] : memref<4x!tpu.dma_semaphore, #tpu.memory_space<semaphore_mem>> -> memref<1x!tpu.dma_semaphore, #tpu.memory_space<semaphore_mem>>
    %dma_start3A_56 = tpu.memref_squeeze %dma_start3A_55 : memref<1x!tpu.dma_semaphore, #tpu.memory_space<semaphore_mem>> -> memref<!tpu.dma_semaphore, #tpu.memory_space<semaphore_mem>>
    %dma_start3A_57 = arith.constant 0 : i32
    %dma_start3A_58 = tpu.memref_slice %arg9[%rem3A_31, %dma_start3A_57] : memref<4x128xi32, #tpu.memory_space<vmem>> -> memref<1x128xi32, #tpu.memory_space<vmem>>
    %dma_start3A_59 = tpu.memref_squeeze %dma_start3A_58 : memref<1x128xi32, #tpu.memory_space<vmem>> -> memref<128xi32, #tpu.memory_space<vmem>>
    %dma_start3A_60 = tpu.memref_slice %arg4[%multiple_of3A_41] : memref<320000xi32, #tpu.memory_space<hbm>> -> memref<128xi32, #tpu.memory_space<hbm>>
    tpu.enqueue_dma source(%dma_start3A_60 : memref<128xi32, #tpu.memory_space<hbm>>) target(%dma_start3A_59 : memref<128xi32, #tpu.memory_space<vmem>>) target_semaphore(%dma_start3A_56 : memref<!tpu.dma_semaphore, #tpu.memory_space<semaphore_mem>>)
    %gt3A = arith.constant 1 : i32
    %gt3A_61 = arith.cmpi sgt, %add3A_20, %gt3A : i32
    %convert_element_type3A_62 = arith.extui %gt3A_61 : i1 to i32
    %cond3A_63 = arith.constant 0 : i32
    %cond3A_64 = arith.cmpi ne, %convert_element_type3A_62, %cond3A_63 : i32
    scf.if %cond3A_64 {
      %rem3A_166 = arith.constant 1 : i32
      %rem3A_167 = arith.constant 4 : i32
      %rem3A_168 = arith.remsi %rem3A_166, %rem3A_167 : i32
      %add3A_169 = arith.constant 32 : i32
      %add3A_170 = arith.addi %add3A, %add3A_169 : i32
      %mul3A_171 = arith.constant 128 : i32
      %mul3A_172 = arith.muli %add3A_170, %mul3A_171 : i32
      %multiple_of3A_173 = tpu.assume_multiple %mul3A_172, 8 : i32
      %add3A_174 = arith.constant 32 : i32
      %add3A_175 = arith.addi %add3A, %add3A_174 : i32
      %mul3A_176 = arith.constant 128 : i32
      %mul3A_177 = arith.muli %add3A_175, %mul3A_176 : i32
      %multiple_of3A_178 = tpu.assume_multiple %mul3A_177, 8 : i32
      %dma_start3A_179 = arith.constant 0 : i32
      %dma_start3A_180 = tpu.memref_slice %arg8[%rem3A_168, %dma_start3A_179] : memref<4x128xi32, #tpu.memory_space<vmem>> -> memref<1x128xi32, #tpu.memory_space<vmem>>
      %dma_start3A_181 = tpu.memref_squeeze %dma_start3A_180 : memref<1x128xi32, #tpu.memory_space<vmem>> -> memref<128xi32, #tpu.memory_space<vmem>>
      %dma_start3A_182 = tpu.memref_slice %arg3[%multiple_of3A_173] : memref<320000xi32, #tpu.memory_space<hbm>> -> memref<128xi32, #tpu.memory_space<hbm>>
      %dma_start3A_183 = tpu.memref_slice %arg12[%rem3A_168] : memref<4x!tpu.dma_semaphore, #tpu.memory_space<semaphore_mem>> -> memref<1x!tpu.dma_semaphore, #tpu.memory_space<semaphore_mem>>
      %dma_start3A_184 = tpu.memref_squeeze %dma_start3A_183 : memref<1x!tpu.dma_semaphore, #tpu.memory_space<semaphore_mem>> -> memref<!tpu.dma_semaphore, #tpu.memory_space<semaphore_mem>>
      %dma_start3A_185 = arith.constant 0 : i32
      %dma_start3A_186 = tpu.memref_slice %arg8[%rem3A_168, %dma_start3A_185] : memref<4x128xi32, #tpu.memory_space<vmem>> -> memref<1x128xi32, #tpu.memory_space<vmem>>
      %dma_start3A_187 = tpu.memref_squeeze %dma_start3A_186 : memref<1x128xi32, #tpu.memory_space<vmem>> -> memref<128xi32, #tpu.memory_space<vmem>>
      %dma_start3A_188 = tpu.memref_slice %arg3[%multiple_of3A_173] : memref<320000xi32, #tpu.memory_space<hbm>> -> memref<128xi32, #tpu.memory_space<hbm>>
      tpu.enqueue_dma source(%dma_start3A_188 : memref<128xi32, #tpu.memory_space<hbm>>) target(%dma_start3A_187 : memref<128xi32, #tpu.memory_space<vmem>>) target_semaphore(%dma_start3A_184 : memref<!tpu.dma_semaphore, #tpu.memory_space<semaphore_mem>>)
      %dma_start3A_189 = arith.constant 0 : i32
      %dma_start3A_190 = tpu.memref_slice %arg9[%rem3A_168, %dma_start3A_189] : memref<4x128xi32, #tpu.memory_space<vmem>> -> memref<1x128xi32, #tpu.memory_space<vmem>>
      %dma_start3A_191 = tpu.memref_squeeze %dma_start3A_190 : memref<1x128xi32, #tpu.memory_space<vmem>> -> memref<128xi32, #tpu.memory_space<vmem>>
      %dma_start3A_192 = tpu.memref_slice %arg4[%multiple_of3A_178] : memref<320000xi32, #tpu.memory_space<hbm>> -> memref<128xi32, #tpu.memory_space<hbm>>
      %dma_start3A_193 = tpu.memref_slice %arg12[%rem3A_168] : memref<4x!tpu.dma_semaphore, #tpu.memory_space<semaphore_mem>> -> memref<1x!tpu.dma_semaphore, #tpu.memory_space<semaphore_mem>>
      %dma_start3A_194 = tpu.memref_squeeze %dma_start3A_193 : memref<1x!tpu.dma_semaphore, #tpu.memory_space<semaphore_mem>> -> memref<!tpu.dma_semaphore, #tpu.memory_space<semaphore_mem>>
      %dma_start3A_195 = arith.constant 0 : i32
      %dma_start3A_196 = tpu.memref_slice %arg9[%rem3A_168, %dma_start3A_195] : memref<4x128xi32, #tpu.memory_space<vmem>> -> memref<1x128xi32, #tpu.memory_space<vmem>>
      %dma_start3A_197 = tpu.memref_squeeze %dma_start3A_196 : memref<1x128xi32, #tpu.memory_space<vmem>> -> memref<128xi32, #tpu.memory_space<vmem>>
      %dma_start3A_198 = tpu.memref_slice %arg4[%multiple_of3A_178] : memref<320000xi32, #tpu.memory_space<hbm>> -> memref<128xi32, #tpu.memory_space<hbm>>
      tpu.enqueue_dma source(%dma_start3A_198 : memref<128xi32, #tpu.memory_space<hbm>>) target(%dma_start3A_197 : memref<128xi32, #tpu.memory_space<vmem>>) target_semaphore(%dma_start3A_194 : memref<!tpu.dma_semaphore, #tpu.memory_space<semaphore_mem>>)
    } else {
    }
    %gt3A_65 = arith.constant 2 : i32
    %gt3A_66 = arith.cmpi sgt, %add3A_20, %gt3A_65 : i32
    %convert_element_type3A_67 = arith.extui %gt3A_66 : i1 to i32
    %cond3A_68 = arith.constant 0 : i32
    %cond3A_69 = arith.cmpi ne, %convert_element_type3A_67, %cond3A_68 : i32
    scf.if %cond3A_69 {
      %rem3A_166 = arith.constant 2 : i32
      %rem3A_167 = arith.constant 4 : i32
      %rem3A_168 = arith.remsi %rem3A_166, %rem3A_167 : i32
      %add3A_169 = arith.constant 64 : i32
      %add3A_170 = arith.addi %add3A, %add3A_169 : i32
      %mul3A_171 = arith.constant 128 : i32
      %mul3A_172 = arith.muli %add3A_170, %mul3A_171 : i32
      %multiple_of3A_173 = tpu.assume_multiple %mul3A_172, 8 : i32
      %add3A_174 = arith.constant 64 : i32
      %add3A_175 = arith.addi %add3A, %add3A_174 : i32
      %mul3A_176 = arith.constant 128 : i32
      %mul3A_177 = arith.muli %add3A_175, %mul3A_176 : i32
      %multiple_of3A_178 = tpu.assume_multiple %mul3A_177, 8 : i32
      %dma_start3A_179 = arith.constant 0 : i32
      %dma_start3A_180 = tpu.memref_slice %arg8[%rem3A_168, %dma_start3A_179] : memref<4x128xi32, #tpu.memory_space<vmem>> -> memref<1x128xi32, #tpu.memory_space<vmem>>
      %dma_start3A_181 = tpu.memref_squeeze %dma_start3A_180 : memref<1x128xi32, #tpu.memory_space<vmem>> -> memref<128xi32, #tpu.memory_space<vmem>>
      %dma_start3A_182 = tpu.memref_slice %arg3[%multiple_of3A_173] : memref<320000xi32, #tpu.memory_space<hbm>> -> memref<128xi32, #tpu.memory_space<hbm>>
      %dma_start3A_183 = tpu.memref_slice %arg12[%rem3A_168] : memref<4x!tpu.dma_semaphore, #tpu.memory_space<semaphore_mem>> -> memref<1x!tpu.dma_semaphore, #tpu.memory_space<semaphore_mem>>
      %dma_start3A_184 = tpu.memref_squeeze %dma_start3A_183 : memref<1x!tpu.dma_semaphore, #tpu.memory_space<semaphore_mem>> -> memref<!tpu.dma_semaphore, #tpu.memory_space<semaphore_mem>>
      %dma_start3A_185 = arith.constant 0 : i32
      %dma_start3A_186 = tpu.memref_slice %arg8[%rem3A_168, %dma_start3A_185] : memref<4x128xi32, #tpu.memory_space<vmem>> -> memref<1x128xi32, #tpu.memory_space<vmem>>
      %dma_start3A_187 = tpu.memref_squeeze %dma_start3A_186 : memref<1x128xi32, #tpu.memory_space<vmem>> -> memref<128xi32, #tpu.memory_space<vmem>>
      %dma_start3A_188 = tpu.memref_slice %arg3[%multiple_of3A_173] : memref<320000xi32, #tpu.memory_space<hbm>> -> memref<128xi32, #tpu.memory_space<hbm>>
      tpu.enqueue_dma source(%dma_start3A_188 : memref<128xi32, #tpu.memory_space<hbm>>) target(%dma_start3A_187 : memref<128xi32, #tpu.memory_space<vmem>>) target_semaphore(%dma_start3A_184 : memref<!tpu.dma_semaphore, #tpu.memory_space<semaphore_mem>>)
      %dma_start3A_189 = arith.constant 0 : i32
      %dma_start3A_190 = tpu.memref_slice %arg9[%rem3A_168, %dma_start3A_189] : memref<4x128xi32, #tpu.memory_space<vmem>> -> memref<1x128xi32, #tpu.memory_space<vmem>>
      %dma_start3A_191 = tpu.memref_squeeze %dma_start3A_190 : memref<1x128xi32, #tpu.memory_space<vmem>> -> memref<128xi32, #tpu.memory_space<vmem>>
      %dma_start3A_192 = tpu.memref_slice %arg4[%multiple_of3A_178] : memref<320000xi32, #tpu.memory_space<hbm>> -> memref<128xi32, #tpu.memory_space<hbm>>
      %dma_start3A_193 = tpu.memref_slice %arg12[%rem3A_168] : memref<4x!tpu.dma_semaphore, #tpu.memory_space<semaphore_mem>> -> memref<1x!tpu.dma_semaphore, #tpu.memory_space<semaphore_mem>>
      %dma_start3A_194 = tpu.memref_squeeze %dma_start3A_193 : memref<1x!tpu.dma_semaphore, #tpu.memory_space<semaphore_mem>> -> memref<!tpu.dma_semaphore, #tpu.memory_space<semaphore_mem>>
      %dma_start3A_195 = arith.constant 0 : i32
      %dma_start3A_196 = tpu.memref_slice %arg9[%rem3A_168, %dma_start3A_195] : memref<4x128xi32, #tpu.memory_space<vmem>> -> memref<1x128xi32, #tpu.memory_space<vmem>>
      %dma_start3A_197 = tpu.memref_squeeze %dma_start3A_196 : memref<1x128xi32, #tpu.memory_space<vmem>> -> memref<128xi32, #tpu.memory_space<vmem>>
      %dma_start3A_198 = tpu.memref_slice %arg4[%multiple_of3A_178] : memref<320000xi32, #tpu.memory_space<hbm>> -> memref<128xi32, #tpu.memory_space<hbm>>
      tpu.enqueue_dma source(%dma_start3A_198 : memref<128xi32, #tpu.memory_space<hbm>>) target(%dma_start3A_197 : memref<128xi32, #tpu.memory_space<vmem>>) target_semaphore(%dma_start3A_194 : memref<!tpu.dma_semaphore, #tpu.memory_space<semaphore_mem>>)
    } else {
    }
    %rem3A_70 = arith.constant 0 : i32
    %rem3A_71 = arith.constant 4 : i32
    %rem3A_72 = arith.remsi %rem3A_70, %rem3A_71 : i32
    %add3A_73 = arith.constant 0 : i32
    %add3A_74 = arith.addi %add3A, %add3A_73 : i32
    %mul3A_75 = arith.constant 128 : i32
    %mul3A_76 = arith.muli %add3A_74, %mul3A_75 : i32
    %multiple_of3A_77 = tpu.assume_multiple %mul3A_76, 8 : i32
    %add3A_78 = arith.constant 0 : i32
    %add3A_79 = arith.addi %add3A, %add3A_78 : i32
    %mul3A_80 = arith.constant 128 : i32
    %mul3A_81 = arith.muli %add3A_79, %mul3A_80 : i32
    %multiple_of3A_82 = tpu.assume_multiple %mul3A_81, 8 : i32
    %dma_wait3A = arith.constant 0 : i32
    %dma_wait3A_83 = tpu.memref_slice %arg8[%rem3A_72, %dma_wait3A] : memref<4x128xi32, #tpu.memory_space<vmem>> -> memref<1x128xi32, #tpu.memory_space<vmem>>
    %dma_wait3A_84 = tpu.memref_squeeze %dma_wait3A_83 : memref<1x128xi32, #tpu.memory_space<vmem>> -> memref<128xi32, #tpu.memory_space<vmem>>
    %dma_wait3A_85 = tpu.memref_slice %arg3[%multiple_of3A_77] : memref<320000xi32, #tpu.memory_space<hbm>> -> memref<128xi32, #tpu.memory_space<hbm>>
    %dma_wait3A_86 = tpu.memref_slice %arg12[%rem3A_72] : memref<4x!tpu.dma_semaphore, #tpu.memory_space<semaphore_mem>> -> memref<1x!tpu.dma_semaphore, #tpu.memory_space<semaphore_mem>>
    %dma_wait3A_87 = tpu.memref_squeeze %dma_wait3A_86 : memref<1x!tpu.dma_semaphore, #tpu.memory_space<semaphore_mem>> -> memref<!tpu.dma_semaphore, #tpu.memory_space<semaphore_mem>>
    %dma_wait3A_88 = arith.constant 0 : i32
    %dma_wait3A_89 = tpu.memref_slice %arg8[%rem3A_72, %dma_wait3A_88] : memref<4x128xi32, #tpu.memory_space<vmem>> -> memref<1x128xi32, #tpu.memory_space<vmem>>
    %dma_wait3A_90 = tpu.memref_squeeze %dma_wait3A_89 : memref<1x128xi32, #tpu.memory_space<vmem>> -> memref<128xi32, #tpu.memory_space<vmem>>
    %dma_wait3A_91 = tpu.memref_slice %arg3[%multiple_of3A_77] : memref<320000xi32, #tpu.memory_space<hbm>> -> memref<128xi32, #tpu.memory_space<hbm>>
    tpu.wait_dma2 semaphore(%dma_wait3A_87 : memref<!tpu.dma_semaphore, #tpu.memory_space<semaphore_mem>>) src(%dma_wait3A_91 : memref<128xi32, #tpu.memory_space<hbm>>) dst(%dma_wait3A_90 : memref<128xi32, #tpu.memory_space<vmem>>)
    %dma_wait3A_92 = arith.constant 0 : i32
    %dma_wait3A_93 = tpu.memref_slice %arg9[%rem3A_72, %dma_wait3A_92] : memref<4x128xi32, #tpu.memory_space<vmem>> -> memref<1x128xi32, #tpu.memory_space<vmem>>
    %dma_wait3A_94 = tpu.memref_squeeze %dma_wait3A_93 : memref<1x128xi32, #tpu.memory_space<vmem>> -> memref<128xi32, #tpu.memory_space<vmem>>
    %dma_wait3A_95 = tpu.memref_slice %arg4[%multiple_of3A_82] : memref<320000xi32, #tpu.memory_space<hbm>> -> memref<128xi32, #tpu.memory_space<hbm>>
    %dma_wait3A_96 = tpu.memref_slice %arg12[%rem3A_72] : memref<4x!tpu.dma_semaphore, #tpu.memory_space<semaphore_mem>> -> memref<1x!tpu.dma_semaphore, #tpu.memory_space<semaphore_mem>>
    %dma_wait3A_97 = tpu.memref_squeeze %dma_wait3A_96 : memref<1x!tpu.dma_semaphore, #tpu.memory_space<semaphore_mem>> -> memref<!tpu.dma_semaphore, #tpu.memory_space<semaphore_mem>>
    %dma_wait3A_98 = arith.constant 0 : i32
    %dma_wait3A_99 = tpu.memref_slice %arg9[%rem3A_72, %dma_wait3A_98] : memref<4x128xi32, #tpu.memory_space<vmem>> -> memref<1x128xi32, #tpu.memory_space<vmem>>
    %dma_wait3A_100 = tpu.memref_squeeze %dma_wait3A_99 : memref<1x128xi32, #tpu.memory_space<vmem>> -> memref<128xi32, #tpu.memory_space<vmem>>
    %dma_wait3A_101 = tpu.memref_slice %arg4[%multiple_of3A_82] : memref<320000xi32, #tpu.memory_space<hbm>> -> memref<128xi32, #tpu.memory_space<hbm>>
    tpu.wait_dma2 semaphore(%dma_wait3A_97 : memref<!tpu.dma_semaphore, #tpu.memory_space<semaphore_mem>>) src(%dma_wait3A_101 : memref<128xi32, #tpu.memory_space<hbm>>) dst(%dma_wait3A_100 : memref<128xi32, #tpu.memory_space<vmem>>)
    %rem3A_102 = arith.constant 0 : i32
    %rem3A_103 = arith.constant 4 : i32
    %rem3A_104 = arith.remsi %rem3A_102, %rem3A_103 : i32
    %rem3A_105 = arith.constant 0 : i32
    %rem3A_106 = arith.constant 3 : i32
    %rem3A_107 = arith.remsi %rem3A_105, %rem3A_106 : i32
    %rem3A_108 = arith.constant 0 : i32
    %rem3A_109 = arith.constant 3 : i32
    %rem3A_110 = arith.remsi %rem3A_108, %rem3A_109 : i32
    %dma_start3A_111 = arith.constant 0 : i32
    %dma_start3A_112 = arith.constant 0 : i32
    %dma_start3A_113 = tpu.memref_slice %arg10[%rem3A_107, %dma_start3A_111, %dma_start3A_112] : memref<3x128x128xf32, #tpu.memory_space<vmem>> -> memref<1x128x128xf32, #tpu.memory_space<vmem>>
    %dma_start3A_114 = tpu.memref_squeeze %dma_start3A_113 : memref<1x128x128xf32, #tpu.memory_space<vmem>> -> memref<128x128xf32, #tpu.memory_space<vmem>>
    %dma_start3A_115 = arith.constant 0 : i32
    %dma_start3A_116 = tpu.memref_slice %arg8[%rem3A_104, %dma_start3A_115] : memref<4x128xi32, #tpu.memory_space<vmem>> -> memref<1x128xi32, #tpu.memory_space<vmem>>
    %dma_start3A_117 = tpu.memref_squeeze %dma_start3A_116 : memref<1x128xi32, #tpu.memory_space<vmem>> -> memref<128xi32, #tpu.memory_space<vmem>>
    %dma_start3A_118 = arith.constant 0 : i32
    %dma_start3A_119 = arith.constant 0 : i32
    %dma_start3A_120 = tpu.memref_slice %arg2[%dma_start3A_118, %dma_start3A_119] : memref<10000x128xf32, #tpu.memory_space<hbm>> -> memref<10000x128xf32, #tpu.memory_space<hbm>>
    %dma_start3A_121 = tpu.memref_slice %arg13[%rem3A_110] : memref<3x!tpu.dma_semaphore, #tpu.memory_space<semaphore_mem>> -> memref<1x!tpu.dma_semaphore, #tpu.memory_space<semaphore_mem>>
    %dma_start3A_122 = tpu.memref_squeeze %dma_start3A_121 : memref<1x!tpu.dma_semaphore, #tpu.memory_space<semaphore_mem>> -> memref<!tpu.dma_semaphore, #tpu.memory_space<semaphore_mem>>
    tpu.enqueue_indirect_dma source(%dma_start3A_120 : memref<10000x128xf32, #tpu.memory_space<hbm>>) target(%dma_start3A_114 : memref<128x128xf32, #tpu.memory_space<vmem>>) offsets(%dma_start3A_117 : memref<128xi32, #tpu.memory_space<vmem>>) semaphore(%dma_start3A_122 : memref<!tpu.dma_semaphore, #tpu.memory_space<semaphore_mem>>)
    %gt3A_123 = arith.constant 1 : i32
    %gt3A_124 = arith.cmpi sgt, %add3A_20, %gt3A_123 : i32
    %convert_element_type3A_125 = arith.extui %gt3A_124 : i1 to i32
    %cond3A_126 = arith.constant 0 : i32
    %cond3A_127 = arith.cmpi ne, %convert_element_type3A_125, %cond3A_126 : i32
    scf.if %cond3A_127 {
      %rem3A_166 = arith.constant 1 : i32
      %rem3A_167 = arith.constant 4 : i32
      %rem3A_168 = arith.remsi %rem3A_166, %rem3A_167 : i32
      %add3A_169 = arith.constant 32 : i32
      %add3A_170 = arith.addi %add3A, %add3A_169 : i32
      %mul3A_171 = arith.constant 128 : i32
      %mul3A_172 = arith.muli %add3A_170, %mul3A_171 : i32
      %multiple_of3A_173 = tpu.assume_multiple %mul3A_172, 8 : i32
      %add3A_174 = arith.constant 32 : i32
      %add3A_175 = arith.addi %add3A, %add3A_174 : i32
      %mul3A_176 = arith.constant 128 : i32
      %mul3A_177 = arith.muli %add3A_175, %mul3A_176 : i32
      %multiple_of3A_178 = tpu.assume_multiple %mul3A_177, 8 : i32
      %dma_wait3A_179 = arith.constant 0 : i32
      %dma_wait3A_180 = tpu.memref_slice %arg8[%rem3A_168, %dma_wait3A_179] : memref<4x128xi32, #tpu.memory_space<vmem>> -> memref<1x128xi32, #tpu.memory_space<vmem>>
      %dma_wait3A_181 = tpu.memref_squeeze %dma_wait3A_180 : memref<1x128xi32, #tpu.memory_space<vmem>> -> memref<128xi32, #tpu.memory_space<vmem>>
      %dma_wait3A_182 = tpu.memref_slice %arg3[%multiple_of3A_173] : memref<320000xi32, #tpu.memory_space<hbm>> -> memref<128xi32, #tpu.memory_space<hbm>>
      %dma_wait3A_183 = tpu.memref_slice %arg12[%rem3A_168] : memref<4x!tpu.dma_semaphore, #tpu.memory_space<semaphore_mem>> -> memref<1x!tpu.dma_semaphore, #tpu.memory_space<semaphore_mem>>
      %dma_wait3A_184 = tpu.memref_squeeze %dma_wait3A_183 : memref<1x!tpu.dma_semaphore, #tpu.memory_space<semaphore_mem>> -> memref<!tpu.dma_semaphore, #tpu.memory_space<semaphore_mem>>
      %dma_wait3A_185 = arith.constant 0 : i32
      %dma_wait3A_186 = tpu.memref_slice %arg8[%rem3A_168, %dma_wait3A_185] : memref<4x128xi32, #tpu.memory_space<vmem>> -> memref<1x128xi32, #tpu.memory_space<vmem>>
      %dma_wait3A_187 = tpu.memref_squeeze %dma_wait3A_186 : memref<1x128xi32, #tpu.memory_space<vmem>> -> memref<128xi32, #tpu.memory_space<vmem>>
      %dma_wait3A_188 = tpu.memref_slice %arg3[%multiple_of3A_173] : memref<320000xi32, #tpu.memory_space<hbm>> -> memref<128xi32, #tpu.memory_space<hbm>>
      tpu.wait_dma2 semaphore(%dma_wait3A_184 : memref<!tpu.dma_semaphore, #tpu.memory_space<semaphore_mem>>) src(%dma_wait3A_188 : memref<128xi32, #tpu.memory_space<hbm>>) dst(%dma_wait3A_187 : memref<128xi32, #tpu.memory_space<vmem>>)
      %dma_wait3A_189 = arith.constant 0 : i32
      %dma_wait3A_190 = tpu.memref_slice %arg9[%rem3A_168, %dma_wait3A_189] : memref<4x128xi32, #tpu.memory_space<vmem>> -> memref<1x128xi32, #tpu.memory_space<vmem>>
      %dma_wait3A_191 = tpu.memref_squeeze %dma_wait3A_190 : memref<1x128xi32, #tpu.memory_space<vmem>> -> memref<128xi32, #tpu.memory_space<vmem>>
      %dma_wait3A_192 = tpu.memref_slice %arg4[%multiple_of3A_178] : memref<320000xi32, #tpu.memory_space<hbm>> -> memref<128xi32, #tpu.memory_space<hbm>>
      %dma_wait3A_193 = tpu.memref_slice %arg12[%rem3A_168] : memref<4x!tpu.dma_semaphore, #tpu.memory_space<semaphore_mem>> -> memref<1x!tpu.dma_semaphore, #tpu.memory_space<semaphore_mem>>
      %dma_wait3A_194 = tpu.memref_squeeze %dma_wait3A_193 : memref<1x!tpu.dma_semaphore, #tpu.memory_space<semaphore_mem>> -> memref<!tpu.dma_semaphore, #tpu.memory_space<semaphore_mem>>
      %dma_wait3A_195 = arith.constant 0 : i32
      %dma_wait3A_196 = tpu.memref_slice %arg9[%rem3A_168, %dma_wait3A_195] : memref<4x128xi32, #tpu.memory_space<vmem>> -> memref<1x128xi32, #tpu.memory_space<vmem>>
      %dma_wait3A_197 = tpu.memref_squeeze %dma_wait3A_196 : memref<1x128xi32, #tpu.memory_space<vmem>> -> memref<128xi32, #tpu.memory_space<vmem>>
      %dma_wait3A_198 = tpu.memref_slice %arg4[%multiple_of3A_178] : memref<320000xi32, #tpu.memory_space<hbm>> -> memref<128xi32, #tpu.memory_space<hbm>>
      tpu.wait_dma2 semaphore(%dma_wait3A_194 : memref<!tpu.dma_semaphore, #tpu.memory_space<semaphore_mem>>) src(%dma_wait3A_198 : memref<128xi32, #tpu.memory_space<hbm>>) dst(%dma_wait3A_197 : memref<128xi32, #tpu.memory_space<vmem>>)
      %rem3A_199 = arith.constant 1 : i32
      %rem3A_200 = arith.constant 4 : i32
      %rem3A_201 = arith.remsi %rem3A_199, %rem3A_200 : i32
      %rem3A_202 = arith.constant 1 : i32
      %rem3A_203 = arith.constant 3 : i32
      %rem3A_204 = arith.remsi %rem3A_202, %rem3A_203 : i32
      %rem3A_205 = arith.constant 1 : i32
      %rem3A_206 = arith.constant 3 : i32
      %rem3A_207 = arith.remsi %rem3A_205, %rem3A_206 : i32
      %dma_start3A_208 = arith.constant 0 : i32
      %dma_start3A_209 = arith.constant 0 : i32
      %dma_start3A_210 = tpu.memref_slice %arg10[%rem3A_204, %dma_start3A_208, %dma_start3A_209] : memref<3x128x128xf32, #tpu.memory_space<vmem>> -> memref<1x128x128xf32, #tpu.memory_space<vmem>>
      %dma_start3A_211 = tpu.memref_squeeze %dma_start3A_210 : memref<1x128x128xf32, #tpu.memory_space<vmem>> -> memref<128x128xf32, #tpu.memory_space<vmem>>
      %dma_start3A_212 = arith.constant 0 : i32
      %dma_start3A_213 = tpu.memref_slice %arg8[%rem3A_201, %dma_start3A_212] : memref<4x128xi32, #tpu.memory_space<vmem>> -> memref<1x128xi32, #tpu.memory_space<vmem>>
      %dma_start3A_214 = tpu.memref_squeeze %dma_start3A_213 : memref<1x128xi32, #tpu.memory_space<vmem>> -> memref<128xi32, #tpu.memory_space<vmem>>
      %dma_start3A_215 = arith.constant 0 : i32
      %dma_start3A_216 = arith.constant 0 : i32
      %dma_start3A_217 = tpu.memref_slice %arg2[%dma_start3A_215, %dma_start3A_216] : memref<10000x128xf32, #tpu.memory_space<hbm>> -> memref<10000x128xf32, #tpu.memory_space<hbm>>
      %dma_start3A_218 = tpu.memref_slice %arg13[%rem3A_207] : memref<3x!tpu.dma_semaphore, #tpu.memory_space<semaphore_mem>> -> memref<1x!tpu.dma_semaphore, #tpu.memory_space<semaphore_mem>>
      %dma_start3A_219 = tpu.memref_squeeze %dma_start3A_218 : memref<1x!tpu.dma_semaphore, #tpu.memory_space<semaphore_mem>> -> memref<!tpu.dma_semaphore, #tpu.memory_space<semaphore_mem>>
      tpu.enqueue_indirect_dma source(%dma_start3A_217 : memref<10000x128xf32, #tpu.memory_space<hbm>>) target(%dma_start3A_211 : memref<128x128xf32, #tpu.memory_space<vmem>>) offsets(%dma_start3A_214 : memref<128xi32, #tpu.memory_space<vmem>>) semaphore(%dma_start3A_219 : memref<!tpu.dma_semaphore, #tpu.memory_space<semaphore_mem>>)
    } else {
    }
    %barrier3A = arith.constant 0 : index
    tpu.barrier barrier_id(%barrier3A)
    %scan3A = arith.constant 0 : i32
    %scan3A_128 = arith.constant 79 : i32
    %scan3A_129 = arith.addi %scan3A, %scan3A_128 : i32
    %scan3A_130 = arith.constant 1 : i32
    scf.for %scan3A_166 = %scan3A to %scan3A_129 step %scan3A_130  : i32 {
      %mul3A_167 = arith.constant 1 : i32
      %mul3A_168 = arith.muli %scan3A_166, %mul3A_167 : i32
      %add3A_169 = arith.constant 0 : i32
      %add3A_170 = arith.addi %add3A_169, %mul3A_168 : i32
      %lt3A_171 = arith.cmpi slt, %add3A_170, %add3A_20 : i32
      %convert_element_type3A_172 = arith.extui %lt3A_171 : i1 to i32
      %cond3A_173 = arith.constant 0 : i32
      %cond3A_174 = arith.cmpi ne, %convert_element_type3A_172, %cond3A_173 : i32
      scf.if %cond3A_174 {
        %ge3A = arith.constant 1 : i32
        %ge3A_175 = arith.cmpi sge, %add3A_170, %ge3A : i32
        %convert_element_type3A_176 = arith.extui %ge3A_175 : i1 to i32
        %cond3A_177 = arith.constant 0 : i32
        %cond3A_178 = arith.cmpi ne, %convert_element_type3A_176, %cond3A_177 : i32
        scf.if %cond3A_178 {
          %sub3A_227 = arith.constant 1 : i32
          %sub3A_228 = arith.subi %add3A_170, %sub3A_227 : i32
          %rem3A_229 = arith.constant 3 : i32
          %rem3A_230 = arith.remsi %sub3A_228, %rem3A_229 : i32
          %rem3A_231 = arith.constant 4 : i32
          %rem3A_232 = arith.remsi %sub3A_228, %rem3A_231 : i32
          %rem3A_233 = arith.constant 2 : i32
          %rem3A_234 = arith.remsi %sub3A_228, %rem3A_233 : i32
          %dma_wait3A_235 = arith.constant 0 : i32
          %dma_wait3A_236 = arith.constant 0 : i32
          %dma_wait3A_237 = tpu.memref_slice %arg10[%rem3A_230, %dma_wait3A_235, %dma_wait3A_236] : memref<3x128x128xf32, #tpu.memory_space<vmem>> -> memref<1x128x128xf32, #tpu.memory_space<vmem>>
          %dma_wait3A_238 = tpu.memref_squeeze %dma_wait3A_237 : memref<1x128x128xf32, #tpu.memory_space<vmem>> -> memref<128x128xf32, #tpu.memory_space<vmem>>
          %dma_wait3A_239 = arith.constant 0 : i32
          %dma_wait3A_240 = tpu.memref_slice %arg9[%rem3A_232, %dma_wait3A_239] : memref<4x128xi32, #tpu.memory_space<vmem>> -> memref<1x128xi32, #tpu.memory_space<vmem>>
          %dma_wait3A_241 = tpu.memref_squeeze %dma_wait3A_240 : memref<1x128xi32, #tpu.memory_space<vmem>> -> memref<128xi32, #tpu.memory_space<vmem>>
          %dma_wait3A_242 = arith.constant 0 : i32
          %dma_wait3A_243 = arith.constant 0 : i32
          %dma_wait3A_244 = tpu.memref_slice %arg11[%dma_wait3A_242, %dma_wait3A_243] : memref<10000x128xf32, #tpu.memory_space<vmem_shared>> -> memref<10000x128xf32, #tpu.memory_space<vmem_shared>>
          %dma_wait3A_245 = tpu.memref_slice %arg14[%rem3A_234] : memref<2x!tpu.dma_semaphore, #tpu.memory_space<semaphore_mem>> -> memref<1x!tpu.dma_semaphore, #tpu.memory_space<semaphore_mem>>
          %dma_wait3A_246 = tpu.memref_squeeze %dma_wait3A_245 : memref<1x!tpu.dma_semaphore, #tpu.memory_space<semaphore_mem>> -> memref<!tpu.dma_semaphore, #tpu.memory_space<semaphore_mem>>
          tpu.wait_indirect_dma semaphore(%dma_wait3A_246 : memref<!tpu.dma_semaphore, #tpu.memory_space<semaphore_mem>>) src(%dma_wait3A_238 : memref<128x128xf32, #tpu.memory_space<vmem>>) dst(%dma_wait3A_244 : memref<10000x128xf32, #tpu.memory_space<vmem_shared>>)
        } else {
        }
        %add3A_179 = arith.constant 3 : i32
        %add3A_180 = arith.addi %add3A_170, %add3A_179 : i32
        %lt3A_181 = arith.cmpi slt, %add3A_180, %add3A_20 : i32
        %convert_element_type3A_182 = arith.extui %lt3A_181 : i1 to i32
        %cond3A_183 = arith.constant 0 : i32
        %cond3A_184 = arith.cmpi ne, %convert_element_type3A_182, %cond3A_183 : i32
        scf.if %cond3A_184 {
          %add3A_227 = arith.constant 3 : i32
          %add3A_228 = arith.addi %add3A_170, %add3A_227 : i32
          %rem3A_229 = arith.constant 4 : i32
          %rem3A_230 = arith.remsi %add3A_228, %rem3A_229 : i32
          %mul3A_231 = arith.constant 32 : i32
          %mul3A_232 = arith.muli %add3A_228, %mul3A_231 : i32
          %add3A_233 = arith.addi %add3A, %mul3A_232 : i32
          %mul3A_234 = arith.constant 128 : i32
          %mul3A_235 = arith.muli %add3A_233, %mul3A_234 : i32
          %multiple_of3A_236 = tpu.assume_multiple %mul3A_235, 8 : i32
          %mul3A_237 = arith.constant 32 : i32
          %mul3A_238 = arith.muli %add3A_228, %mul3A_237 : i32
          %add3A_239 = arith.addi %add3A, %mul3A_238 : i32
          %mul3A_240 = arith.constant 128 : i32
          %mul3A_241 = arith.muli %add3A_239, %mul3A_240 : i32
          %multiple_of3A_242 = tpu.assume_multiple %mul3A_241, 8 : i32
          %dma_start3A_243 = arith.constant 0 : i32
          %dma_start3A_244 = tpu.memref_slice %arg8[%rem3A_230, %dma_start3A_243] : memref<4x128xi32, #tpu.memory_space<vmem>> -> memref<1x128xi32, #tpu.memory_space<vmem>>
          %dma_start3A_245 = tpu.memref_squeeze %dma_start3A_244 : memref<1x128xi32, #tpu.memory_space<vmem>> -> memref<128xi32, #tpu.memory_space<vmem>>
          %dma_start3A_246 = tpu.memref_slice %arg3[%multiple_of3A_236] : memref<320000xi32, #tpu.memory_space<hbm>> -> memref<128xi32, #tpu.memory_space<hbm>>
          %dma_start3A_247 = tpu.memref_slice %arg12[%rem3A_230] : memref<4x!tpu.dma_semaphore, #tpu.memory_space<semaphore_mem>> -> memref<1x!tpu.dma_semaphore, #tpu.memory_space<semaphore_mem>>
          %dma_start3A_248 = tpu.memref_squeeze %dma_start3A_247 : memref<1x!tpu.dma_semaphore, #tpu.memory_space<semaphore_mem>> -> memref<!tpu.dma_semaphore, #tpu.memory_space<semaphore_mem>>
          %dma_start3A_249 = arith.constant 0 : i32
          %dma_start3A_250 = tpu.memref_slice %arg8[%rem3A_230, %dma_start3A_249] : memref<4x128xi32, #tpu.memory_space<vmem>> -> memref<1x128xi32, #tpu.memory_space<vmem>>
          %dma_start3A_251 = tpu.memref_squeeze %dma_start3A_250 : memref<1x128xi32, #tpu.memory_space<vmem>> -> memref<128xi32, #tpu.memory_space<vmem>>
          %dma_start3A_252 = tpu.memref_slice %arg3[%multiple_of3A_236] : memref<320000xi32, #tpu.memory_space<hbm>> -> memref<128xi32, #tpu.memory_space<hbm>>
          tpu.enqueue_dma source(%dma_start3A_252 : memref<128xi32, #tpu.memory_space<hbm>>) target(%dma_start3A_251 : memref<128xi32, #tpu.memory_space<vmem>>) target_semaphore(%dma_start3A_248 : memref<!tpu.dma_semaphore, #tpu.memory_space<semaphore_mem>>)
          %dma_start3A_253 = arith.constant 0 : i32
          %dma_start3A_254 = tpu.memref_slice %arg9[%rem3A_230, %dma_start3A_253] : memref<4x128xi32, #tpu.memory_space<vmem>> -> memref<1x128xi32, #tpu.memory_space<vmem>>
          %dma_start3A_255 = tpu.memref_squeeze %dma_start3A_254 : memref<1x128xi32, #tpu.memory_space<vmem>> -> memref<128xi32, #tpu.memory_space<vmem>>
          %dma_start3A_256 = tpu.memref_slice %arg4[%multiple_of3A_242] : memref<320000xi32, #tpu.memory_space<hbm>> -> memref<128xi32, #tpu.memory_space<hbm>>
          %dma_start3A_257 = tpu.memref_slice %arg12[%rem3A_230] : memref<4x!tpu.dma_semaphore, #tpu.memory_space<semaphore_mem>> -> memref<1x!tpu.dma_semaphore, #tpu.memory_space<semaphore_mem>>
          %dma_start3A_258 = tpu.memref_squeeze %dma_start3A_257 : memref<1x!tpu.dma_semaphore, #tpu.memory_space<semaphore_mem>> -> memref<!tpu.dma_semaphore, #tpu.memory_space<semaphore_mem>>
          %dma_start3A_259 = arith.constant 0 : i32
          %dma_start3A_260 = tpu.memref_slice %arg9[%rem3A_230, %dma_start3A_259] : memref<4x128xi32, #tpu.memory_space<vmem>> -> memref<1x128xi32, #tpu.memory_space<vmem>>
          %dma_start3A_261 = tpu.memref_squeeze %dma_start3A_260 : memref<1x128xi32, #tpu.memory_space<vmem>> -> memref<128xi32, #tpu.memory_space<vmem>>
          %dma_start3A_262 = tpu.memref_slice %arg4[%multiple_of3A_242] : memref<320000xi32, #tpu.memory_space<hbm>> -> memref<128xi32, #tpu.memory_space<hbm>>
          tpu.enqueue_dma source(%dma_start3A_262 : memref<128xi32, #tpu.memory_space<hbm>>) target(%dma_start3A_261 : memref<128xi32, #tpu.memory_space<vmem>>) target_semaphore(%dma_start3A_258 : memref<!tpu.dma_semaphore, #tpu.memory_space<semaphore_mem>>)
        } else {
        }
        %add3A_185 = arith.constant 2 : i32
        %add3A_186 = arith.addi %add3A_170, %add3A_185 : i32
        %lt3A_187 = arith.cmpi slt, %add3A_186, %add3A_20 : i32
        %convert_element_type3A_188 = arith.extui %lt3A_187 : i1 to i32
        %cond3A_189 = arith.constant 0 : i32
        %cond3A_190 = arith.cmpi ne, %convert_element_type3A_188, %cond3A_189 : i32
        scf.if %cond3A_190 {
          %add3A_227 = arith.constant 2 : i32
          %add3A_228 = arith.addi %add3A_170, %add3A_227 : i32
          %rem3A_229 = arith.constant 4 : i32
          %rem3A_230 = arith.remsi %add3A_228, %rem3A_229 : i32
          %mul3A_231 = arith.constant 32 : i32
          %mul3A_232 = arith.muli %add3A_228, %mul3A_231 : i32
          %add3A_233 = arith.addi %add3A, %mul3A_232 : i32
          %mul3A_234 = arith.constant 128 : i32
          %mul3A_235 = arith.muli %add3A_233, %mul3A_234 : i32
          %multiple_of3A_236 = tpu.assume_multiple %mul3A_235, 8 : i32
          %mul3A_237 = arith.constant 32 : i32
          %mul3A_238 = arith.muli %add3A_228, %mul3A_237 : i32
          %add3A_239 = arith.addi %add3A, %mul3A_238 : i32
          %mul3A_240 = arith.constant 128 : i32
          %mul3A_241 = arith.muli %add3A_239, %mul3A_240 : i32
          %multiple_of3A_242 = tpu.assume_multiple %mul3A_241, 8 : i32
          %dma_wait3A_243 = arith.constant 0 : i32
          %dma_wait3A_244 = tpu.memref_slice %arg8[%rem3A_230, %dma_wait3A_243] : memref<4x128xi32, #tpu.memory_space<vmem>> -> memref<1x128xi32, #tpu.memory_space<vmem>>
          %dma_wait3A_245 = tpu.memref_squeeze %dma_wait3A_244 : memref<1x128xi32, #tpu.memory_space<vmem>> -> memref<128xi32, #tpu.memory_space<vmem>>
          %dma_wait3A_246 = tpu.memref_slice %arg3[%multiple_of3A_236] : memref<320000xi32, #tpu.memory_space<hbm>> -> memref<128xi32, #tpu.memory_space<hbm>>
          %dma_wait3A_247 = tpu.memref_slice %arg12[%rem3A_230] : memref<4x!tpu.dma_semaphore, #tpu.memory_space<semaphore_mem>> -> memref<1x!tpu.dma_semaphore, #tpu.memory_space<semaphore_mem>>
          %dma_wait3A_248 = tpu.memref_squeeze %dma_wait3A_247 : memref<1x!tpu.dma_semaphore, #tpu.memory_space<semaphore_mem>> -> memref<!tpu.dma_semaphore, #tpu.memory_space<semaphore_mem>>
          %dma_wait3A_249 = arith.constant 0 : i32
          %dma_wait3A_250 = tpu.memref_slice %arg8[%rem3A_230, %dma_wait3A_249] : memref<4x128xi32, #tpu.memory_space<vmem>> -> memref<1x128xi32, #tpu.memory_space<vmem>>
          %dma_wait3A_251 = tpu.memref_squeeze %dma_wait3A_250 : memref<1x128xi32, #tpu.memory_space<vmem>> -> memref<128xi32, #tpu.memory_space<vmem>>
          %dma_wait3A_252 = tpu.memref_slice %arg3[%multiple_of3A_236] : memref<320000xi32, #tpu.memory_space<hbm>> -> memref<128xi32, #tpu.memory_space<hbm>>
          tpu.wait_dma2 semaphore(%dma_wait3A_248 : memref<!tpu.dma_semaphore, #tpu.memory_space<semaphore_mem>>) src(%dma_wait3A_252 : memref<128xi32, #tpu.memory_space<hbm>>) dst(%dma_wait3A_251 : memref<128xi32, #tpu.memory_space<vmem>>)
          %dma_wait3A_253 = arith.constant 0 : i32
          %dma_wait3A_254 = tpu.memref_slice %arg9[%rem3A_230, %dma_wait3A_253] : memref<4x128xi32, #tpu.memory_space<vmem>> -> memref<1x128xi32, #tpu.memory_space<vmem>>
          %dma_wait3A_255 = tpu.memref_squeeze %dma_wait3A_254 : memref<1x128xi32, #tpu.memory_space<vmem>> -> memref<128xi32, #tpu.memory_space<vmem>>
          %dma_wait3A_256 = tpu.memref_slice %arg4[%multiple_of3A_242] : memref<320000xi32, #tpu.memory_space<hbm>> -> memref<128xi32, #tpu.memory_space<hbm>>
          %dma_wait3A_257 = tpu.memref_slice %arg12[%rem3A_230] : memref<4x!tpu.dma_semaphore, #tpu.memory_space<semaphore_mem>> -> memref<1x!tpu.dma_semaphore, #tpu.memory_space<semaphore_mem>>
          %dma_wait3A_258 = tpu.memref_squeeze %dma_wait3A_257 : memref<1x!tpu.dma_semaphore, #tpu.memory_space<semaphore_mem>> -> memref<!tpu.dma_semaphore, #tpu.memory_space<semaphore_mem>>
          %dma_wait3A_259 = arith.constant 0 : i32
          %dma_wait3A_260 = tpu.memref_slice %arg9[%rem3A_230, %dma_wait3A_259] : memref<4x128xi32, #tpu.memory_space<vmem>> -> memref<1x128xi32, #tpu.memory_space<vmem>>
          %dma_wait3A_261 = tpu.memref_squeeze %dma_wait3A_260 : memref<1x128xi32, #tpu.memory_space<vmem>> -> memref<128xi32, #tpu.memory_space<vmem>>
          %dma_wait3A_262 = tpu.memref_slice %arg4[%multiple_of3A_242] : memref<320000xi32, #tpu.memory_space<hbm>> -> memref<128xi32, #tpu.memory_space<hbm>>
          tpu.wait_dma2 semaphore(%dma_wait3A_258 : memref<!tpu.dma_semaphore, #tpu.memory_space<semaphore_mem>>) src(%dma_wait3A_262 : memref<128xi32, #tpu.memory_space<hbm>>) dst(%dma_wait3A_261 : memref<128xi32, #tpu.memory_space<vmem>>)
          %add3A_263 = arith.constant 2 : i32
          %add3A_264 = arith.addi %add3A_170, %add3A_263 : i32
          %rem3A_265 = arith.constant 4 : i32
          %rem3A_266 = arith.remsi %add3A_264, %rem3A_265 : i32
          %rem3A_267 = arith.constant 3 : i32
          %rem3A_268 = arith.remsi %add3A_264, %rem3A_267 : i32
          %rem3A_269 = arith.constant 3 : i32
          %rem3A_270 = arith.remsi %add3A_264, %rem3A_269 : i32
          %dma_start3A_271 = arith.constant 0 : i32
          %dma_start3A_272 = arith.constant 0 : i32
          %dma_start3A_273 = tpu.memref_slice %arg10[%rem3A_268, %dma_start3A_271, %dma_start3A_272] : memref<3x128x128xf32, #tpu.memory_space<vmem>> -> memref<1x128x128xf32, #tpu.memory_space<vmem>>
          %dma_start3A_274 = tpu.memref_squeeze %dma_start3A_273 : memref<1x128x128xf32, #tpu.memory_space<vmem>> -> memref<128x128xf32, #tpu.memory_space<vmem>>
          %dma_start3A_275 = arith.constant 0 : i32
          %dma_start3A_276 = tpu.memref_slice %arg8[%rem3A_266, %dma_start3A_275] : memref<4x128xi32, #tpu.memory_space<vmem>> -> memref<1x128xi32, #tpu.memory_space<vmem>>
          %dma_start3A_277 = tpu.memref_squeeze %dma_start3A_276 : memref<1x128xi32, #tpu.memory_space<vmem>> -> memref<128xi32, #tpu.memory_space<vmem>>
          %dma_start3A_278 = arith.constant 0 : i32
          %dma_start3A_279 = arith.constant 0 : i32
          %dma_start3A_280 = tpu.memref_slice %arg2[%dma_start3A_278, %dma_start3A_279] : memref<10000x128xf32, #tpu.memory_space<hbm>> -> memref<10000x128xf32, #tpu.memory_space<hbm>>
          %dma_start3A_281 = tpu.memref_slice %arg13[%rem3A_270] : memref<3x!tpu.dma_semaphore, #tpu.memory_space<semaphore_mem>> -> memref<1x!tpu.dma_semaphore, #tpu.memory_space<semaphore_mem>>
          %dma_start3A_282 = tpu.memref_squeeze %dma_start3A_281 : memref<1x!tpu.dma_semaphore, #tpu.memory_space<semaphore_mem>> -> memref<!tpu.dma_semaphore, #tpu.memory_space<semaphore_mem>>
          tpu.enqueue_indirect_dma source(%dma_start3A_280 : memref<10000x128xf32, #tpu.memory_space<hbm>>) target(%dma_start3A_274 : memref<128x128xf32, #tpu.memory_space<vmem>>) offsets(%dma_start3A_277 : memref<128xi32, #tpu.memory_space<vmem>>) semaphore(%dma_start3A_282 : memref<!tpu.dma_semaphore, #tpu.memory_space<semaphore_mem>>)
        } else {
        }
        %rem3A_191 = arith.constant 4 : i32
        %rem3A_192 = arith.remsi %add3A_170, %rem3A_191 : i32
        %rem3A_193 = arith.constant 3 : i32
        %rem3A_194 = arith.remsi %add3A_170, %rem3A_193 : i32
        %rem3A_195 = arith.constant 3 : i32
        %rem3A_196 = arith.remsi %add3A_170, %rem3A_195 : i32
        %dma_wait3A_197 = arith.constant 0 : i32
        %dma_wait3A_198 = arith.constant 0 : i32
        %dma_wait3A_199 = tpu.memref_slice %arg10[%rem3A_194, %dma_wait3A_197, %dma_wait3A_198] : memref<3x128x128xf32, #tpu.memory_space<vmem>> -> memref<1x128x128xf32, #tpu.memory_space<vmem>>
        %dma_wait3A_200 = tpu.memref_squeeze %dma_wait3A_199 : memref<1x128x128xf32, #tpu.memory_space<vmem>> -> memref<128x128xf32, #tpu.memory_space<vmem>>
        %dma_wait3A_201 = arith.constant 0 : i32
        %dma_wait3A_202 = tpu.memref_slice %arg8[%rem3A_192, %dma_wait3A_201] : memref<4x128xi32, #tpu.memory_space<vmem>> -> memref<1x128xi32, #tpu.memory_space<vmem>>
        %dma_wait3A_203 = tpu.memref_squeeze %dma_wait3A_202 : memref<1x128xi32, #tpu.memory_space<vmem>> -> memref<128xi32, #tpu.memory_space<vmem>>
        %dma_wait3A_204 = arith.constant 0 : i32
        %dma_wait3A_205 = arith.constant 0 : i32
        %dma_wait3A_206 = tpu.memref_slice %arg2[%dma_wait3A_204, %dma_wait3A_205] : memref<10000x128xf32, #tpu.memory_space<hbm>> -> memref<10000x128xf32, #tpu.memory_space<hbm>>
        %dma_wait3A_207 = tpu.memref_slice %arg13[%rem3A_196] : memref<3x!tpu.dma_semaphore, #tpu.memory_space<semaphore_mem>> -> memref<1x!tpu.dma_semaphore, #tpu.memory_space<semaphore_mem>>
        %dma_wait3A_208 = tpu.memref_squeeze %dma_wait3A_207 : memref<1x!tpu.dma_semaphore, #tpu.memory_space<semaphore_mem>> -> memref<!tpu.dma_semaphore, #tpu.memory_space<semaphore_mem>>
        tpu.wait_indirect_dma semaphore(%dma_wait3A_208 : memref<!tpu.dma_semaphore, #tpu.memory_space<semaphore_mem>>) src(%dma_wait3A_206 : memref<10000x128xf32, #tpu.memory_space<hbm>>) dst(%dma_wait3A_200 : memref<128x128xf32, #tpu.memory_space<vmem>>)
        %rem3A_209 = arith.constant 3 : i32
        %rem3A_210 = arith.remsi %add3A_170, %rem3A_209 : i32
        %rem3A_211 = arith.constant 4 : i32
        %rem3A_212 = arith.remsi %add3A_170, %rem3A_211 : i32
        %rem3A_213 = arith.constant 2 : i32
        %rem3A_214 = arith.remsi %add3A_170, %rem3A_213 : i32
        %dma_start3A_215 = arith.constant 0 : i32
        %dma_start3A_216 = arith.constant 0 : i32
        %dma_start3A_217 = tpu.memref_slice %arg10[%rem3A_210, %dma_start3A_215, %dma_start3A_216] : memref<3x128x128xf32, #tpu.memory_space<vmem>> -> memref<1x128x128xf32, #tpu.memory_space<vmem>>
        %dma_start3A_218 = tpu.memref_squeeze %dma_start3A_217 : memref<1x128x128xf32, #tpu.memory_space<vmem>> -> memref<128x128xf32, #tpu.memory_space<vmem>>
        %dma_start3A_219 = arith.constant 0 : i32
        %dma_start3A_220 = tpu.memref_slice %arg9[%rem3A_212, %dma_start3A_219] : memref<4x128xi32, #tpu.memory_space<vmem>> -> memref<1x128xi32, #tpu.memory_space<vmem>>
        %dma_start3A_221 = tpu.memref_squeeze %dma_start3A_220 : memref<1x128xi32, #tpu.memory_space<vmem>> -> memref<128xi32, #tpu.memory_space<vmem>>
        %dma_start3A_222 = arith.constant 0 : i32
        %dma_start3A_223 = arith.constant 0 : i32
        %dma_start3A_224 = tpu.memref_slice %arg11[%dma_start3A_222, %dma_start3A_223] : memref<10000x128xf32, #tpu.memory_space<vmem_shared>> -> memref<10000x128xf32, #tpu.memory_space<vmem_shared>>
        %dma_start3A_225 = tpu.memref_slice %arg14[%rem3A_214] : memref<2x!tpu.dma_semaphore, #tpu.memory_space<semaphore_mem>> -> memref<1x!tpu.dma_semaphore, #tpu.memory_space<semaphore_mem>>
        %dma_start3A_226 = tpu.memref_squeeze %dma_start3A_225 : memref<1x!tpu.dma_semaphore, #tpu.memory_space<semaphore_mem>> -> memref<!tpu.dma_semaphore, #tpu.memory_space<semaphore_mem>>
        tpu.enqueue_indirect_dma source(%dma_start3A_218 : memref<128x128xf32, #tpu.memory_space<vmem>>) target(%dma_start3A_224 : memref<10000x128xf32, #tpu.memory_space<vmem_shared>>) offsets(%dma_start3A_221 : memref<128xi32, #tpu.memory_space<vmem>>) semaphore(%dma_start3A_226 : memref<!tpu.dma_semaphore, #tpu.memory_space<semaphore_mem>>) {add = true}
      } else {
      }
    }
    %scan3A_131 = arith.constant 79 : i32
    %sub3A_132 = arith.constant 1 : i32
    %sub3A_133 = arith.subi %add3A_20, %sub3A_132 : i32
    %rem3A_134 = arith.constant 3 : i32
    %rem3A_135 = arith.remsi %sub3A_133, %rem3A_134 : i32
    %rem3A_136 = arith.constant 4 : i32
    %rem3A_137 = arith.remsi %sub3A_133, %rem3A_136 : i32
    %rem3A_138 = arith.constant 2 : i32
    %rem3A_139 = arith.remsi %sub3A_133, %rem3A_138 : i32
    %dma_wait3A_140 = arith.constant 0 : i32
    %dma_wait3A_141 = arith.constant 0 : i32
    %dma_wait3A_142 = tpu.memref_slice %arg10[%rem3A_135, %dma_wait3A_140, %dma_wait3A_141] : memref<3x128x128xf32, #tpu.memory_space<vmem>> -> memref<1x128x128xf32, #tpu.memory_space<vmem>>
    %dma_wait3A_143 = tpu.memref_squeeze %dma_wait3A_142 : memref<1x128x128xf32, #tpu.memory_space<vmem>> -> memref<128x128xf32, #tpu.memory_space<vmem>>
    %dma_wait3A_144 = arith.constant 0 : i32
    %dma_wait3A_145 = tpu.memref_slice %arg9[%rem3A_137, %dma_wait3A_144] : memref<4x128xi32, #tpu.memory_space<vmem>> -> memref<1x128xi32, #tpu.memory_space<vmem>>
    %dma_wait3A_146 = tpu.memref_squeeze %dma_wait3A_145 : memref<1x128xi32, #tpu.memory_space<vmem>> -> memref<128xi32, #tpu.memory_space<vmem>>
    %dma_wait3A_147 = arith.constant 0 : i32
    %dma_wait3A_148 = arith.constant 0 : i32
    %dma_wait3A_149 = tpu.memref_slice %arg11[%dma_wait3A_147, %dma_wait3A_148] : memref<10000x128xf32, #tpu.memory_space<vmem_shared>> -> memref<10000x128xf32, #tpu.memory_space<vmem_shared>>
    %dma_wait3A_150 = tpu.memref_slice %arg14[%rem3A_139] : memref<2x!tpu.dma_semaphore, #tpu.memory_space<semaphore_mem>> -> memref<1x!tpu.dma_semaphore, #tpu.memory_space<semaphore_mem>>
    %dma_wait3A_151 = tpu.memref_squeeze %dma_wait3A_150 : memref<1x!tpu.dma_semaphore, #tpu.memory_space<semaphore_mem>> -> memref<!tpu.dma_semaphore, #tpu.memory_space<semaphore_mem>>
    tpu.wait_indirect_dma semaphore(%dma_wait3A_151 : memref<!tpu.dma_semaphore, #tpu.memory_space<semaphore_mem>>) src(%dma_wait3A_143 : memref<128x128xf32, #tpu.memory_space<vmem>>) dst(%dma_wait3A_149 : memref<10000x128xf32, #tpu.memory_space<vmem_shared>>)
    %barrier3A_152 = arith.constant 0 : index
    tpu.barrier barrier_id(%barrier3A_152)
    %mul3A_153 = arith.constant 624 : i32
    %mul3A_154 = arith.muli %arg1, %mul3A_153 : i32
    %multiple_of3A_155 = tpu.assume_multiple %mul3A_154, 8 : i32
    %lt3A_156 = arith.constant 15 : i32
    %lt3A_157 = arith.cmpi slt, %arg1, %lt3A_156 : i32
    %convert_element_type3A_158 = arith.extui %lt3A_157 : i1 to i32
    %cond3A_159 = arith.constant 0 : i32
    %cond3A_160 = arith.cmpi ne, %convert_element_type3A_158, %cond3A_159 : i32
    scf.if %cond3A_160 {
      %eq3A_166 = arith.constant 0 : i32
      %eq3A_167 = arith.cmpi eq, %arg0, %eq3A_166 : i32
      %convert_element_type3A_168 = arith.extui %eq3A_167 : i1 to i32
      %cond3A_169 = arith.constant 0 : i32
      %cond3A_170 = arith.cmpi ne, %convert_element_type3A_168, %cond3A_169 : i32
      scf.if %cond3A_170 {
        "tpu.region"() ({
          %run_scoped3A = tpu.sem_alloc : memref<!tpu.dma_semaphore, #tpu.memory_space<semaphore_mem>>
          %dma_start3A_176 = arith.constant 0 : i32
          %dma_start3A_177 = tpu.memref_slice %arg6[%multiple_of3A_155, %dma_start3A_176] : memref<10000x128xf32, #tpu.memory_space<hbm>> -> memref<624x128xf32, #tpu.memory_space<hbm>>
          %dma_start3A_178 = arith.constant 0 : i32
          %dma_start3A_179 = tpu.memref_slice %arg11[%multiple_of3A_155, %dma_start3A_178] : memref<10000x128xf32, #tpu.memory_space<vmem_shared>> -> memref<624x128xf32, #tpu.memory_space<vmem_shared>>
          tpu.enqueue_dma source(%dma_start3A_179 : memref<624x128xf32, #tpu.memory_space<vmem_shared>>) target(%dma_start3A_177 : memref<624x128xf32, #tpu.memory_space<hbm>>) target_semaphore(%run_scoped3A : memref<!tpu.dma_semaphore, #tpu.memory_space<semaphore_mem>>)
          %dma_wait3A_180 = arith.constant 0 : i32
          %dma_wait3A_181 = tpu.memref_slice %arg6[%multiple_of3A_155, %dma_wait3A_180] : memref<10000x128xf32, #tpu.memory_space<hbm>> -> memref<624x128xf32, #tpu.memory_space<hbm>>
          %dma_wait3A_182 = arith.constant 0 : i32
          %dma_wait3A_183 = tpu.memref_slice %arg11[%multiple_of3A_155, %dma_wait3A_182] : memref<10000x128xf32, #tpu.memory_space<vmem_shared>> -> memref<624x128xf32, #tpu.memory_space<vmem_shared>>
          tpu.wait_dma2 semaphore(%run_scoped3A : memref<!tpu.dma_semaphore, #tpu.memory_space<semaphore_mem>>) src(%dma_wait3A_183 : memref<624x128xf32, #tpu.memory_space<vmem_shared>>) dst(%dma_wait3A_181 : memref<624x128xf32, #tpu.memory_space<hbm>>)
          tpu.yield
        }) : () -> ()
      } else {
      }
      %ne3A_171 = arith.constant 0 : i32
      %ne3A_172 = arith.cmpi ne, %arg0, %ne3A_171 : i32
      %convert_element_type3A_173 = arith.extui %ne3A_172 : i1 to i32
      %cond3A_174 = arith.constant 0 : i32
      %cond3A_175 = arith.cmpi ne, %convert_element_type3A_173, %cond3A_174 : i32
      scf.if %cond3A_175 {
        "tpu.region"() ({
          %run_scoped3A = tpu.sem_alloc : memref<!tpu.dma_semaphore, #tpu.memory_space<semaphore_mem>>
          %dma_start3A_176 = arith.constant 0 : i32
          %dma_start3A_177 = tpu.memref_slice %arg7[%multiple_of3A_155, %dma_start3A_176] : memref<10000x128xf32, #tpu.memory_space<hbm>> -> memref<624x128xf32, #tpu.memory_space<hbm>>
          %dma_start3A_178 = arith.constant 0 : i32
          %dma_start3A_179 = tpu.memref_slice %arg11[%multiple_of3A_155, %dma_start3A_178] : memref<10000x128xf32, #tpu.memory_space<vmem_shared>> -> memref<624x128xf32, #tpu.memory_space<vmem_shared>>
          tpu.enqueue_dma source(%dma_start3A_179 : memref<624x128xf32, #tpu.memory_space<vmem_shared>>) target(%dma_start3A_177 : memref<624x128xf32, #tpu.memory_space<hbm>>) target_semaphore(%run_scoped3A : memref<!tpu.dma_semaphore, #tpu.memory_space<semaphore_mem>>)
          %dma_wait3A_180 = arith.constant 0 : i32
          %dma_wait3A_181 = tpu.memref_slice %arg7[%multiple_of3A_155, %dma_wait3A_180] : memref<10000x128xf32, #tpu.memory_space<hbm>> -> memref<624x128xf32, #tpu.memory_space<hbm>>
          %dma_wait3A_182 = arith.constant 0 : i32
          %dma_wait3A_183 = tpu.memref_slice %arg11[%multiple_of3A_155, %dma_wait3A_182] : memref<10000x128xf32, #tpu.memory_space<vmem_shared>> -> memref<624x128xf32, #tpu.memory_space<vmem_shared>>
          tpu.wait_dma2 semaphore(%run_scoped3A : memref<!tpu.dma_semaphore, #tpu.memory_space<semaphore_mem>>) src(%dma_wait3A_183 : memref<624x128xf32, #tpu.memory_space<vmem_shared>>) dst(%dma_wait3A_181 : memref<624x128xf32, #tpu.memory_space<hbm>>)
          tpu.yield
        }) : () -> ()
      } else {
      }
    } else {
    }
    %eq3A_161 = arith.constant 15 : i32
    %eq3A_162 = arith.cmpi eq, %arg1, %eq3A_161 : i32
    %convert_element_type3A_163 = arith.extui %eq3A_162 : i1 to i32
    %cond3A_164 = arith.constant 0 : i32
    %cond3A_165 = arith.cmpi ne, %convert_element_type3A_163, %cond3A_164 : i32
    scf.if %cond3A_165 {
      %eq3A_166 = arith.constant 0 : i32
      %eq3A_167 = arith.cmpi eq, %arg0, %eq3A_166 : i32
      %convert_element_type3A_168 = arith.extui %eq3A_167 : i1 to i32
      %cond3A_169 = arith.constant 0 : i32
      %cond3A_170 = arith.cmpi ne, %convert_element_type3A_168, %cond3A_169 : i32
      scf.if %cond3A_170 {
        "tpu.region"() ({
          %run_scoped3A = tpu.sem_alloc : memref<!tpu.dma_semaphore, #tpu.memory_space<semaphore_mem>>
          %dma_start3A_176 = arith.constant 0 : i32
          %dma_start3A_177 = tpu.memref_slice %arg6[%multiple_of3A_155, %dma_start3A_176] : memref<10000x128xf32, #tpu.memory_space<hbm>> -> memref<640x128xf32, #tpu.memory_space<hbm>>
          %dma_start3A_178 = arith.constant 0 : i32
          %dma_start3A_179 = tpu.memref_slice %arg11[%multiple_of3A_155, %dma_start3A_178] : memref<10000x128xf32, #tpu.memory_space<vmem_shared>> -> memref<640x128xf32, #tpu.memory_space<vmem_shared>>
          tpu.enqueue_dma source(%dma_start3A_179 : memref<640x128xf32, #tpu.memory_space<vmem_shared>>) target(%dma_start3A_177 : memref<640x128xf32, #tpu.memory_space<hbm>>) target_semaphore(%run_scoped3A : memref<!tpu.dma_semaphore, #tpu.memory_space<semaphore_mem>>)
          %dma_wait3A_180 = arith.constant 0 : i32
          %dma_wait3A_181 = tpu.memref_slice %arg6[%multiple_of3A_155, %dma_wait3A_180] : memref<10000x128xf32, #tpu.memory_space<hbm>> -> memref<640x128xf32, #tpu.memory_space<hbm>>
          %dma_wait3A_182 = arith.constant 0 : i32
          %dma_wait3A_183 = tpu.memref_slice %arg11[%multiple_of3A_155, %dma_wait3A_182] : memref<10000x128xf32, #tpu.memory_space<vmem_shared>> -> memref<640x128xf32, #tpu.memory_space<vmem_shared>>
          tpu.wait_dma2 semaphore(%run_scoped3A : memref<!tpu.dma_semaphore, #tpu.memory_space<semaphore_mem>>) src(%dma_wait3A_183 : memref<640x128xf32, #tpu.memory_space<vmem_shared>>) dst(%dma_wait3A_181 : memref<640x128xf32, #tpu.memory_space<hbm>>)
          tpu.yield
        }) : () -> ()
      } else {
      }
      %ne3A_171 = arith.constant 0 : i32
      %ne3A_172 = arith.cmpi ne, %arg0, %ne3A_171 : i32
      %convert_element_type3A_173 = arith.extui %ne3A_172 : i1 to i32
      %cond3A_174 = arith.constant 0 : i32
      %cond3A_175 = arith.cmpi ne, %convert_element_type3A_173, %cond3A_174 : i32
      scf.if %cond3A_175 {
        "tpu.region"() ({
          %run_scoped3A = tpu.sem_alloc : memref<!tpu.dma_semaphore, #tpu.memory_space<semaphore_mem>>
          %dma_start3A_176 = arith.constant 0 : i32
          %dma_start3A_177 = tpu.memref_slice %arg7[%multiple_of3A_155, %dma_start3A_176] : memref<10000x128xf32, #tpu.memory_space<hbm>> -> memref<640x128xf32, #tpu.memory_space<hbm>>
          %dma_start3A_178 = arith.constant 0 : i32
          %dma_start3A_179 = tpu.memref_slice %arg11[%multiple_of3A_155, %dma_start3A_178] : memref<10000x128xf32, #tpu.memory_space<vmem_shared>> -> memref<640x128xf32, #tpu.memory_space<vmem_shared>>
          tpu.enqueue_dma source(%dma_start3A_179 : memref<640x128xf32, #tpu.memory_space<vmem_shared>>) target(%dma_start3A_177 : memref<640x128xf32, #tpu.memory_space<hbm>>) target_semaphore(%run_scoped3A : memref<!tpu.dma_semaphore, #tpu.memory_space<semaphore_mem>>)
          %dma_wait3A_180 = arith.constant 0 : i32
          %dma_wait3A_181 = tpu.memref_slice %arg7[%multiple_of3A_155, %dma_wait3A_180] : memref<10000x128xf32, #tpu.memory_space<hbm>> -> memref<640x128xf32, #tpu.memory_space<hbm>>
          %dma_wait3A_182 = arith.constant 0 : i32
          %dma_wait3A_183 = tpu.memref_slice %arg11[%multiple_of3A_155, %dma_wait3A_182] : memref<10000x128xf32, #tpu.memory_space<vmem_shared>> -> memref<640x128xf32, #tpu.memory_space<vmem_shared>>
          tpu.wait_dma2 semaphore(%run_scoped3A : memref<!tpu.dma_semaphore, #tpu.memory_space<semaphore_mem>>) src(%dma_wait3A_183 : memref<640x128xf32, #tpu.memory_space<vmem_shared>>) dst(%dma_wait3A_181 : memref<640x128xf32, #tpu.memory_space<hbm>>)
          tpu.yield
        }) : () -> ()
      } else {
      }
    } else {
    }
    return
  }
}

#map = affine_map<(d0, d1) -> (0, 0)>
#map1 = affine_map<(d0, d1) -> (0)>
module attributes {stable_mosaic.version = 14 : i64} {
  func.func @k(%arg0: i32, %arg1: i32, %arg2: memref<10000x128xf32, #tpu.memory_space<hbm>>, %arg3: memref<320000xi32, #tpu.memory_space<hbm>>, %arg4: memref<320000xi32, #tpu.memory_space<hbm>>, %arg5: memref<10000x128xf32, #tpu.memory_space<hbm>>, %arg6: memref<10000x128xf32, #tpu.memory_space<hbm>>, %arg7: memref<10000x128xf32, #tpu.memory_space<hbm>>, %arg8: memref<4x128xi32, #tpu.memory_space<vmem>>, %arg9: memref<4x128xi32, #tpu.memory_space<vmem>>, %arg10: memref<3x128x128xf32, #tpu.memory_space<vmem>>, %arg11: memref<10000x128xf32, #tpu.memory_space<vmem_shared>>, %arg12: memref<4x!tpu.dma_semaphore, #tpu.memory_space<semaphore_mem>>, %arg13: memref<3x!tpu.dma_semaphore, #tpu.memory_space<semaphore_mem>>, %arg14: memref<2x!tpu.dma_semaphore, #tpu.memory_space<semaphore_mem>>) attributes {dimension_semantics = [#tpu.dimension_semantics<core_parallel>, #tpu.dimension_semantics<subcore_parallel>], iteration_bounds = array<i64: 2, 16>, scalar_prefetch = 0 : i64, scratch_operands = 7 : i64, tpu.core_type = #tpu.core_type<sc_vector_subcore>, window_params = [{transform_indices = #map}, {transform_indices = #map1}, {transform_indices = #map1}, {transform_indices = #map}, {transform_indices = #map}, {transform_indices = #map}]} {
    %mul3A = arith.constant 16 : i32
    %mul3A_0 = arith.muli %arg0, %mul3A : i32
    %add3A = arith.addi %mul3A_0, %arg1 : i32
    %sub3A = arith.constant 2499 : i32
    %sub3A_1 = arith.subi %sub3A, %add3A : i32
    %jit3A = arith.constant 32 : i32
    %div3A = arith.divsi %sub3A_1, %jit3A : i32
    %sign3A = arith.constant 0 : i32
    %sign3A_2 = arith.cmpi sgt, %sub3A_1, %sign3A : i32
    %sign3A_3 = arith.extui %sign3A_2 : i1 to i32
    %sign3A_4 = arith.constant 0 : i32
    %sign3A_5 = arith.cmpi slt, %sub3A_1, %sign3A_4 : i32
    %sign3A_6 = arith.extui %sign3A_5 : i1 to i32
    %sign3A_7 = arith.subi %sign3A_3, %sign3A_6 : i32
    %sign3A_8 = arith.constant 0 : i32
    %sign3A_9 = arith.cmpi sgt, %jit3A, %sign3A_8 : i32
    %sign3A_10 = arith.extui %sign3A_9 : i1 to i32
    %sign3A_11 = arith.constant 0 : i32
    %sign3A_12 = arith.cmpi slt, %jit3A, %sign3A_11 : i32
    %sign3A_13 = arith.extui %sign3A_12 : i1 to i32
    %sign3A_14 = arith.subi %sign3A_10, %sign3A_13 : i32
    %ne3A = arith.cmpi ne, %sign3A_7, %sign3A_14 : i32
    %rem3A = arith.remsi %sub3A_1, %jit3A : i32
    %ne3A_15 = arith.constant 0 : i32
    %ne3A_16 = arith.cmpi ne, %rem3A, %ne3A_15 : i32
    %and3A = arith.andi %ne3A, %ne3A_16 : i1
    %sub3A_17 = arith.constant 1 : i32
    %sub3A_18 = arith.subi %div3A, %sub3A_17 : i32
    %select_n3A = arith.select %and3A, %sub3A_18, %div3A : i32
    %add3A_19 = arith.constant 1 : i32
    %add3A_20 = arith.addi %select_n3A, %add3A_19 : i32
    %mul3A_21 = arith.constant 624 : i32
    %mul3A_22 = arith.muli %arg1, %mul3A_21 : i32
    %multiple_of3A = tpu.assume_multiple %mul3A_22, 8 : i32
    %lt3A = arith.constant 15 : i32
    %lt3A_23 = arith.cmpi slt, %arg1, %lt3A : i32
    %convert_element_type3A = arith.extui %lt3A_23 : i1 to i32
    %cond3A = arith.constant 0 : i32
    %cond3A_24 = arith.cmpi ne, %convert_element_type3A, %cond3A : i32
    scf.if %cond3A_24 {
      %eq3A_166 = arith.constant 0 : i32
      %eq3A_167 = arith.cmpi eq, %arg0, %eq3A_166 : i32
      %convert_element_type3A_168 = arith.extui %eq3A_167 : i1 to i32
      %cond3A_169 = arith.constant 0 : i32
      %cond3A_170 = arith.cmpi ne, %convert_element_type3A_168, %cond3A_169 : i32
      scf.if %cond3A_170 {
        "tpu.region"() ({
          %run_scoped3A = tpu.sem_alloc : memref<!tpu.dma_semaphore, #tpu.memory_space<semaphore_mem>>
          %dma_start3A_176 = arith.constant 0 : i32
          %dma_start3A_177 = tpu.memref_slice %arg11[%multiple_of3A, %dma_start3A_176] : memref<10000x128xf32, #tpu.memory_space<vmem_shared>> -> memref<624x128xf32, #tpu.memory_space<vmem_shared>>
          %dma_start3A_178 = arith.constant 0 : i32
          %dma_start3A_179 = tpu.memref_slice %arg2[%multiple_of3A, %dma_start3A_178] : memref<10000x128xf32, #tpu.memory_space<hbm>> -> memref<624x128xf32, #tpu.memory_space<hbm>>
          tpu.enqueue_dma source(%dma_start3A_179 : memref<624x128xf32, #tpu.memory_space<hbm>>) target(%dma_start3A_177 : memref<624x128xf32, #tpu.memory_space<vmem_shared>>) target_semaphore(%run_scoped3A : memref<!tpu.dma_semaphore, #tpu.memory_space<semaphore_mem>>)
          %dma_wait3A_180 = arith.constant 0 : i32
          %dma_wait3A_181 = tpu.memref_slice %arg11[%multiple_of3A, %dma_wait3A_180] : memref<10000x128xf32, #tpu.memory_space<vmem_shared>> -> memref<624x128xf32, #tpu.memory_space<vmem_shared>>
          %dma_wait3A_182 = arith.constant 0 : i32
          %dma_wait3A_183 = tpu.memref_slice %arg2[%multiple_of3A, %dma_wait3A_182] : memref<10000x128xf32, #tpu.memory_space<hbm>> -> memref<624x128xf32, #tpu.memory_space<hbm>>
          tpu.wait_dma2 semaphore(%run_scoped3A : memref<!tpu.dma_semaphore, #tpu.memory_space<semaphore_mem>>) src(%dma_wait3A_183 : memref<624x128xf32, #tpu.memory_space<hbm>>) dst(%dma_wait3A_181 : memref<624x128xf32, #tpu.memory_space<vmem_shared>>)
          tpu.yield
        }) : () -> ()
      } else {
      }
      %ne3A_171 = arith.constant 0 : i32
      %ne3A_172 = arith.cmpi ne, %arg0, %ne3A_171 : i32
      %convert_element_type3A_173 = arith.extui %ne3A_172 : i1 to i32
      %cond3A_174 = arith.constant 0 : i32
      %cond3A_175 = arith.cmpi ne, %convert_element_type3A_173, %cond3A_174 : i32
      scf.if %cond3A_175 {
        "tpu.region"() ({
          %run_scoped3A = tpu.sem_alloc : memref<!tpu.dma_semaphore, #tpu.memory_space<semaphore_mem>>
          %dma_start3A_176 = arith.constant 0 : i32
          %dma_start3A_177 = tpu.memref_slice %arg11[%multiple_of3A, %dma_start3A_176] : memref<10000x128xf32, #tpu.memory_space<vmem_shared>> -> memref<624x128xf32, #tpu.memory_space<vmem_shared>>
          %dma_start3A_178 = arith.constant 0 : i32
          %dma_start3A_179 = tpu.memref_slice %arg5[%multiple_of3A, %dma_start3A_178] : memref<10000x128xf32, #tpu.memory_space<hbm>> -> memref<624x128xf32, #tpu.memory_space<hbm>>
          tpu.enqueue_dma source(%dma_start3A_179 : memref<624x128xf32, #tpu.memory_space<hbm>>) target(%dma_start3A_177 : memref<624x128xf32, #tpu.memory_space<vmem_shared>>) target_semaphore(%run_scoped3A : memref<!tpu.dma_semaphore, #tpu.memory_space<semaphore_mem>>)
          %dma_wait3A_180 = arith.constant 0 : i32
          %dma_wait3A_181 = tpu.memref_slice %arg11[%multiple_of3A, %dma_wait3A_180] : memref<10000x128xf32, #tpu.memory_space<vmem_shared>> -> memref<624x128xf32, #tpu.memory_space<vmem_shared>>
          %dma_wait3A_182 = arith.constant 0 : i32
          %dma_wait3A_183 = tpu.memref_slice %arg5[%multiple_of3A, %dma_wait3A_182] : memref<10000x128xf32, #tpu.memory_space<hbm>> -> memref<624x128xf32, #tpu.memory_space<hbm>>
          tpu.wait_dma2 semaphore(%run_scoped3A : memref<!tpu.dma_semaphore, #tpu.memory_space<semaphore_mem>>) src(%dma_wait3A_183 : memref<624x128xf32, #tpu.memory_space<hbm>>) dst(%dma_wait3A_181 : memref<624x128xf32, #tpu.memory_space<vmem_shared>>)
          tpu.yield
        }) : () -> ()
      } else {
      }
    } else {
    }
    %eq3A = arith.constant 15 : i32
    %eq3A_25 = arith.cmpi eq, %arg1, %eq3A : i32
    %convert_element_type3A_26 = arith.extui %eq3A_25 : i1 to i32
    %cond3A_27 = arith.constant 0 : i32
    %cond3A_28 = arith.cmpi ne, %convert_element_type3A_26, %cond3A_27 : i32
    scf.if %cond3A_28 {
      %eq3A_166 = arith.constant 0 : i32
      %eq3A_167 = arith.cmpi eq, %arg0, %eq3A_166 : i32
      %convert_element_type3A_168 = arith.extui %eq3A_167 : i1 to i32
      %cond3A_169 = arith.constant 0 : i32
      %cond3A_170 = arith.cmpi ne, %convert_element_type3A_168, %cond3A_169 : i32
      scf.if %cond3A_170 {
        "tpu.region"() ({
          %run_scoped3A = tpu.sem_alloc : memref<!tpu.dma_semaphore, #tpu.memory_space<semaphore_mem>>
          %dma_start3A_176 = arith.constant 0 : i32
          %dma_start3A_177 = tpu.memref_slice %arg11[%multiple_of3A, %dma_start3A_176] : memref<10000x128xf32, #tpu.memory_space<vmem_shared>> -> memref<640x128xf32, #tpu.memory_space<vmem_shared>>
          %dma_start3A_178 = arith.constant 0 : i32
          %dma_start3A_179 = tpu.memref_slice %arg2[%multiple_of3A, %dma_start3A_178] : memref<10000x128xf32, #tpu.memory_space<hbm>> -> memref<640x128xf32, #tpu.memory_space<hbm>>
          tpu.enqueue_dma source(%dma_start3A_179 : memref<640x128xf32, #tpu.memory_space<hbm>>) target(%dma_start3A_177 : memref<640x128xf32, #tpu.memory_space<vmem_shared>>) target_semaphore(%run_scoped3A : memref<!tpu.dma_semaphore, #tpu.memory_space<semaphore_mem>>)
          %dma_wait3A_180 = arith.constant 0 : i32
          %dma_wait3A_181 = tpu.memref_slice %arg11[%multiple_of3A, %dma_wait3A_180] : memref<10000x128xf32, #tpu.memory_space<vmem_shared>> -> memref<640x128xf32, #tpu.memory_space<vmem_shared>>
          %dma_wait3A_182 = arith.constant 0 : i32
          %dma_wait3A_183 = tpu.memref_slice %arg2[%multiple_of3A, %dma_wait3A_182] : memref<10000x128xf32, #tpu.memory_space<hbm>> -> memref<640x128xf32, #tpu.memory_space<hbm>>
          tpu.wait_dma2 semaphore(%run_scoped3A : memref<!tpu.dma_semaphore, #tpu.memory_space<semaphore_mem>>) src(%dma_wait3A_183 : memref<640x128xf32, #tpu.memory_space<hbm>>) dst(%dma_wait3A_181 : memref<640x128xf32, #tpu.memory_space<vmem_shared>>)
          tpu.yield
        }) : () -> ()
      } else {
      }
      %ne3A_171 = arith.constant 0 : i32
      %ne3A_172 = arith.cmpi ne, %arg0, %ne3A_171 : i32
      %convert_element_type3A_173 = arith.extui %ne3A_172 : i1 to i32
      %cond3A_174 = arith.constant 0 : i32
      %cond3A_175 = arith.cmpi ne, %convert_element_type3A_173, %cond3A_174 : i32
      scf.if %cond3A_175 {
        "tpu.region"() ({
          %run_scoped3A = tpu.sem_alloc : memref<!tpu.dma_semaphore, #tpu.memory_space<semaphore_mem>>
          %dma_start3A_176 = arith.constant 0 : i32
          %dma_start3A_177 = tpu.memref_slice %arg11[%multiple_of3A, %dma_start3A_176] : memref<10000x128xf32, #tpu.memory_space<vmem_shared>> -> memref<640x128xf32, #tpu.memory_space<vmem_shared>>
          %dma_start3A_178 = arith.constant 0 : i32
          %dma_start3A_179 = tpu.memref_slice %arg5[%multiple_of3A, %dma_start3A_178] : memref<10000x128xf32, #tpu.memory_space<hbm>> -> memref<640x128xf32, #tpu.memory_space<hbm>>
          tpu.enqueue_dma source(%dma_start3A_179 : memref<640x128xf32, #tpu.memory_space<hbm>>) target(%dma_start3A_177 : memref<640x128xf32, #tpu.memory_space<vmem_shared>>) target_semaphore(%run_scoped3A : memref<!tpu.dma_semaphore, #tpu.memory_space<semaphore_mem>>)
          %dma_wait3A_180 = arith.constant 0 : i32
          %dma_wait3A_181 = tpu.memref_slice %arg11[%multiple_of3A, %dma_wait3A_180] : memref<10000x128xf32, #tpu.memory_space<vmem_shared>> -> memref<640x128xf32, #tpu.memory_space<vmem_shared>>
          %dma_wait3A_182 = arith.constant 0 : i32
          %dma_wait3A_183 = tpu.memref_slice %arg5[%multiple_of3A, %dma_wait3A_182] : memref<10000x128xf32, #tpu.memory_space<hbm>> -> memref<640x128xf32, #tpu.memory_space<hbm>>
          tpu.wait_dma2 semaphore(%run_scoped3A : memref<!tpu.dma_semaphore, #tpu.memory_space<semaphore_mem>>) src(%dma_wait3A_183 : memref<640x128xf32, #tpu.memory_space<hbm>>) dst(%dma_wait3A_181 : memref<640x128xf32, #tpu.memory_space<vmem_shared>>)
          tpu.yield
        }) : () -> ()
      } else {
      }
    } else {
    }
    %rem3A_29 = arith.constant 0 : i32
    %rem3A_30 = arith.constant 4 : i32
    %rem3A_31 = arith.remsi %rem3A_29, %rem3A_30 : i32
    %add3A_32 = arith.constant 0 : i32
    %add3A_33 = arith.addi %add3A, %add3A_32 : i32
    %mul3A_34 = arith.constant 128 : i32
    %mul3A_35 = arith.muli %add3A_33, %mul3A_34 : i32
    %multiple_of3A_36 = tpu.assume_multiple %mul3A_35, 8 : i32
    %add3A_37 = arith.constant 0 : i32
    %add3A_38 = arith.addi %add3A, %add3A_37 : i32
    %mul3A_39 = arith.constant 128 : i32
    %mul3A_40 = arith.muli %add3A_38, %mul3A_39 : i32
    %multiple_of3A_41 = tpu.assume_multiple %mul3A_40, 8 : i32
    %dma_start3A = arith.constant 0 : i32
    %dma_start3A_42 = tpu.memref_slice %arg8[%rem3A_31, %dma_start3A] : memref<4x128xi32, #tpu.memory_space<vmem>> -> memref<1x128xi32, #tpu.memory_space<vmem>>
    %dma_start3A_43 = tpu.memref_squeeze %dma_start3A_42 : memref<1x128xi32, #tpu.memory_space<vmem>> -> memref<128xi32, #tpu.memory_space<vmem>>
    %dma_start3A_44 = tpu.memref_slice %arg3[%multiple_of3A_36] : memref<320000xi32, #tpu.memory_space<hbm>> -> memref<128xi32, #tpu.memory_space<hbm>>
    %dma_start3A_45 = tpu.memref_slice %arg12[%rem3A_31] : memref<4x!tpu.dma_semaphore, #tpu.memory_space<semaphore_mem>> -> memref<1x!tpu.dma_semaphore, #tpu.memory_space<semaphore_mem>>
    %dma_start3A_46 = tpu.memref_squeeze %dma_start3A_45 : memref<1x!tpu.dma_semaphore, #tpu.memory_space<semaphore_mem>> -> memref<!tpu.dma_semaphore, #tpu.memory_space<semaphore_mem>>
    %dma_start3A_47 = arith.constant 0 : i32
    %dma_start3A_48 = tpu.memref_slice %arg8[%rem3A_31, %dma_start3A_47] : memref<4x128xi32, #tpu.memory_space<vmem>> -> memref<1x128xi32, #tpu.memory_space<vmem>>
    %dma_start3A_49 = tpu.memref_squeeze %dma_start3A_48 : memref<1x128xi32, #tpu.memory_space<vmem>> -> memref<128xi32, #tpu.memory_space<vmem>>
    %dma_start3A_50 = tpu.memref_slice %arg3[%multiple_of3A_36] : memref<320000xi32, #tpu.memory_space<hbm>> -> memref<128xi32, #tpu.memory_space<hbm>>
    tpu.enqueue_dma source(%dma_start3A_50 : memref<128xi32, #tpu.memory_space<hbm>>) target(%dma_start3A_49 : memref<128xi32, #tpu.memory_space<vmem>>) target_semaphore(%dma_start3A_46 : memref<!tpu.dma_semaphore, #tpu.memory_space<semaphore_mem>>)
    %dma_start3A_51 = arith.constant 0 : i32
    %dma_start3A_52 = tpu.memref_slice %arg9[%rem3A_31, %dma_start3A_51] : memref<4x128xi32, #tpu.memory_space<vmem>> -> memref<1x128xi32, #tpu.memory_space<vmem>>
    %dma_start3A_53 = tpu.memref_squeeze %dma_start3A_52 : memref<1x128xi32, #tpu.memory_space<vmem>> -> memref<128xi32, #tpu.memory_space<vmem>>
    %dma_start3A_54 = tpu.memref_slice %arg4[%multiple_of3A_41] : memref<320000xi32, #tpu.memory_space<hbm>> -> memref<128xi32, #tpu.memory_space<hbm>>
    %dma_start3A_55 = tpu.memref_slice %arg12[%rem3A_31] : memref<4x!tpu.dma_semaphore, #tpu.memory_space<semaphore_mem>> -> memref<1x!tpu.dma_semaphore, #tpu.memory_space<semaphore_mem>>
    %dma_start3A_56 = tpu.memref_squeeze %dma_start3A_55 : memref<1x!tpu.dma_semaphore, #tpu.memory_space<semaphore_mem>> -> memref<!tpu.dma_semaphore, #tpu.memory_space<semaphore_mem>>
    %dma_start3A_57 = arith.constant 0 : i32
    %dma_start3A_58 = tpu.memref_slice %arg9[%rem3A_31, %dma_start3A_57] : memref<4x128xi32, #tpu.memory_space<vmem>> -> memref<1x128xi32, #tpu.memory_space<vmem>>
    %dma_start3A_59 = tpu.memref_squeeze %dma_start3A_58 : memref<1x128xi32, #tpu.memory_space<vmem>> -> memref<128xi32, #tpu.memory_space<vmem>>
    %dma_start3A_60 = tpu.memref_slice %arg4[%multiple_of3A_41] : memref<320000xi32, #tpu.memory_space<hbm>> -> memref<128xi32, #tpu.memory_space<hbm>>
    tpu.enqueue_dma source(%dma_start3A_60 : memref<128xi32, #tpu.memory_space<hbm>>) target(%dma_start3A_59 : memref<128xi32, #tpu.memory_space<vmem>>) target_semaphore(%dma_start3A_56 : memref<!tpu.dma_semaphore, #tpu.memory_space<semaphore_mem>>)
    %gt3A = arith.constant 1 : i32
    %gt3A_61 = arith.cmpi sgt, %add3A_20, %gt3A : i32
    %convert_element_type3A_62 = arith.extui %gt3A_61 : i1 to i32
    %cond3A_63 = arith.constant 0 : i32
    %cond3A_64 = arith.cmpi ne, %convert_element_type3A_62, %cond3A_63 : i32
    scf.if %cond3A_64 {
      %rem3A_166 = arith.constant 1 : i32
      %rem3A_167 = arith.constant 4 : i32
      %rem3A_168 = arith.remsi %rem3A_166, %rem3A_167 : i32
      %add3A_169 = arith.constant 32 : i32
      %add3A_170 = arith.addi %add3A, %add3A_169 : i32
      %mul3A_171 = arith.constant 128 : i32
      %mul3A_172 = arith.muli %add3A_170, %mul3A_171 : i32
      %multiple_of3A_173 = tpu.assume_multiple %mul3A_172, 8 : i32
      %add3A_174 = arith.constant 32 : i32
      %add3A_175 = arith.addi %add3A, %add3A_174 : i32
      %mul3A_176 = arith.constant 128 : i32
      %mul3A_177 = arith.muli %add3A_175, %mul3A_176 : i32
      %multiple_of3A_178 = tpu.assume_multiple %mul3A_177, 8 : i32
      %dma_start3A_179 = arith.constant 0 : i32
      %dma_start3A_180 = tpu.memref_slice %arg8[%rem3A_168, %dma_start3A_179] : memref<4x128xi32, #tpu.memory_space<vmem>> -> memref<1x128xi32, #tpu.memory_space<vmem>>
      %dma_start3A_181 = tpu.memref_squeeze %dma_start3A_180 : memref<1x128xi32, #tpu.memory_space<vmem>> -> memref<128xi32, #tpu.memory_space<vmem>>
      %dma_start3A_182 = tpu.memref_slice %arg3[%multiple_of3A_173] : memref<320000xi32, #tpu.memory_space<hbm>> -> memref<128xi32, #tpu.memory_space<hbm>>
      %dma_start3A_183 = tpu.memref_slice %arg12[%rem3A_168] : memref<4x!tpu.dma_semaphore, #tpu.memory_space<semaphore_mem>> -> memref<1x!tpu.dma_semaphore, #tpu.memory_space<semaphore_mem>>
      %dma_start3A_184 = tpu.memref_squeeze %dma_start3A_183 : memref<1x!tpu.dma_semaphore, #tpu.memory_space<semaphore_mem>> -> memref<!tpu.dma_semaphore, #tpu.memory_space<semaphore_mem>>
      %dma_start3A_185 = arith.constant 0 : i32
      %dma_start3A_186 = tpu.memref_slice %arg8[%rem3A_168, %dma_start3A_185] : memref<4x128xi32, #tpu.memory_space<vmem>> -> memref<1x128xi32, #tpu.memory_space<vmem>>
      %dma_start3A_187 = tpu.memref_squeeze %dma_start3A_186 : memref<1x128xi32, #tpu.memory_space<vmem>> -> memref<128xi32, #tpu.memory_space<vmem>>
      %dma_start3A_188 = tpu.memref_slice %arg3[%multiple_of3A_173] : memref<320000xi32, #tpu.memory_space<hbm>> -> memref<128xi32, #tpu.memory_space<hbm>>
      tpu.enqueue_dma source(%dma_start3A_188 : memref<128xi32, #tpu.memory_space<hbm>>) target(%dma_start3A_187 : memref<128xi32, #tpu.memory_space<vmem>>) target_semaphore(%dma_start3A_184 : memref<!tpu.dma_semaphore, #tpu.memory_space<semaphore_mem>>)
      %dma_start3A_189 = arith.constant 0 : i32
      %dma_start3A_190 = tpu.memref_slice %arg9[%rem3A_168, %dma_start3A_189] : memref<4x128xi32, #tpu.memory_space<vmem>> -> memref<1x128xi32, #tpu.memory_space<vmem>>
      %dma_start3A_191 = tpu.memref_squeeze %dma_start3A_190 : memref<1x128xi32, #tpu.memory_space<vmem>> -> memref<128xi32, #tpu.memory_space<vmem>>
      %dma_start3A_192 = tpu.memref_slice %arg4[%multiple_of3A_178] : memref<320000xi32, #tpu.memory_space<hbm>> -> memref<128xi32, #tpu.memory_space<hbm>>
      %dma_start3A_193 = tpu.memref_slice %arg12[%rem3A_168] : memref<4x!tpu.dma_semaphore, #tpu.memory_space<semaphore_mem>> -> memref<1x!tpu.dma_semaphore, #tpu.memory_space<semaphore_mem>>
      %dma_start3A_194 = tpu.memref_squeeze %dma_start3A_193 : memref<1x!tpu.dma_semaphore, #tpu.memory_space<semaphore_mem>> -> memref<!tpu.dma_semaphore, #tpu.memory_space<semaphore_mem>>
      %dma_start3A_195 = arith.constant 0 : i32
      %dma_start3A_196 = tpu.memref_slice %arg9[%rem3A_168, %dma_start3A_195] : memref<4x128xi32, #tpu.memory_space<vmem>> -> memref<1x128xi32, #tpu.memory_space<vmem>>
      %dma_start3A_197 = tpu.memref_squeeze %dma_start3A_196 : memref<1x128xi32, #tpu.memory_space<vmem>> -> memref<128xi32, #tpu.memory_space<vmem>>
      %dma_start3A_198 = tpu.memref_slice %arg4[%multiple_of3A_178] : memref<320000xi32, #tpu.memory_space<hbm>> -> memref<128xi32, #tpu.memory_space<hbm>>
      tpu.enqueue_dma source(%dma_start3A_198 : memref<128xi32, #tpu.memory_space<hbm>>) target(%dma_start3A_197 : memref<128xi32, #tpu.memory_space<vmem>>) target_semaphore(%dma_start3A_194 : memref<!tpu.dma_semaphore, #tpu.memory_space<semaphore_mem>>)
    } else {
    }
    %gt3A_65 = arith.constant 2 : i32
    %gt3A_66 = arith.cmpi sgt, %add3A_20, %gt3A_65 : i32
    %convert_element_type3A_67 = arith.extui %gt3A_66 : i1 to i32
    %cond3A_68 = arith.constant 0 : i32
    %cond3A_69 = arith.cmpi ne, %convert_element_type3A_67, %cond3A_68 : i32
    scf.if %cond3A_69 {
      %rem3A_166 = arith.constant 2 : i32
      %rem3A_167 = arith.constant 4 : i32
      %rem3A_168 = arith.remsi %rem3A_166, %rem3A_167 : i32
      %add3A_169 = arith.constant 64 : i32
      %add3A_170 = arith.addi %add3A, %add3A_169 : i32
      %mul3A_171 = arith.constant 128 : i32
      %mul3A_172 = arith.muli %add3A_170, %mul3A_171 : i32
      %multiple_of3A_173 = tpu.assume_multiple %mul3A_172, 8 : i32
      %add3A_174 = arith.constant 64 : i32
      %add3A_175 = arith.addi %add3A, %add3A_174 : i32
      %mul3A_176 = arith.constant 128 : i32
      %mul3A_177 = arith.muli %add3A_175, %mul3A_176 : i32
      %multiple_of3A_178 = tpu.assume_multiple %mul3A_177, 8 : i32
      %dma_start3A_179 = arith.constant 0 : i32
      %dma_start3A_180 = tpu.memref_slice %arg8[%rem3A_168, %dma_start3A_179] : memref<4x128xi32, #tpu.memory_space<vmem>> -> memref<1x128xi32, #tpu.memory_space<vmem>>
      %dma_start3A_181 = tpu.memref_squeeze %dma_start3A_180 : memref<1x128xi32, #tpu.memory_space<vmem>> -> memref<128xi32, #tpu.memory_space<vmem>>
      %dma_start3A_182 = tpu.memref_slice %arg3[%multiple_of3A_173] : memref<320000xi32, #tpu.memory_space<hbm>> -> memref<128xi32, #tpu.memory_space<hbm>>
      %dma_start3A_183 = tpu.memref_slice %arg12[%rem3A_168] : memref<4x!tpu.dma_semaphore, #tpu.memory_space<semaphore_mem>> -> memref<1x!tpu.dma_semaphore, #tpu.memory_space<semaphore_mem>>
      %dma_start3A_184 = tpu.memref_squeeze %dma_start3A_183 : memref<1x!tpu.dma_semaphore, #tpu.memory_space<semaphore_mem>> -> memref<!tpu.dma_semaphore, #tpu.memory_space<semaphore_mem>>
      %dma_start3A_185 = arith.constant 0 : i32
      %dma_start3A_186 = tpu.memref_slice %arg8[%rem3A_168, %dma_start3A_185] : memref<4x128xi32, #tpu.memory_space<vmem>> -> memref<1x128xi32, #tpu.memory_space<vmem>>
      %dma_start3A_187 = tpu.memref_squeeze %dma_start3A_186 : memref<1x128xi32, #tpu.memory_space<vmem>> -> memref<128xi32, #tpu.memory_space<vmem>>
      %dma_start3A_188 = tpu.memref_slice %arg3[%multiple_of3A_173] : memref<320000xi32, #tpu.memory_space<hbm>> -> memref<128xi32, #tpu.memory_space<hbm>>
      tpu.enqueue_dma source(%dma_start3A_188 : memref<128xi32, #tpu.memory_space<hbm>>) target(%dma_start3A_187 : memref<128xi32, #tpu.memory_space<vmem>>) target_semaphore(%dma_start3A_184 : memref<!tpu.dma_semaphore, #tpu.memory_space<semaphore_mem>>)
      %dma_start3A_189 = arith.constant 0 : i32
      %dma_start3A_190 = tpu.memref_slice %arg9[%rem3A_168, %dma_start3A_189] : memref<4x128xi32, #tpu.memory_space<vmem>> -> memref<1x128xi32, #tpu.memory_space<vmem>>
      %dma_start3A_191 = tpu.memref_squeeze %dma_start3A_190 : memref<1x128xi32, #tpu.memory_space<vmem>> -> memref<128xi32, #tpu.memory_space<vmem>>
      %dma_start3A_192 = tpu.memref_slice %arg4[%multiple_of3A_178] : memref<320000xi32, #tpu.memory_space<hbm>> -> memref<128xi32, #tpu.memory_space<hbm>>
      %dma_start3A_193 = tpu.memref_slice %arg12[%rem3A_168] : memref<4x!tpu.dma_semaphore, #tpu.memory_space<semaphore_mem>> -> memref<1x!tpu.dma_semaphore, #tpu.memory_space<semaphore_mem>>
      %dma_start3A_194 = tpu.memref_squeeze %dma_start3A_193 : memref<1x!tpu.dma_semaphore, #tpu.memory_space<semaphore_mem>> -> memref<!tpu.dma_semaphore, #tpu.memory_space<semaphore_mem>>
      %dma_start3A_195 = arith.constant 0 : i32
      %dma_start3A_196 = tpu.memref_slice %arg9[%rem3A_168, %dma_start3A_195] : memref<4x128xi32, #tpu.memory_space<vmem>> -> memref<1x128xi32, #tpu.memory_space<vmem>>
      %dma_start3A_197 = tpu.memref_squeeze %dma_start3A_196 : memref<1x128xi32, #tpu.memory_space<vmem>> -> memref<128xi32, #tpu.memory_space<vmem>>
      %dma_start3A_198 = tpu.memref_slice %arg4[%multiple_of3A_178] : memref<320000xi32, #tpu.memory_space<hbm>> -> memref<128xi32, #tpu.memory_space<hbm>>
      tpu.enqueue_dma source(%dma_start3A_198 : memref<128xi32, #tpu.memory_space<hbm>>) target(%dma_start3A_197 : memref<128xi32, #tpu.memory_space<vmem>>) target_semaphore(%dma_start3A_194 : memref<!tpu.dma_semaphore, #tpu.memory_space<semaphore_mem>>)
    } else {
    }
    %rem3A_70 = arith.constant 0 : i32
    %rem3A_71 = arith.constant 4 : i32
    %rem3A_72 = arith.remsi %rem3A_70, %rem3A_71 : i32
    %add3A_73 = arith.constant 0 : i32
    %add3A_74 = arith.addi %add3A, %add3A_73 : i32
    %mul3A_75 = arith.constant 128 : i32
    %mul3A_76 = arith.muli %add3A_74, %mul3A_75 : i32
    %multiple_of3A_77 = tpu.assume_multiple %mul3A_76, 8 : i32
    %add3A_78 = arith.constant 0 : i32
    %add3A_79 = arith.addi %add3A, %add3A_78 : i32
    %mul3A_80 = arith.constant 128 : i32
    %mul3A_81 = arith.muli %add3A_79, %mul3A_80 : i32
    %multiple_of3A_82 = tpu.assume_multiple %mul3A_81, 8 : i32
    %dma_wait3A = arith.constant 0 : i32
    %dma_wait3A_83 = tpu.memref_slice %arg8[%rem3A_72, %dma_wait3A] : memref<4x128xi32, #tpu.memory_space<vmem>> -> memref<1x128xi32, #tpu.memory_space<vmem>>
    %dma_wait3A_84 = tpu.memref_squeeze %dma_wait3A_83 : memref<1x128xi32, #tpu.memory_space<vmem>> -> memref<128xi32, #tpu.memory_space<vmem>>
    %dma_wait3A_85 = tpu.memref_slice %arg3[%multiple_of3A_77] : memref<320000xi32, #tpu.memory_space<hbm>> -> memref<128xi32, #tpu.memory_space<hbm>>
    %dma_wait3A_86 = tpu.memref_slice %arg12[%rem3A_72] : memref<4x!tpu.dma_semaphore, #tpu.memory_space<semaphore_mem>> -> memref<1x!tpu.dma_semaphore, #tpu.memory_space<semaphore_mem>>
    %dma_wait3A_87 = tpu.memref_squeeze %dma_wait3A_86 : memref<1x!tpu.dma_semaphore, #tpu.memory_space<semaphore_mem>> -> memref<!tpu.dma_semaphore, #tpu.memory_space<semaphore_mem>>
    %dma_wait3A_88 = arith.constant 0 : i32
    %dma_wait3A_89 = tpu.memref_slice %arg8[%rem3A_72, %dma_wait3A_88] : memref<4x128xi32, #tpu.memory_space<vmem>> -> memref<1x128xi32, #tpu.memory_space<vmem>>
    %dma_wait3A_90 = tpu.memref_squeeze %dma_wait3A_89 : memref<1x128xi32, #tpu.memory_space<vmem>> -> memref<128xi32, #tpu.memory_space<vmem>>
    %dma_wait3A_91 = tpu.memref_slice %arg3[%multiple_of3A_77] : memref<320000xi32, #tpu.memory_space<hbm>> -> memref<128xi32, #tpu.memory_space<hbm>>
    tpu.wait_dma2 semaphore(%dma_wait3A_87 : memref<!tpu.dma_semaphore, #tpu.memory_space<semaphore_mem>>) src(%dma_wait3A_91 : memref<128xi32, #tpu.memory_space<hbm>>) dst(%dma_wait3A_90 : memref<128xi32, #tpu.memory_space<vmem>>)
    %dma_wait3A_92 = arith.constant 0 : i32
    %dma_wait3A_93 = tpu.memref_slice %arg9[%rem3A_72, %dma_wait3A_92] : memref<4x128xi32, #tpu.memory_space<vmem>> -> memref<1x128xi32, #tpu.memory_space<vmem>>
    %dma_wait3A_94 = tpu.memref_squeeze %dma_wait3A_93 : memref<1x128xi32, #tpu.memory_space<vmem>> -> memref<128xi32, #tpu.memory_space<vmem>>
    %dma_wait3A_95 = tpu.memref_slice %arg4[%multiple_of3A_82] : memref<320000xi32, #tpu.memory_space<hbm>> -> memref<128xi32, #tpu.memory_space<hbm>>
    %dma_wait3A_96 = tpu.memref_slice %arg12[%rem3A_72] : memref<4x!tpu.dma_semaphore, #tpu.memory_space<semaphore_mem>> -> memref<1x!tpu.dma_semaphore, #tpu.memory_space<semaphore_mem>>
    %dma_wait3A_97 = tpu.memref_squeeze %dma_wait3A_96 : memref<1x!tpu.dma_semaphore, #tpu.memory_space<semaphore_mem>> -> memref<!tpu.dma_semaphore, #tpu.memory_space<semaphore_mem>>
    %dma_wait3A_98 = arith.constant 0 : i32
    %dma_wait3A_99 = tpu.memref_slice %arg9[%rem3A_72, %dma_wait3A_98] : memref<4x128xi32, #tpu.memory_space<vmem>> -> memref<1x128xi32, #tpu.memory_space<vmem>>
    %dma_wait3A_100 = tpu.memref_squeeze %dma_wait3A_99 : memref<1x128xi32, #tpu.memory_space<vmem>> -> memref<128xi32, #tpu.memory_space<vmem>>
    %dma_wait3A_101 = tpu.memref_slice %arg4[%multiple_of3A_82] : memref<320000xi32, #tpu.memory_space<hbm>> -> memref<128xi32, #tpu.memory_space<hbm>>
    tpu.wait_dma2 semaphore(%dma_wait3A_97 : memref<!tpu.dma_semaphore, #tpu.memory_space<semaphore_mem>>) src(%dma_wait3A_101 : memref<128xi32, #tpu.memory_space<hbm>>) dst(%dma_wait3A_100 : memref<128xi32, #tpu.memory_space<vmem>>)
    %rem3A_102 = arith.constant 0 : i32
    %rem3A_103 = arith.constant 4 : i32
    %rem3A_104 = arith.remsi %rem3A_102, %rem3A_103 : i32
    %rem3A_105 = arith.constant 0 : i32
    %rem3A_106 = arith.constant 3 : i32
    %rem3A_107 = arith.remsi %rem3A_105, %rem3A_106 : i32
    %rem3A_108 = arith.constant 0 : i32
    %rem3A_109 = arith.constant 3 : i32
    %rem3A_110 = arith.remsi %rem3A_108, %rem3A_109 : i32
    %dma_start3A_111 = arith.constant 0 : i32
    %dma_start3A_112 = arith.constant 0 : i32
    %dma_start3A_113 = tpu.memref_slice %arg10[%rem3A_107, %dma_start3A_111, %dma_start3A_112] : memref<3x128x128xf32, #tpu.memory_space<vmem>> -> memref<1x128x128xf32, #tpu.memory_space<vmem>>
    %dma_start3A_114 = tpu.memref_squeeze %dma_start3A_113 : memref<1x128x128xf32, #tpu.memory_space<vmem>> -> memref<128x128xf32, #tpu.memory_space<vmem>>
    %dma_start3A_115 = arith.constant 0 : i32
    %dma_start3A_116 = tpu.memref_slice %arg8[%rem3A_104, %dma_start3A_115] : memref<4x128xi32, #tpu.memory_space<vmem>> -> memref<1x128xi32, #tpu.memory_space<vmem>>
    %dma_start3A_117 = tpu.memref_squeeze %dma_start3A_116 : memref<1x128xi32, #tpu.memory_space<vmem>> -> memref<128xi32, #tpu.memory_space<vmem>>
    %dma_start3A_118 = arith.constant 0 : i32
    %dma_start3A_119 = arith.constant 0 : i32
    %dma_start3A_120 = tpu.memref_slice %arg2[%dma_start3A_118, %dma_start3A_119] : memref<10000x128xf32, #tpu.memory_space<hbm>> -> memref<10000x128xf32, #tpu.memory_space<hbm>>
    %dma_start3A_121 = tpu.memref_slice %arg13[%rem3A_110] : memref<3x!tpu.dma_semaphore, #tpu.memory_space<semaphore_mem>> -> memref<1x!tpu.dma_semaphore, #tpu.memory_space<semaphore_mem>>
    %dma_start3A_122 = tpu.memref_squeeze %dma_start3A_121 : memref<1x!tpu.dma_semaphore, #tpu.memory_space<semaphore_mem>> -> memref<!tpu.dma_semaphore, #tpu.memory_space<semaphore_mem>>
    tpu.enqueue_indirect_dma source(%dma_start3A_120 : memref<10000x128xf32, #tpu.memory_space<hbm>>) target(%dma_start3A_114 : memref<128x128xf32, #tpu.memory_space<vmem>>) offsets(%dma_start3A_117 : memref<128xi32, #tpu.memory_space<vmem>>) semaphore(%dma_start3A_122 : memref<!tpu.dma_semaphore, #tpu.memory_space<semaphore_mem>>)
    %gt3A_123 = arith.constant 1 : i32
    %gt3A_124 = arith.cmpi sgt, %add3A_20, %gt3A_123 : i32
    %convert_element_type3A_125 = arith.extui %gt3A_124 : i1 to i32
    %cond3A_126 = arith.constant 0 : i32
    %cond3A_127 = arith.cmpi ne, %convert_element_type3A_125, %cond3A_126 : i32
    scf.if %cond3A_127 {
      %rem3A_166 = arith.constant 1 : i32
      %rem3A_167 = arith.constant 4 : i32
      %rem3A_168 = arith.remsi %rem3A_166, %rem3A_167 : i32
      %add3A_169 = arith.constant 32 : i32
      %add3A_170 = arith.addi %add3A, %add3A_169 : i32
      %mul3A_171 = arith.constant 128 : i32
      %mul3A_172 = arith.muli %add3A_170, %mul3A_171 : i32
      %multiple_of3A_173 = tpu.assume_multiple %mul3A_172, 8 : i32
      %add3A_174 = arith.constant 32 : i32
      %add3A_175 = arith.addi %add3A, %add3A_174 : i32
      %mul3A_176 = arith.constant 128 : i32
      %mul3A_177 = arith.muli %add3A_175, %mul3A_176 : i32
      %multiple_of3A_178 = tpu.assume_multiple %mul3A_177, 8 : i32
      %dma_wait3A_179 = arith.constant 0 : i32
      %dma_wait3A_180 = tpu.memref_slice %arg8[%rem3A_168, %dma_wait3A_179] : memref<4x128xi32, #tpu.memory_space<vmem>> -> memref<1x128xi32, #tpu.memory_space<vmem>>
      %dma_wait3A_181 = tpu.memref_squeeze %dma_wait3A_180 : memref<1x128xi32, #tpu.memory_space<vmem>> -> memref<128xi32, #tpu.memory_space<vmem>>
      %dma_wait3A_182 = tpu.memref_slice %arg3[%multiple_of3A_173] : memref<320000xi32, #tpu.memory_space<hbm>> -> memref<128xi32, #tpu.memory_space<hbm>>
      %dma_wait3A_183 = tpu.memref_slice %arg12[%rem3A_168] : memref<4x!tpu.dma_semaphore, #tpu.memory_space<semaphore_mem>> -> memref<1x!tpu.dma_semaphore, #tpu.memory_space<semaphore_mem>>
      %dma_wait3A_184 = tpu.memref_squeeze %dma_wait3A_183 : memref<1x!tpu.dma_semaphore, #tpu.memory_space<semaphore_mem>> -> memref<!tpu.dma_semaphore, #tpu.memory_space<semaphore_mem>>
      %dma_wait3A_185 = arith.constant 0 : i32
      %dma_wait3A_186 = tpu.memref_slice %arg8[%rem3A_168, %dma_wait3A_185] : memref<4x128xi32, #tpu.memory_space<vmem>> -> memref<1x128xi32, #tpu.memory_space<vmem>>
      %dma_wait3A_187 = tpu.memref_squeeze %dma_wait3A_186 : memref<1x128xi32, #tpu.memory_space<vmem>> -> memref<128xi32, #tpu.memory_space<vmem>>
      %dma_wait3A_188 = tpu.memref_slice %arg3[%multiple_of3A_173] : memref<320000xi32, #tpu.memory_space<hbm>> -> memref<128xi32, #tpu.memory_space<hbm>>
      tpu.wait_dma2 semaphore(%dma_wait3A_184 : memref<!tpu.dma_semaphore, #tpu.memory_space<semaphore_mem>>) src(%dma_wait3A_188 : memref<128xi32, #tpu.memory_space<hbm>>) dst(%dma_wait3A_187 : memref<128xi32, #tpu.memory_space<vmem>>)
      %dma_wait3A_189 = arith.constant 0 : i32
      %dma_wait3A_190 = tpu.memref_slice %arg9[%rem3A_168, %dma_wait3A_189] : memref<4x128xi32, #tpu.memory_space<vmem>> -> memref<1x128xi32, #tpu.memory_space<vmem>>
      %dma_wait3A_191 = tpu.memref_squeeze %dma_wait3A_190 : memref<1x128xi32, #tpu.memory_space<vmem>> -> memref<128xi32, #tpu.memory_space<vmem>>
      %dma_wait3A_192 = tpu.memref_slice %arg4[%multiple_of3A_178] : memref<320000xi32, #tpu.memory_space<hbm>> -> memref<128xi32, #tpu.memory_space<hbm>>
      %dma_wait3A_193 = tpu.memref_slice %arg12[%rem3A_168] : memref<4x!tpu.dma_semaphore, #tpu.memory_space<semaphore_mem>> -> memref<1x!tpu.dma_semaphore, #tpu.memory_space<semaphore_mem>>
      %dma_wait3A_194 = tpu.memref_squeeze %dma_wait3A_193 : memref<1x!tpu.dma_semaphore, #tpu.memory_space<semaphore_mem>> -> memref<!tpu.dma_semaphore, #tpu.memory_space<semaphore_mem>>
      %dma_wait3A_195 = arith.constant 0 : i32
      %dma_wait3A_196 = tpu.memref_slice %arg9[%rem3A_168, %dma_wait3A_195] : memref<4x128xi32, #tpu.memory_space<vmem>> -> memref<1x128xi32, #tpu.memory_space<vmem>>
      %dma_wait3A_197 = tpu.memref_squeeze %dma_wait3A_196 : memref<1x128xi32, #tpu.memory_space<vmem>> -> memref<128xi32, #tpu.memory_space<vmem>>
      %dma_wait3A_198 = tpu.memref_slice %arg4[%multiple_of3A_178] : memref<320000xi32, #tpu.memory_space<hbm>> -> memref<128xi32, #tpu.memory_space<hbm>>
      tpu.wait_dma2 semaphore(%dma_wait3A_194 : memref<!tpu.dma_semaphore, #tpu.memory_space<semaphore_mem>>) src(%dma_wait3A_198 : memref<128xi32, #tpu.memory_space<hbm>>) dst(%dma_wait3A_197 : memref<128xi32, #tpu.memory_space<vmem>>)
      %rem3A_199 = arith.constant 1 : i32
      %rem3A_200 = arith.constant 4 : i32
      %rem3A_201 = arith.remsi %rem3A_199, %rem3A_200 : i32
      %rem3A_202 = arith.constant 1 : i32
      %rem3A_203 = arith.constant 3 : i32
      %rem3A_204 = arith.remsi %rem3A_202, %rem3A_203 : i32
      %rem3A_205 = arith.constant 1 : i32
      %rem3A_206 = arith.constant 3 : i32
      %rem3A_207 = arith.remsi %rem3A_205, %rem3A_206 : i32
      %dma_start3A_208 = arith.constant 0 : i32
      %dma_start3A_209 = arith.constant 0 : i32
      %dma_start3A_210 = tpu.memref_slice %arg10[%rem3A_204, %dma_start3A_208, %dma_start3A_209] : memref<3x128x128xf32, #tpu.memory_space<vmem>> -> memref<1x128x128xf32, #tpu.memory_space<vmem>>
      %dma_start3A_211 = tpu.memref_squeeze %dma_start3A_210 : memref<1x128x128xf32, #tpu.memory_space<vmem>> -> memref<128x128xf32, #tpu.memory_space<vmem>>
      %dma_start3A_212 = arith.constant 0 : i32
      %dma_start3A_213 = tpu.memref_slice %arg8[%rem3A_201, %dma_start3A_212] : memref<4x128xi32, #tpu.memory_space<vmem>> -> memref<1x128xi32, #tpu.memory_space<vmem>>
      %dma_start3A_214 = tpu.memref_squeeze %dma_start3A_213 : memref<1x128xi32, #tpu.memory_space<vmem>> -> memref<128xi32, #tpu.memory_space<vmem>>
      %dma_start3A_215 = arith.constant 0 : i32
      %dma_start3A_216 = arith.constant 0 : i32
      %dma_start3A_217 = tpu.memref_slice %arg2[%dma_start3A_215, %dma_start3A_216] : memref<10000x128xf32, #tpu.memory_space<hbm>> -> memref<10000x128xf32, #tpu.memory_space<hbm>>
      %dma_start3A_218 = tpu.memref_slice %arg13[%rem3A_207] : memref<3x!tpu.dma_semaphore, #tpu.memory_space<semaphore_mem>> -> memref<1x!tpu.dma_semaphore, #tpu.memory_space<semaphore_mem>>
      %dma_start3A_219 = tpu.memref_squeeze %dma_start3A_218 : memref<1x!tpu.dma_semaphore, #tpu.memory_space<semaphore_mem>> -> memref<!tpu.dma_semaphore, #tpu.memory_space<semaphore_mem>>
      tpu.enqueue_indirect_dma source(%dma_start3A_217 : memref<10000x128xf32, #tpu.memory_space<hbm>>) target(%dma_start3A_211 : memref<128x128xf32, #tpu.memory_space<vmem>>) offsets(%dma_start3A_214 : memref<128xi32, #tpu.memory_space<vmem>>) semaphore(%dma_start3A_219 : memref<!tpu.dma_semaphore, #tpu.memory_space<semaphore_mem>>)
    } else {
    }
    %barrier3A = arith.constant 0 : index
    tpu.barrier barrier_id(%barrier3A)
    %scan3A = arith.constant 0 : i32
    %scan3A_128 = arith.constant 79 : i32
    %scan3A_129 = arith.addi %scan3A, %scan3A_128 : i32
    %scan3A_130 = arith.constant 1 : i32
    scf.for %scan3A_166 = %scan3A to %scan3A_129 step %scan3A_130  : i32 {
      %mul3A_167 = arith.constant 1 : i32
      %mul3A_168 = arith.muli %scan3A_166, %mul3A_167 : i32
      %add3A_169 = arith.constant 0 : i32
      %add3A_170 = arith.addi %add3A_169, %mul3A_168 : i32
      %lt3A_171 = arith.cmpi slt, %add3A_170, %add3A_20 : i32
      %convert_element_type3A_172 = arith.extui %lt3A_171 : i1 to i32
      %cond3A_173 = arith.constant 0 : i32
      %cond3A_174 = arith.cmpi ne, %convert_element_type3A_172, %cond3A_173 : i32
      scf.if %cond3A_174 {
        %ge3A = arith.constant 1 : i32
        %ge3A_175 = arith.cmpi sge, %add3A_170, %ge3A : i32
        %convert_element_type3A_176 = arith.extui %ge3A_175 : i1 to i32
        %cond3A_177 = arith.constant 0 : i32
        %cond3A_178 = arith.cmpi ne, %convert_element_type3A_176, %cond3A_177 : i32
        scf.if %cond3A_178 {
          %sub3A_227 = arith.constant 1 : i32
          %sub3A_228 = arith.subi %add3A_170, %sub3A_227 : i32
          %rem3A_229 = arith.constant 3 : i32
          %rem3A_230 = arith.remsi %sub3A_228, %rem3A_229 : i32
          %rem3A_231 = arith.constant 4 : i32
          %rem3A_232 = arith.remsi %sub3A_228, %rem3A_231 : i32
          %rem3A_233 = arith.constant 2 : i32
          %rem3A_234 = arith.remsi %sub3A_228, %rem3A_233 : i32
          %dma_wait3A_235 = arith.constant 0 : i32
          %dma_wait3A_236 = arith.constant 0 : i32
          %dma_wait3A_237 = tpu.memref_slice %arg10[%rem3A_230, %dma_wait3A_235, %dma_wait3A_236] : memref<3x128x128xf32, #tpu.memory_space<vmem>> -> memref<1x128x128xf32, #tpu.memory_space<vmem>>
          %dma_wait3A_238 = tpu.memref_squeeze %dma_wait3A_237 : memref<1x128x128xf32, #tpu.memory_space<vmem>> -> memref<128x128xf32, #tpu.memory_space<vmem>>
          %dma_wait3A_239 = arith.constant 0 : i32
          %dma_wait3A_240 = tpu.memref_slice %arg9[%rem3A_232, %dma_wait3A_239] : memref<4x128xi32, #tpu.memory_space<vmem>> -> memref<1x128xi32, #tpu.memory_space<vmem>>
          %dma_wait3A_241 = tpu.memref_squeeze %dma_wait3A_240 : memref<1x128xi32, #tpu.memory_space<vmem>> -> memref<128xi32, #tpu.memory_space<vmem>>
          %dma_wait3A_242 = arith.constant 0 : i32
          %dma_wait3A_243 = arith.constant 0 : i32
          %dma_wait3A_244 = tpu.memref_slice %arg11[%dma_wait3A_242, %dma_wait3A_243] : memref<10000x128xf32, #tpu.memory_space<vmem_shared>> -> memref<10000x128xf32, #tpu.memory_space<vmem_shared>>
          %dma_wait3A_245 = tpu.memref_slice %arg14[%rem3A_234] : memref<2x!tpu.dma_semaphore, #tpu.memory_space<semaphore_mem>> -> memref<1x!tpu.dma_semaphore, #tpu.memory_space<semaphore_mem>>
          %dma_wait3A_246 = tpu.memref_squeeze %dma_wait3A_245 : memref<1x!tpu.dma_semaphore, #tpu.memory_space<semaphore_mem>> -> memref<!tpu.dma_semaphore, #tpu.memory_space<semaphore_mem>>
          tpu.wait_indirect_dma semaphore(%dma_wait3A_246 : memref<!tpu.dma_semaphore, #tpu.memory_space<semaphore_mem>>) src(%dma_wait3A_238 : memref<128x128xf32, #tpu.memory_space<vmem>>) dst(%dma_wait3A_244 : memref<10000x128xf32, #tpu.memory_space<vmem_shared>>)
        } else {
        }
        %add3A_179 = arith.constant 3 : i32
        %add3A_180 = arith.addi %add3A_170, %add3A_179 : i32
        %lt3A_181 = arith.cmpi slt, %add3A_180, %add3A_20 : i32
        %convert_element_type3A_182 = arith.extui %lt3A_181 : i1 to i32
        %cond3A_183 = arith.constant 0 : i32
        %cond3A_184 = arith.cmpi ne, %convert_element_type3A_182, %cond3A_183 : i32
        scf.if %cond3A_184 {
          %add3A_227 = arith.constant 3 : i32
          %add3A_228 = arith.addi %add3A_170, %add3A_227 : i32
          %rem3A_229 = arith.constant 4 : i32
          %rem3A_230 = arith.remsi %add3A_228, %rem3A_229 : i32
          %mul3A_231 = arith.constant 32 : i32
          %mul3A_232 = arith.muli %add3A_228, %mul3A_231 : i32
          %add3A_233 = arith.addi %add3A, %mul3A_232 : i32
          %mul3A_234 = arith.constant 128 : i32
          %mul3A_235 = arith.muli %add3A_233, %mul3A_234 : i32
          %multiple_of3A_236 = tpu.assume_multiple %mul3A_235, 8 : i32
          %mul3A_237 = arith.constant 32 : i32
          %mul3A_238 = arith.muli %add3A_228, %mul3A_237 : i32
          %add3A_239 = arith.addi %add3A, %mul3A_238 : i32
          %mul3A_240 = arith.constant 128 : i32
          %mul3A_241 = arith.muli %add3A_239, %mul3A_240 : i32
          %multiple_of3A_242 = tpu.assume_multiple %mul3A_241, 8 : i32
          %dma_start3A_243 = arith.constant 0 : i32
          %dma_start3A_244 = tpu.memref_slice %arg8[%rem3A_230, %dma_start3A_243] : memref<4x128xi32, #tpu.memory_space<vmem>> -> memref<1x128xi32, #tpu.memory_space<vmem>>
          %dma_start3A_245 = tpu.memref_squeeze %dma_start3A_244 : memref<1x128xi32, #tpu.memory_space<vmem>> -> memref<128xi32, #tpu.memory_space<vmem>>
          %dma_start3A_246 = tpu.memref_slice %arg3[%multiple_of3A_236] : memref<320000xi32, #tpu.memory_space<hbm>> -> memref<128xi32, #tpu.memory_space<hbm>>
          %dma_start3A_247 = tpu.memref_slice %arg12[%rem3A_230] : memref<4x!tpu.dma_semaphore, #tpu.memory_space<semaphore_mem>> -> memref<1x!tpu.dma_semaphore, #tpu.memory_space<semaphore_mem>>
          %dma_start3A_248 = tpu.memref_squeeze %dma_start3A_247 : memref<1x!tpu.dma_semaphore, #tpu.memory_space<semaphore_mem>> -> memref<!tpu.dma_semaphore, #tpu.memory_space<semaphore_mem>>
          %dma_start3A_249 = arith.constant 0 : i32
          %dma_start3A_250 = tpu.memref_slice %arg8[%rem3A_230, %dma_start3A_249] : memref<4x128xi32, #tpu.memory_space<vmem>> -> memref<1x128xi32, #tpu.memory_space<vmem>>
          %dma_start3A_251 = tpu.memref_squeeze %dma_start3A_250 : memref<1x128xi32, #tpu.memory_space<vmem>> -> memref<128xi32, #tpu.memory_space<vmem>>
          %dma_start3A_252 = tpu.memref_slice %arg3[%multiple_of3A_236] : memref<320000xi32, #tpu.memory_space<hbm>> -> memref<128xi32, #tpu.memory_space<hbm>>
          tpu.enqueue_dma source(%dma_start3A_252 : memref<128xi32, #tpu.memory_space<hbm>>) target(%dma_start3A_251 : memref<128xi32, #tpu.memory_space<vmem>>) target_semaphore(%dma_start3A_248 : memref<!tpu.dma_semaphore, #tpu.memory_space<semaphore_mem>>)
          %dma_start3A_253 = arith.constant 0 : i32
          %dma_start3A_254 = tpu.memref_slice %arg9[%rem3A_230, %dma_start3A_253] : memref<4x128xi32, #tpu.memory_space<vmem>> -> memref<1x128xi32, #tpu.memory_space<vmem>>
          %dma_start3A_255 = tpu.memref_squeeze %dma_start3A_254 : memref<1x128xi32, #tpu.memory_space<vmem>> -> memref<128xi32, #tpu.memory_space<vmem>>
          %dma_start3A_256 = tpu.memref_slice %arg4[%multiple_of3A_242] : memref<320000xi32, #tpu.memory_space<hbm>> -> memref<128xi32, #tpu.memory_space<hbm>>
          %dma_start3A_257 = tpu.memref_slice %arg12[%rem3A_230] : memref<4x!tpu.dma_semaphore, #tpu.memory_space<semaphore_mem>> -> memref<1x!tpu.dma_semaphore, #tpu.memory_space<semaphore_mem>>
          %dma_start3A_258 = tpu.memref_squeeze %dma_start3A_257 : memref<1x!tpu.dma_semaphore, #tpu.memory_space<semaphore_mem>> -> memref<!tpu.dma_semaphore, #tpu.memory_space<semaphore_mem>>
          %dma_start3A_259 = arith.constant 0 : i32
          %dma_start3A_260 = tpu.memref_slice %arg9[%rem3A_230, %dma_start3A_259] : memref<4x128xi32, #tpu.memory_space<vmem>> -> memref<1x128xi32, #tpu.memory_space<vmem>>
          %dma_start3A_261 = tpu.memref_squeeze %dma_start3A_260 : memref<1x128xi32, #tpu.memory_space<vmem>> -> memref<128xi32, #tpu.memory_space<vmem>>
          %dma_start3A_262 = tpu.memref_slice %arg4[%multiple_of3A_242] : memref<320000xi32, #tpu.memory_space<hbm>> -> memref<128xi32, #tpu.memory_space<hbm>>
          tpu.enqueue_dma source(%dma_start3A_262 : memref<128xi32, #tpu.memory_space<hbm>>) target(%dma_start3A_261 : memref<128xi32, #tpu.memory_space<vmem>>) target_semaphore(%dma_start3A_258 : memref<!tpu.dma_semaphore, #tpu.memory_space<semaphore_mem>>)
        } else {
        }
        %add3A_185 = arith.constant 2 : i32
        %add3A_186 = arith.addi %add3A_170, %add3A_185 : i32
        %lt3A_187 = arith.cmpi slt, %add3A_186, %add3A_20 : i32
        %convert_element_type3A_188 = arith.extui %lt3A_187 : i1 to i32
        %cond3A_189 = arith.constant 0 : i32
        %cond3A_190 = arith.cmpi ne, %convert_element_type3A_188, %cond3A_189 : i32
        scf.if %cond3A_190 {
          %add3A_227 = arith.constant 2 : i32
          %add3A_228 = arith.addi %add3A_170, %add3A_227 : i32
          %rem3A_229 = arith.constant 4 : i32
          %rem3A_230 = arith.remsi %add3A_228, %rem3A_229 : i32
          %mul3A_231 = arith.constant 32 : i32
          %mul3A_232 = arith.muli %add3A_228, %mul3A_231 : i32
          %add3A_233 = arith.addi %add3A, %mul3A_232 : i32
          %mul3A_234 = arith.constant 128 : i32
          %mul3A_235 = arith.muli %add3A_233, %mul3A_234 : i32
          %multiple_of3A_236 = tpu.assume_multiple %mul3A_235, 8 : i32
          %mul3A_237 = arith.constant 32 : i32
          %mul3A_238 = arith.muli %add3A_228, %mul3A_237 : i32
          %add3A_239 = arith.addi %add3A, %mul3A_238 : i32
          %mul3A_240 = arith.constant 128 : i32
          %mul3A_241 = arith.muli %add3A_239, %mul3A_240 : i32
          %multiple_of3A_242 = tpu.assume_multiple %mul3A_241, 8 : i32
          %dma_wait3A_243 = arith.constant 0 : i32
          %dma_wait3A_244 = tpu.memref_slice %arg8[%rem3A_230, %dma_wait3A_243] : memref<4x128xi32, #tpu.memory_space<vmem>> -> memref<1x128xi32, #tpu.memory_space<vmem>>
          %dma_wait3A_245 = tpu.memref_squeeze %dma_wait3A_244 : memref<1x128xi32, #tpu.memory_space<vmem>> -> memref<128xi32, #tpu.memory_space<vmem>>
          %dma_wait3A_246 = tpu.memref_slice %arg3[%multiple_of3A_236] : memref<320000xi32, #tpu.memory_space<hbm>> -> memref<128xi32, #tpu.memory_space<hbm>>
          %dma_wait3A_247 = tpu.memref_slice %arg12[%rem3A_230] : memref<4x!tpu.dma_semaphore, #tpu.memory_space<semaphore_mem>> -> memref<1x!tpu.dma_semaphore, #tpu.memory_space<semaphore_mem>>
          %dma_wait3A_248 = tpu.memref_squeeze %dma_wait3A_247 : memref<1x!tpu.dma_semaphore, #tpu.memory_space<semaphore_mem>> -> memref<!tpu.dma_semaphore, #tpu.memory_space<semaphore_mem>>
          %dma_wait3A_249 = arith.constant 0 : i32
          %dma_wait3A_250 = tpu.memref_slice %arg8[%rem3A_230, %dma_wait3A_249] : memref<4x128xi32, #tpu.memory_space<vmem>> -> memref<1x128xi32, #tpu.memory_space<vmem>>
          %dma_wait3A_251 = tpu.memref_squeeze %dma_wait3A_250 : memref<1x128xi32, #tpu.memory_space<vmem>> -> memref<128xi32, #tpu.memory_space<vmem>>
          %dma_wait3A_252 = tpu.memref_slice %arg3[%multiple_of3A_236] : memref<320000xi32, #tpu.memory_space<hbm>> -> memref<128xi32, #tpu.memory_space<hbm>>
          tpu.wait_dma2 semaphore(%dma_wait3A_248 : memref<!tpu.dma_semaphore, #tpu.memory_space<semaphore_mem>>) src(%dma_wait3A_252 : memref<128xi32, #tpu.memory_space<hbm>>) dst(%dma_wait3A_251 : memref<128xi32, #tpu.memory_space<vmem>>)
          %dma_wait3A_253 = arith.constant 0 : i32
          %dma_wait3A_254 = tpu.memref_slice %arg9[%rem3A_230, %dma_wait3A_253] : memref<4x128xi32, #tpu.memory_space<vmem>> -> memref<1x128xi32, #tpu.memory_space<vmem>>
          %dma_wait3A_255 = tpu.memref_squeeze %dma_wait3A_254 : memref<1x128xi32, #tpu.memory_space<vmem>> -> memref<128xi32, #tpu.memory_space<vmem>>
          %dma_wait3A_256 = tpu.memref_slice %arg4[%multiple_of3A_242] : memref<320000xi32, #tpu.memory_space<hbm>> -> memref<128xi32, #tpu.memory_space<hbm>>
          %dma_wait3A_257 = tpu.memref_slice %arg12[%rem3A_230] : memref<4x!tpu.dma_semaphore, #tpu.memory_space<semaphore_mem>> -> memref<1x!tpu.dma_semaphore, #tpu.memory_space<semaphore_mem>>
          %dma_wait3A_258 = tpu.memref_squeeze %dma_wait3A_257 : memref<1x!tpu.dma_semaphore, #tpu.memory_space<semaphore_mem>> -> memref<!tpu.dma_semaphore, #tpu.memory_space<semaphore_mem>>
          %dma_wait3A_259 = arith.constant 0 : i32
          %dma_wait3A_260 = tpu.memref_slice %arg9[%rem3A_230, %dma_wait3A_259] : memref<4x128xi32, #tpu.memory_space<vmem>> -> memref<1x128xi32, #tpu.memory_space<vmem>>
          %dma_wait3A_261 = tpu.memref_squeeze %dma_wait3A_260 : memref<1x128xi32, #tpu.memory_space<vmem>> -> memref<128xi32, #tpu.memory_space<vmem>>
          %dma_wait3A_262 = tpu.memref_slice %arg4[%multiple_of3A_242] : memref<320000xi32, #tpu.memory_space<hbm>> -> memref<128xi32, #tpu.memory_space<hbm>>
          tpu.wait_dma2 semaphore(%dma_wait3A_258 : memref<!tpu.dma_semaphore, #tpu.memory_space<semaphore_mem>>) src(%dma_wait3A_262 : memref<128xi32, #tpu.memory_space<hbm>>) dst(%dma_wait3A_261 : memref<128xi32, #tpu.memory_space<vmem>>)
          %add3A_263 = arith.constant 2 : i32
          %add3A_264 = arith.addi %add3A_170, %add3A_263 : i32
          %rem3A_265 = arith.constant 4 : i32
          %rem3A_266 = arith.remsi %add3A_264, %rem3A_265 : i32
          %rem3A_267 = arith.constant 3 : i32
          %rem3A_268 = arith.remsi %add3A_264, %rem3A_267 : i32
          %rem3A_269 = arith.constant 3 : i32
          %rem3A_270 = arith.remsi %add3A_264, %rem3A_269 : i32
          %dma_start3A_271 = arith.constant 0 : i32
          %dma_start3A_272 = arith.constant 0 : i32
          %dma_start3A_273 = tpu.memref_slice %arg10[%rem3A_268, %dma_start3A_271, %dma_start3A_272] : memref<3x128x128xf32, #tpu.memory_space<vmem>> -> memref<1x128x128xf32, #tpu.memory_space<vmem>>
          %dma_start3A_274 = tpu.memref_squeeze %dma_start3A_273 : memref<1x128x128xf32, #tpu.memory_space<vmem>> -> memref<128x128xf32, #tpu.memory_space<vmem>>
          %dma_start3A_275 = arith.constant 0 : i32
          %dma_start3A_276 = tpu.memref_slice %arg8[%rem3A_266, %dma_start3A_275] : memref<4x128xi32, #tpu.memory_space<vmem>> -> memref<1x128xi32, #tpu.memory_space<vmem>>
          %dma_start3A_277 = tpu.memref_squeeze %dma_start3A_276 : memref<1x128xi32, #tpu.memory_space<vmem>> -> memref<128xi32, #tpu.memory_space<vmem>>
          %dma_start3A_278 = arith.constant 0 : i32
          %dma_start3A_279 = arith.constant 0 : i32
          %dma_start3A_280 = tpu.memref_slice %arg2[%dma_start3A_278, %dma_start3A_279] : memref<10000x128xf32, #tpu.memory_space<hbm>> -> memref<10000x128xf32, #tpu.memory_space<hbm>>
          %dma_start3A_281 = tpu.memref_slice %arg13[%rem3A_270] : memref<3x!tpu.dma_semaphore, #tpu.memory_space<semaphore_mem>> -> memref<1x!tpu.dma_semaphore, #tpu.memory_space<semaphore_mem>>
          %dma_start3A_282 = tpu.memref_squeeze %dma_start3A_281 : memref<1x!tpu.dma_semaphore, #tpu.memory_space<semaphore_mem>> -> memref<!tpu.dma_semaphore, #tpu.memory_space<semaphore_mem>>
          tpu.enqueue_indirect_dma source(%dma_start3A_280 : memref<10000x128xf32, #tpu.memory_space<hbm>>) target(%dma_start3A_274 : memref<128x128xf32, #tpu.memory_space<vmem>>) offsets(%dma_start3A_277 : memref<128xi32, #tpu.memory_space<vmem>>) semaphore(%dma_start3A_282 : memref<!tpu.dma_semaphore, #tpu.memory_space<semaphore_mem>>)
        } else {
        }
        %rem3A_191 = arith.constant 4 : i32
        %rem3A_192 = arith.remsi %add3A_170, %rem3A_191 : i32
        %rem3A_193 = arith.constant 3 : i32
        %rem3A_194 = arith.remsi %add3A_170, %rem3A_193 : i32
        %rem3A_195 = arith.constant 3 : i32
        %rem3A_196 = arith.remsi %add3A_170, %rem3A_195 : i32
        %dma_wait3A_197 = arith.constant 0 : i32
        %dma_wait3A_198 = arith.constant 0 : i32
        %dma_wait3A_199 = tpu.memref_slice %arg10[%rem3A_194, %dma_wait3A_197, %dma_wait3A_198] : memref<3x128x128xf32, #tpu.memory_space<vmem>> -> memref<1x128x128xf32, #tpu.memory_space<vmem>>
        %dma_wait3A_200 = tpu.memref_squeeze %dma_wait3A_199 : memref<1x128x128xf32, #tpu.memory_space<vmem>> -> memref<128x128xf32, #tpu.memory_space<vmem>>
        %dma_wait3A_201 = arith.constant 0 : i32
        %dma_wait3A_202 = tpu.memref_slice %arg8[%rem3A_192, %dma_wait3A_201] : memref<4x128xi32, #tpu.memory_space<vmem>> -> memref<1x128xi32, #tpu.memory_space<vmem>>
        %dma_wait3A_203 = tpu.memref_squeeze %dma_wait3A_202 : memref<1x128xi32, #tpu.memory_space<vmem>> -> memref<128xi32, #tpu.memory_space<vmem>>
        %dma_wait3A_204 = arith.constant 0 : i32
        %dma_wait3A_205 = arith.constant 0 : i32
        %dma_wait3A_206 = tpu.memref_slice %arg2[%dma_wait3A_204, %dma_wait3A_205] : memref<10000x128xf32, #tpu.memory_space<hbm>> -> memref<10000x128xf32, #tpu.memory_space<hbm>>
        %dma_wait3A_207 = tpu.memref_slice %arg13[%rem3A_196] : memref<3x!tpu.dma_semaphore, #tpu.memory_space<semaphore_mem>> -> memref<1x!tpu.dma_semaphore, #tpu.memory_space<semaphore_mem>>
        %dma_wait3A_208 = tpu.memref_squeeze %dma_wait3A_207 : memref<1x!tpu.dma_semaphore, #tpu.memory_space<semaphore_mem>> -> memref<!tpu.dma_semaphore, #tpu.memory_space<semaphore_mem>>
        tpu.wait_indirect_dma semaphore(%dma_wait3A_208 : memref<!tpu.dma_semaphore, #tpu.memory_space<semaphore_mem>>) src(%dma_wait3A_206 : memref<10000x128xf32, #tpu.memory_space<hbm>>) dst(%dma_wait3A_200 : memref<128x128xf32, #tpu.memory_space<vmem>>)
        %rem3A_209 = arith.constant 3 : i32
        %rem3A_210 = arith.remsi %add3A_170, %rem3A_209 : i32
        %rem3A_211 = arith.constant 4 : i32
        %rem3A_212 = arith.remsi %add3A_170, %rem3A_211 : i32
        %rem3A_213 = arith.constant 2 : i32
        %rem3A_214 = arith.remsi %add3A_170, %rem3A_213 : i32
        %dma_start3A_215 = arith.constant 0 : i32
        %dma_start3A_216 = arith.constant 0 : i32
        %dma_start3A_217 = tpu.memref_slice %arg10[%rem3A_210, %dma_start3A_215, %dma_start3A_216] : memref<3x128x128xf32, #tpu.memory_space<vmem>> -> memref<1x128x128xf32, #tpu.memory_space<vmem>>
        %dma_start3A_218 = tpu.memref_squeeze %dma_start3A_217 : memref<1x128x128xf32, #tpu.memory_space<vmem>> -> memref<128x128xf32, #tpu.memory_space<vmem>>
        %dma_start3A_219 = arith.constant 0 : i32
        %dma_start3A_220 = tpu.memref_slice %arg9[%rem3A_212, %dma_start3A_219] : memref<4x128xi32, #tpu.memory_space<vmem>> -> memref<1x128xi32, #tpu.memory_space<vmem>>
        %dma_start3A_221 = tpu.memref_squeeze %dma_start3A_220 : memref<1x128xi32, #tpu.memory_space<vmem>> -> memref<128xi32, #tpu.memory_space<vmem>>
        %dma_start3A_222 = arith.constant 0 : i32
        %dma_start3A_223 = arith.constant 0 : i32
        %dma_start3A_224 = tpu.memref_slice %arg11[%dma_start3A_222, %dma_start3A_223] : memref<10000x128xf32, #tpu.memory_space<vmem_shared>> -> memref<10000x128xf32, #tpu.memory_space<vmem_shared>>
        %dma_start3A_225 = tpu.memref_slice %arg14[%rem3A_214] : memref<2x!tpu.dma_semaphore, #tpu.memory_space<semaphore_mem>> -> memref<1x!tpu.dma_semaphore, #tpu.memory_space<semaphore_mem>>
        %dma_start3A_226 = tpu.memref_squeeze %dma_start3A_225 : memref<1x!tpu.dma_semaphore, #tpu.memory_space<semaphore_mem>> -> memref<!tpu.dma_semaphore, #tpu.memory_space<semaphore_mem>>
        tpu.enqueue_indirect_dma source(%dma_start3A_218 : memref<128x128xf32, #tpu.memory_space<vmem>>) target(%dma_start3A_224 : memref<10000x128xf32, #tpu.memory_space<vmem_shared>>) offsets(%dma_start3A_221 : memref<128xi32, #tpu.memory_space<vmem>>) semaphore(%dma_start3A_226 : memref<!tpu.dma_semaphore, #tpu.memory_space<semaphore_mem>>) {add = true}
      } else {
      }
    }
    %scan3A_131 = arith.constant 79 : i32
    %sub3A_132 = arith.constant 1 : i32
    %sub3A_133 = arith.subi %add3A_20, %sub3A_132 : i32
    %rem3A_134 = arith.constant 3 : i32
    %rem3A_135 = arith.remsi %sub3A_133, %rem3A_134 : i32
    %rem3A_136 = arith.constant 4 : i32
    %rem3A_137 = arith.remsi %sub3A_133, %rem3A_136 : i32
    %rem3A_138 = arith.constant 2 : i32
    %rem3A_139 = arith.remsi %sub3A_133, %rem3A_138 : i32
    %dma_wait3A_140 = arith.constant 0 : i32
    %dma_wait3A_141 = arith.constant 0 : i32
    %dma_wait3A_142 = tpu.memref_slice %arg10[%rem3A_135, %dma_wait3A_140, %dma_wait3A_141] : memref<3x128x128xf32, #tpu.memory_space<vmem>> -> memref<1x128x128xf32, #tpu.memory_space<vmem>>
    %dma_wait3A_143 = tpu.memref_squeeze %dma_wait3A_142 : memref<1x128x128xf32, #tpu.memory_space<vmem>> -> memref<128x128xf32, #tpu.memory_space<vmem>>
    %dma_wait3A_144 = arith.constant 0 : i32
    %dma_wait3A_145 = tpu.memref_slice %arg9[%rem3A_137, %dma_wait3A_144] : memref<4x128xi32, #tpu.memory_space<vmem>> -> memref<1x128xi32, #tpu.memory_space<vmem>>
    %dma_wait3A_146 = tpu.memref_squeeze %dma_wait3A_145 : memref<1x128xi32, #tpu.memory_space<vmem>> -> memref<128xi32, #tpu.memory_space<vmem>>
    %dma_wait3A_147 = arith.constant 0 : i32
    %dma_wait3A_148 = arith.constant 0 : i32
    %dma_wait3A_149 = tpu.memref_slice %arg11[%dma_wait3A_147, %dma_wait3A_148] : memref<10000x128xf32, #tpu.memory_space<vmem_shared>> -> memref<10000x128xf32, #tpu.memory_space<vmem_shared>>
    %dma_wait3A_150 = tpu.memref_slice %arg14[%rem3A_139] : memref<2x!tpu.dma_semaphore, #tpu.memory_space<semaphore_mem>> -> memref<1x!tpu.dma_semaphore, #tpu.memory_space<semaphore_mem>>
    %dma_wait3A_151 = tpu.memref_squeeze %dma_wait3A_150 : memref<1x!tpu.dma_semaphore, #tpu.memory_space<semaphore_mem>> -> memref<!tpu.dma_semaphore, #tpu.memory_space<semaphore_mem>>
    tpu.wait_indirect_dma semaphore(%dma_wait3A_151 : memref<!tpu.dma_semaphore, #tpu.memory_space<semaphore_mem>>) src(%dma_wait3A_143 : memref<128x128xf32, #tpu.memory_space<vmem>>) dst(%dma_wait3A_149 : memref<10000x128xf32, #tpu.memory_space<vmem_shared>>)
    %barrier3A_152 = arith.constant 0 : index
    tpu.barrier barrier_id(%barrier3A_152)
    %mul3A_153 = arith.constant 624 : i32
    %mul3A_154 = arith.muli %arg1, %mul3A_153 : i32
    %multiple_of3A_155 = tpu.assume_multiple %mul3A_154, 8 : i32
    %lt3A_156 = arith.constant 15 : i32
    %lt3A_157 = arith.cmpi slt, %arg1, %lt3A_156 : i32
    %convert_element_type3A_158 = arith.extui %lt3A_157 : i1 to i32
    %cond3A_159 = arith.constant 0 : i32
    %cond3A_160 = arith.cmpi ne, %convert_element_type3A_158, %cond3A_159 : i32
    scf.if %cond3A_160 {
      %eq3A_166 = arith.constant 0 : i32
      %eq3A_167 = arith.cmpi eq, %arg0, %eq3A_166 : i32
      %convert_element_type3A_168 = arith.extui %eq3A_167 : i1 to i32
      %cond3A_169 = arith.constant 0 : i32
      %cond3A_170 = arith.cmpi ne, %convert_element_type3A_168, %cond3A_169 : i32
      scf.if %cond3A_170 {
        "tpu.region"() ({
          %run_scoped3A = tpu.sem_alloc : memref<!tpu.dma_semaphore, #tpu.memory_space<semaphore_mem>>
          %dma_start3A_176 = arith.constant 0 : i32
          %dma_start3A_177 = tpu.memref_slice %arg6[%multiple_of3A_155, %dma_start3A_176] : memref<10000x128xf32, #tpu.memory_space<hbm>> -> memref<624x128xf32, #tpu.memory_space<hbm>>
          %dma_start3A_178 = arith.constant 0 : i32
          %dma_start3A_179 = tpu.memref_slice %arg11[%multiple_of3A_155, %dma_start3A_178] : memref<10000x128xf32, #tpu.memory_space<vmem_shared>> -> memref<624x128xf32, #tpu.memory_space<vmem_shared>>
          tpu.enqueue_dma source(%dma_start3A_179 : memref<624x128xf32, #tpu.memory_space<vmem_shared>>) target(%dma_start3A_177 : memref<624x128xf32, #tpu.memory_space<hbm>>) target_semaphore(%run_scoped3A : memref<!tpu.dma_semaphore, #tpu.memory_space<semaphore_mem>>)
          %dma_wait3A_180 = arith.constant 0 : i32
          %dma_wait3A_181 = tpu.memref_slice %arg6[%multiple_of3A_155, %dma_wait3A_180] : memref<10000x128xf32, #tpu.memory_space<hbm>> -> memref<624x128xf32, #tpu.memory_space<hbm>>
          %dma_wait3A_182 = arith.constant 0 : i32
          %dma_wait3A_183 = tpu.memref_slice %arg11[%multiple_of3A_155, %dma_wait3A_182] : memref<10000x128xf32, #tpu.memory_space<vmem_shared>> -> memref<624x128xf32, #tpu.memory_space<vmem_shared>>
          tpu.wait_dma2 semaphore(%run_scoped3A : memref<!tpu.dma_semaphore, #tpu.memory_space<semaphore_mem>>) src(%dma_wait3A_183 : memref<624x128xf32, #tpu.memory_space<vmem_shared>>) dst(%dma_wait3A_181 : memref<624x128xf32, #tpu.memory_space<hbm>>)
          tpu.yield
        }) : () -> ()
      } else {
      }
      %ne3A_171 = arith.constant 0 : i32
      %ne3A_172 = arith.cmpi ne, %arg0, %ne3A_171 : i32
      %convert_element_type3A_173 = arith.extui %ne3A_172 : i1 to i32
      %cond3A_174 = arith.constant 0 : i32
      %cond3A_175 = arith.cmpi ne, %convert_element_type3A_173, %cond3A_174 : i32
      scf.if %cond3A_175 {
        "tpu.region"() ({
          %run_scoped3A = tpu.sem_alloc : memref<!tpu.dma_semaphore, #tpu.memory_space<semaphore_mem>>
          %dma_start3A_176 = arith.constant 0 : i32
          %dma_start3A_177 = tpu.memref_slice %arg7[%multiple_of3A_155, %dma_start3A_176] : memref<10000x128xf32, #tpu.memory_space<hbm>> -> memref<624x128xf32, #tpu.memory_space<hbm>>
          %dma_start3A_178 = arith.constant 0 : i32
          %dma_start3A_179 = tpu.memref_slice %arg11[%multiple_of3A_155, %dma_start3A_178] : memref<10000x128xf32, #tpu.memory_space<vmem_shared>> -> memref<624x128xf32, #tpu.memory_space<vmem_shared>>
          tpu.enqueue_dma source(%dma_start3A_179 : memref<624x128xf32, #tpu.memory_space<vmem_shared>>) target(%dma_start3A_177 : memref<624x128xf32, #tpu.memory_space<hbm>>) target_semaphore(%run_scoped3A : memref<!tpu.dma_semaphore, #tpu.memory_space<semaphore_mem>>)
          %dma_wait3A_180 = arith.constant 0 : i32
          %dma_wait3A_181 = tpu.memref_slice %arg7[%multiple_of3A_155, %dma_wait3A_180] : memref<10000x128xf32, #tpu.memory_space<hbm>> -> memref<624x128xf32, #tpu.memory_space<hbm>>
          %dma_wait3A_182 = arith.constant 0 : i32
          %dma_wait3A_183 = tpu.memref_slice %arg11[%multiple_of3A_155, %dma_wait3A_182] : memref<10000x128xf32, #tpu.memory_space<vmem_shared>> -> memref<624x128xf32, #tpu.memory_space<vmem_shared>>
          tpu.wait_dma2 semaphore(%run_scoped3A : memref<!tpu.dma_semaphore, #tpu.memory_space<semaphore_mem>>) src(%dma_wait3A_183 : memref<624x128xf32, #tpu.memory_space<vmem_shared>>) dst(%dma_wait3A_181 : memref<624x128xf32, #tpu.memory_space<hbm>>)
          tpu.yield
        }) : () -> ()
      } else {
      }
    } else {
    }
    %eq3A_161 = arith.constant 15 : i32
    %eq3A_162 = arith.cmpi eq, %arg1, %eq3A_161 : i32
    %convert_element_type3A_163 = arith.extui %eq3A_162 : i1 to i32
    %cond3A_164 = arith.constant 0 : i32
    %cond3A_165 = arith.cmpi ne, %convert_element_type3A_163, %cond3A_164 : i32
    scf.if %cond3A_165 {
      %eq3A_166 = arith.constant 0 : i32
      %eq3A_167 = arith.cmpi eq, %arg0, %eq3A_166 : i32
      %convert_element_type3A_168 = arith.extui %eq3A_167 : i1 to i32
      %cond3A_169 = arith.constant 0 : i32
      %cond3A_170 = arith.cmpi ne, %convert_element_type3A_168, %cond3A_169 : i32
      scf.if %cond3A_170 {
        "tpu.region"() ({
          %run_scoped3A = tpu.sem_alloc : memref<!tpu.dma_semaphore, #tpu.memory_space<semaphore_mem>>
          %dma_start3A_176 = arith.constant 0 : i32
          %dma_start3A_177 = tpu.memref_slice %arg6[%multiple_of3A_155, %dma_start3A_176] : memref<10000x128xf32, #tpu.memory_space<hbm>> -> memref<640x128xf32, #tpu.memory_space<hbm>>
          %dma_start3A_178 = arith.constant 0 : i32
          %dma_start3A_179 = tpu.memref_slice %arg11[%multiple_of3A_155, %dma_start3A_178] : memref<10000x128xf32, #tpu.memory_space<vmem_shared>> -> memref<640x128xf32, #tpu.memory_space<vmem_shared>>
          tpu.enqueue_dma source(%dma_start3A_179 : memref<640x128xf32, #tpu.memory_space<vmem_shared>>) target(%dma_start3A_177 : memref<640x128xf32, #tpu.memory_space<hbm>>) target_semaphore(%run_scoped3A : memref<!tpu.dma_semaphore, #tpu.memory_space<semaphore_mem>>)
          %dma_wait3A_180 = arith.constant 0 : i32
          %dma_wait3A_181 = tpu.memref_slice %arg6[%multiple_of3A_155, %dma_wait3A_180] : memref<10000x128xf32, #tpu.memory_space<hbm>> -> memref<640x128xf32, #tpu.memory_space<hbm>>
          %dma_wait3A_182 = arith.constant 0 : i32
          %dma_wait3A_183 = tpu.memref_slice %arg11[%multiple_of3A_155, %dma_wait3A_182] : memref<10000x128xf32, #tpu.memory_space<vmem_shared>> -> memref<640x128xf32, #tpu.memory_space<vmem_shared>>
          tpu.wait_dma2 semaphore(%run_scoped3A : memref<!tpu.dma_semaphore, #tpu.memory_space<semaphore_mem>>) src(%dma_wait3A_183 : memref<640x128xf32, #tpu.memory_space<vmem_shared>>) dst(%dma_wait3A_181 : memref<640x128xf32, #tpu.memory_space<hbm>>)
          tpu.yield
        }) : () -> ()
      } else {
      }
      %ne3A_171 = arith.constant 0 : i32
      %ne3A_172 = arith.cmpi ne, %arg0, %ne3A_171 : i32
      %convert_element_type3A_173 = arith.extui %ne3A_172 : i1 to i32
      %cond3A_174 = arith.constant 0 : i32
      %cond3A_175 = arith.cmpi ne, %convert_element_type3A_173, %cond3A_174 : i32
      scf.if %cond3A_175 {
        "tpu.region"() ({
          %run_scoped3A = tpu.sem_alloc : memref<!tpu.dma_semaphore, #tpu.memory_space<semaphore_mem>>
          %dma_start3A_176 = arith.constant 0 : i32
          %dma_start3A_177 = tpu.memref_slice %arg7[%multiple_of3A_155, %dma_start3A_176] : memref<10000x128xf32, #tpu.memory_space<hbm>> -> memref<640x128xf32, #tpu.memory_space<hbm>>
          %dma_start3A_178 = arith.constant 0 : i32
          %dma_start3A_179 = tpu.memref_slice %arg11[%multiple_of3A_155, %dma_start3A_178] : memref<10000x128xf32, #tpu.memory_space<vmem_shared>> -> memref<640x128xf32, #tpu.memory_space<vmem_shared>>
          tpu.enqueue_dma source(%dma_start3A_179 : memref<640x128xf32, #tpu.memory_space<vmem_shared>>) target(%dma_start3A_177 : memref<640x128xf32, #tpu.memory_space<hbm>>) target_semaphore(%run_scoped3A : memref<!tpu.dma_semaphore, #tpu.memory_space<semaphore_mem>>)
          %dma_wait3A_180 = arith.constant 0 : i32
          %dma_wait3A_181 = tpu.memref_slice %arg7[%multiple_of3A_155, %dma_wait3A_180] : memref<10000x128xf32, #tpu.memory_space<hbm>> -> memref<640x128xf32, #tpu.memory_space<hbm>>
          %dma_wait3A_182 = arith.constant 0 : i32
          %dma_wait3A_183 = tpu.memref_slice %arg11[%multiple_of3A_155, %dma_wait3A_182] : memref<10000x128xf32, #tpu.memory_space<vmem_shared>> -> memref<640x128xf32, #tpu.memory_space<vmem_shared>>
          tpu.wait_dma2 semaphore(%run_scoped3A : memref<!tpu.dma_semaphore, #tpu.memory_space<semaphore_mem>>) src(%dma_wait3A_183 : memref<640x128xf32, #tpu.memory_space<vmem_shared>>) dst(%dma_wait3A_181 : memref<640x128xf32, #tpu.memory_space<hbm>>)
          tpu.yield
        }) : () -> ()
      } else {
      }
    } else {
    }
    return
  }
}

module attributes {stable_mosaic.version = 14 : i64} {
  func.func @body(%arg0: i32, %arg1: memref<512x128xf32, #tpu.memory_space<vmem>>, %arg2: memref<128x128xf32, #tpu.memory_space<vmem>>, %arg3: memref<1x128xf32, #tpu.memory_space<vmem>>, %arg4: memref<32x512xf32, #tpu.memory_space<vmem>>, %arg5: memref<512x128xf32, #tpu.memory_space<vmem>>) attributes {dimension_semantics = [#tpu.dimension_semantics<arbitrary>], iteration_bounds = array<i64: 20>, scalar_prefetch = 0 : i64, scratch_operands = 0 : i64, tpu.core_type = #tpu.core_type<tc>, window_params = [{transform_indices = @transform_0, window_bounds = array<i64: 512, 128>}, {pipeline_mode = #tpu.pipeline_mode<synchronous>, transform_indices = @transform_1, window_bounds = array<i64: 128, 128>}, {pipeline_mode = #tpu.pipeline_mode<synchronous>, transform_indices = @transform_2, window_bounds = array<i64: 1, 128>}, {transform_indices = @transform_3, window_bounds = array<i64: 32, 512>}, {transform_indices = @transform_4, window_bounds = array<i64: 512, 128>}]} {
    %get3A = arith.constant 0 : index
    %get3A_0 = arith.constant 0 : index
    %get3A_1 = vector.load %arg4[%get3A, %get3A_0] : memref<32x512xf32, #tpu.memory_space<vmem>>, vector<32x512xf32>
    %reduce_sum3A = arith.constant dense<0.000000e+00> : vector<512xf32>
    %reduce_sum3A_2 = vector.multi_reduction <add>, %get3A_1, %reduce_sum3A [0] : vector<32x512xf32> to vector<512xf32>
    %add3A = arith.constant 1.000000e+00 : f32
    %add3A_3 = vector.broadcast %add3A : f32 to vector<512xf32>
    %add3A_4 = arith.addf %reduce_sum3A_2, %add3A_3 : vector<512xf32>
    %rsqrt3A = math.rsqrt %add3A_4 : vector<512xf32>
    %broadcast_in_dim3A = vector.shape_cast %rsqrt3A : vector<512xf32> to vector<512x1xf32>
    %get3A_5 = arith.constant 0 : index
    %get3A_6 = arith.constant 0 : index
    %get3A_7 = vector.load %arg1[%get3A_5, %get3A_6] : memref<512x128xf32, #tpu.memory_space<vmem>>, vector<512x128xf32>
    %get3A_8 = arith.constant 0 : index
    %get3A_9 = arith.constant 0 : index
    %get3A_10 = vector.load %arg2[%get3A_8, %get3A_9] : memref<128x128xf32, #tpu.memory_space<vmem>>, vector<128x128xf32>
    %dot_general3A = arith.constant dense<0.000000e+00> : vector<512x128xf32>
    %dot_general3A_11 = tpu.matmul %get3A_7, %get3A_10, %dot_general3A {dimension_numbers = #tpu.dot_dimension_numbers<[1], [0], [0], [1], [0, 0, 1, 1], [], []>, transpose_lhs_hint = false} : vector<512x128xf32>, vector<128x128xf32>, vector<512x128xf32> -> vector<512x128xf32>
    %get3A_12 = arith.constant 0 : index
    %get3A_13 = arith.constant 0 : index
    %get3A_14 = vector.load %arg3[%get3A_12, %get3A_13] : memref<1x128xf32, #tpu.memory_space<vmem>>, vector<1x128xf32>
    %add3A_15 = vector.broadcast %get3A_14 : vector<1x128xf32> to vector<512x128xf32>
    %add3A_16 = arith.addf %dot_general3A_11, %add3A_15 : vector<512x128xf32>
    %mul3A = vector.broadcast %broadcast_in_dim3A : vector<512x1xf32> to vector<512x128xf32>
    %mul3A_17 = arith.mulf %add3A_16, %mul3A : vector<512x128xf32>
    %swap3A = arith.constant 0 : index
    %swap3A_18 = arith.constant 0 : index
    %swap3A_19 = vector.load %arg5[%swap3A, %swap3A_18] : memref<512x128xf32, #tpu.memory_space<vmem>>, vector<512x128xf32>
    tpu.vector_store %arg5[%swap3A, %swap3A_18], %mul3A_17 {strides = array<i32>} : memref<512x128xf32, #tpu.memory_space<vmem>>, vector<512x128xf32>,
    return
  }
  func.func @transform_0(%arg0: i32) -> (i32, i32) {
    %c0_i32 = arith.constant 0 : i32
    %c0_i32_0 = arith.constant 0 : i32
    return %arg0, %c0_i32 : i32, i32
  }
  func.func @transform_1(%arg0: i32) -> (i32, i32) {
    %c0_i32 = arith.constant 0 : i32
    %c0_i32_0 = arith.constant 0 : i32
    %c0_i32_1 = arith.constant 0 : i32
    return %c0_i32, %c0_i32_0 : i32, i32
  }
  func.func @transform_2(%arg0: i32) -> (i32, i32) {
    %c0_i32 = arith.constant 0 : i32
    %c0_i32_0 = arith.constant 0 : i32
    %c0_i32_1 = arith.constant 0 : i32
    return %c0_i32, %c0_i32_0 : i32, i32
  }
  func.func @transform_3(%arg0: i32) -> (i32, i32) {
    %c0_i32 = arith.constant 0 : i32
    %c0_i32_0 = arith.constant 0 : i32
    return %c0_i32, %arg0 : i32, i32
  }
  func.func @transform_4(%arg0: i32) -> (i32, i32) {
    %c0_i32 = arith.constant 0 : i32
    %c0_i32_0 = arith.constant 0 : i32
    return %arg0, %c0_i32 : i32, i32
  }
}

module attributes {stable_mosaic.version = 14 : i64} {
  func.func @body(%arg0: i32, %arg1: memref<512x128xf32, #tpu.memory_space<vmem>>, %arg2: memref<512x128xf32, #tpu.memory_space<vmem>>, %arg3: memref<32x512xf32, #tpu.memory_space<vmem>>, %arg4: memref<1x128xf32, #tpu.memory_space<vmem>>, %arg5: memref<128x128xf32, #tpu.memory_space<vmem>>, %arg6: memref<512x128xf32, #tpu.memory_space<vmem>>) attributes {dimension_semantics = [#tpu.dimension_semantics<arbitrary>], iteration_bounds = array<i64: 20>, scalar_prefetch = 0 : i64, scratch_operands = 0 : i64, tpu.core_type = #tpu.core_type<tc>, window_params = [{transform_indices = @transform_0, window_bounds = array<i64: 512, 128>}, {transform_indices = @transform_1, window_bounds = array<i64: 512, 128>}, {transform_indices = @transform_2, window_bounds = array<i64: 32, 512>}, {pipeline_mode = #tpu.pipeline_mode<synchronous>, transform_indices = @transform_3, window_bounds = array<i64: 1, 128>}, {pipeline_mode = #tpu.pipeline_mode<synchronous>, transform_indices = @transform_4, window_bounds = array<i64: 128, 128>}, {transform_indices = @transform_5, window_bounds = array<i64: 512, 128>}]} {
    %get3A = arith.constant 0 : index
    %get3A_0 = arith.constant 0 : index
    %get3A_1 = vector.load %arg3[%get3A, %get3A_0] : memref<32x512xf32, #tpu.memory_space<vmem>>, vector<32x512xf32>
    %reduce_sum3A = arith.constant dense<0.000000e+00> : vector<512xf32>
    %reduce_sum3A_2 = vector.multi_reduction <add>, %get3A_1, %reduce_sum3A [0] : vector<32x512xf32> to vector<512xf32>
    %add3A = arith.constant 1.000000e+00 : f32
    %add3A_3 = vector.broadcast %add3A : f32 to vector<512xf32>
    %add3A_4 = arith.addf %reduce_sum3A_2, %add3A_3 : vector<512xf32>
    %rsqrt3A = math.rsqrt %add3A_4 : vector<512xf32>
    %broadcast_in_dim3A = vector.shape_cast %rsqrt3A : vector<512xf32> to vector<512x1xf32>
    %get3A_5 = arith.constant 0 : index
    %get3A_6 = arith.constant 0 : index
    %get3A_7 = vector.load %arg1[%get3A_5, %get3A_6] : memref<512x128xf32, #tpu.memory_space<vmem>>, vector<512x128xf32>
    %get3A_8 = arith.constant 0 : index
    %get3A_9 = arith.constant 0 : index
    %get3A_10 = vector.load %arg2[%get3A_8, %get3A_9] : memref<512x128xf32, #tpu.memory_space<vmem>>, vector<512x128xf32>
    %add3A_11 = arith.addf %get3A_7, %get3A_10 : vector<512x128xf32>
    %mul3A = vector.broadcast %broadcast_in_dim3A : vector<512x1xf32> to vector<512x128xf32>
    %mul3A_12 = arith.mulf %add3A_11, %mul3A : vector<512x128xf32>
    %get3A_13 = arith.constant 0 : index
    %get3A_14 = arith.constant 0 : index
    %get3A_15 = vector.load %arg4[%get3A_13, %get3A_14] : memref<1x128xf32, #tpu.memory_space<vmem>>, vector<1x128xf32>
    %add3A_16 = vector.broadcast %get3A_15 : vector<1x128xf32> to vector<512x128xf32>
    %add3A_17 = arith.addf %mul3A_12, %add3A_16 : vector<512x128xf32>
    %max3A = arith.constant 0.000000e+00 : f32
    %max3A_18 = vector.broadcast %max3A : f32 to vector<512x128xf32>
    %max3A_19 = arith.maximumf %add3A_17, %max3A_18 : vector<512x128xf32>
    %get3A_20 = arith.constant 0 : index
    %get3A_21 = arith.constant 0 : index
    %get3A_22 = vector.load %arg5[%get3A_20, %get3A_21] : memref<128x128xf32, #tpu.memory_space<vmem>>, vector<128x128xf32>
    %dot_general3A = arith.constant dense<0.000000e+00> : vector<512x128xf32>
    %dot_general3A_23 = tpu.matmul %max3A_19, %get3A_22, %dot_general3A {dimension_numbers = #tpu.dot_dimension_numbers<[1], [0], [0], [1], [0, 0, 1, 1], [], []>, transpose_lhs_hint = false} : vector<512x128xf32>, vector<128x128xf32>, vector<512x128xf32> -> vector<512x128xf32>
    %mul3A_24 = vector.broadcast %broadcast_in_dim3A : vector<512x1xf32> to vector<512x128xf32>
    %mul3A_25 = arith.mulf %dot_general3A_23, %mul3A_24 : vector<512x128xf32>
    %swap3A = arith.constant 0 : index
    %swap3A_26 = arith.constant 0 : index
    %swap3A_27 = vector.load %arg6[%swap3A, %swap3A_26] : memref<512x128xf32, #tpu.memory_space<vmem>>, vector<512x128xf32>
    tpu.vector_store %arg6[%swap3A, %swap3A_26], %mul3A_25 {strides = array<i32>} : memref<512x128xf32, #tpu.memory_space<vmem>>, vector<512x128xf32>,
    return
  }
  func.func @transform_0(%arg0: i32) -> (i32, i32) {
    %c0_i32 = arith.constant 0 : i32
    %c0_i32_0 = arith.constant 0 : i32
    return %arg0, %c0_i32 : i32, i32
  }
  func.func @transform_1(%arg0: i32) -> (i32, i32) {
    %c0_i32 = arith.constant 0 : i32
    %c0_i32_0 = arith.constant 0 : i32
    return %arg0, %c0_i32 : i32, i32
  }
  func.func @transform_2(%arg0: i32) -> (i32, i32) {
    %c0_i32 = arith.constant 0 : i32
    %c0_i32_0 = arith.constant 0 : i32
    return %c0_i32, %arg0 : i32, i32
  }
  func.func @transform_3(%arg0: i32) -> (i32, i32) {
    %c0_i32 = arith.constant 0 : i32
    %c0_i32_0 = arith.constant 0 : i32
    %c0_i32_1 = arith.constant 0 : i32
    return %c0_i32, %c0_i32_0 : i32, i32
  }
  func.func @transform_4(%arg0: i32) -> (i32, i32) {
    %c0_i32 = arith.constant 0 : i32
    %c0_i32_0 = arith.constant 0 : i32
    %c0_i32_1 = arith.constant 0 : i32
    return %c0_i32, %c0_i32_0 : i32, i32
  }
  func.func @transform_5(%arg0: i32) -> (i32, i32) {
    %c0_i32 = arith.constant 0 : i32
    %c0_i32_0 = arith.constant 0 : i32
    return %arg0, %c0_i32 : i32, i32
  }
}

module attributes {stable_mosaic.version = 14 : i64} {
  func.func @body(%arg0: i32, %arg1: memref<512x128xf32, #tpu.memory_space<vmem>>, %arg2: memref<512x128xf32, #tpu.memory_space<vmem>>, %arg3: memref<32x512xf32, #tpu.memory_space<vmem>>, %arg4: memref<1x128xf32, #tpu.memory_space<vmem>>, %arg5: memref<512x128xf32, #tpu.memory_space<vmem>>) attributes {dimension_semantics = [#tpu.dimension_semantics<arbitrary>], iteration_bounds = array<i64: 20>, scalar_prefetch = 0 : i64, scratch_operands = 0 : i64, tpu.core_type = #tpu.core_type<tc>, window_params = [{transform_indices = @transform_0, window_bounds = array<i64: 512, 128>}, {transform_indices = @transform_1, window_bounds = array<i64: 512, 128>}, {transform_indices = @transform_2, window_bounds = array<i64: 32, 512>}, {pipeline_mode = #tpu.pipeline_mode<synchronous>, transform_indices = @transform_3, window_bounds = array<i64: 1, 128>}, {transform_indices = @transform_4, window_bounds = array<i64: 512, 128>}]} {
    %get3A = arith.constant 0 : index
    %get3A_0 = arith.constant 0 : index
    %get3A_1 = vector.load %arg3[%get3A, %get3A_0] : memref<32x512xf32, #tpu.memory_space<vmem>>, vector<32x512xf32>
    %reduce_sum3A = arith.constant dense<0.000000e+00> : vector<512xf32>
    %reduce_sum3A_2 = vector.multi_reduction <add>, %get3A_1, %reduce_sum3A [0] : vector<32x512xf32> to vector<512xf32>
    %add3A = arith.constant 1.000000e+00 : f32
    %add3A_3 = vector.broadcast %add3A : f32 to vector<512xf32>
    %add3A_4 = arith.addf %reduce_sum3A_2, %add3A_3 : vector<512xf32>
    %rsqrt3A = math.rsqrt %add3A_4 : vector<512xf32>
    %broadcast_in_dim3A = vector.shape_cast %rsqrt3A : vector<512xf32> to vector<512x1xf32>
    %get3A_5 = arith.constant 0 : index
    %get3A_6 = arith.constant 0 : index
    %get3A_7 = vector.load %arg1[%get3A_5, %get3A_6] : memref<512x128xf32, #tpu.memory_space<vmem>>, vector<512x128xf32>
    %get3A_8 = arith.constant 0 : index
    %get3A_9 = arith.constant 0 : index
    %get3A_10 = vector.load %arg2[%get3A_8, %get3A_9] : memref<512x128xf32, #tpu.memory_space<vmem>>, vector<512x128xf32>
    %add3A_11 = arith.addf %get3A_7, %get3A_10 : vector<512x128xf32>
    %mul3A = vector.broadcast %broadcast_in_dim3A : vector<512x1xf32> to vector<512x128xf32>
    %mul3A_12 = arith.mulf %add3A_11, %mul3A : vector<512x128xf32>
    %get3A_13 = arith.constant 0 : index
    %get3A_14 = arith.constant 0 : index
    %get3A_15 = vector.load %arg4[%get3A_13, %get3A_14] : memref<1x128xf32, #tpu.memory_space<vmem>>, vector<1x128xf32>
    %add3A_16 = vector.broadcast %get3A_15 : vector<1x128xf32> to vector<512x128xf32>
    %add3A_17 = arith.addf %mul3A_12, %add3A_16 : vector<512x128xf32>
    %max3A = arith.constant 0.000000e+00 : f32
    %max3A_18 = vector.broadcast %max3A : f32 to vector<512x128xf32>
    %max3A_19 = arith.maximumf %add3A_17, %max3A_18 : vector<512x128xf32>
    %swap3A = arith.constant 0 : index
    %swap3A_20 = arith.constant 0 : index
    %swap3A_21 = vector.load %arg5[%swap3A, %swap3A_20] : memref<512x128xf32, #tpu.memory_space<vmem>>, vector<512x128xf32>
    tpu.vector_store %arg5[%swap3A, %swap3A_20], %max3A_19 {strides = array<i32>} : memref<512x128xf32, #tpu.memory_space<vmem>>, vector<512x128xf32>,
    return
  }
  func.func @transform_0(%arg0: i32) -> (i32, i32) {
    %c0_i32 = arith.constant 0 : i32
    %c0_i32_0 = arith.constant 0 : i32
    return %arg0, %c0_i32 : i32, i32
  }
  func.func @transform_1(%arg0: i32) -> (i32, i32) {
    %c0_i32 = arith.constant 0 : i32
    %c0_i32_0 = arith.constant 0 : i32
    return %arg0, %c0_i32 : i32, i32
  }
  func.func @transform_2(%arg0: i32) -> (i32, i32) {
    %c0_i32 = arith.constant 0 : i32
    %c0_i32_0 = arith.constant 0 : i32
    return %c0_i32, %arg0 : i32, i32
  }
  func.func @transform_3(%arg0: i32) -> (i32, i32) {
    %c0_i32 = arith.constant 0 : i32
    %c0_i32_0 = arith.constant 0 : i32
    %c0_i32_1 = arith.constant 0 : i32
    return %c0_i32, %c0_i32_0 : i32, i32
  }
  func.func @transform_4(%arg0: i32) -> (i32, i32) {
    %c0_i32 = arith.constant 0 : i32
    %c0_i32_0 = arith.constant 0 : i32
    return %arg0, %c0_i32 : i32, i32
  }
}

</mosaic_0001>

<sc_bundles>
// kernel: kernel.11.cloned.1.call-start
scs
__scs_entry_jumppad:
0x0: {  	(pc) =	sbr.rel $0x88, $3  }
0x1: {  	(tag) =	ssettag $0x0;
	lr =	simm.s32 $0x1  }
0x2: {  	[smem:$0x3F99] =	sst lr;
	_ =	strace $0xD0000000  }
0x3: {  	_ = 	snop  }
0x4: {  	_ = 	snop  }
0x5: {  	_ = 	snop  }
0x6: {  	_ = 	snop  }
0x7: {  	_ = 	snop  }
__scs_overlays_trampoline_lowered:
0x8: {  	[smem:$0x3FA8] =	sst s0  }
0x9: {  	[smem:$0x3FA9] =	sst s1  }
0xa: {  	[smem:$0x3FAA] =	sst s2  }
0xb: {  	[smem:$0x3FAB] =	sst s3  }
0xc: {  	[smem:$0x3FAC] =	sst s4  }
0xd: {  	[smem:$0x3FAD] =	sst s5  }
0xe: {  	[smem:$0x3FAE] =	sst s6  }
0xf: {  	[smem:$0x3FAF] =	sst s7  }
0x10: {  	[smem:$0x3FB0] =	sst s8  }
0x11: {  	[smem:$0x3FB1] =	sst s9;
	s0 =	simm.s32 @!p0 $0x0  }
0x12: {  	s1 =	sld [smem:$0x3F97];
	s0 =	simm.s32 @p0 $0x1  }
0x13: {  	[smem:$0x3FB2] =	sst s0;
	s0 =	simm.s32 @!p1 $0x0  }
0x14: {  	s2 =	sld [smem:$0x3F96];
	s0 =	simm.s32 @p1 $0x1  }
0x15: {  	[smem:$0x3FB3] =	sst s0;
	s0 =	simm.s32 @!p2 $0x0  }
0x16: {  	s3 =	sld [smem:$0x3FDB];
	s0 =	simm.s32 @p2 $0x1  }
0x17: {  	s4 =	simm.s32 $0x1BF5;
	[smem:$0x3FB5] =	sst s0  }
0x18: {  	s0 =	sld [smem:$0x3F98];
	_ =	swait.ge [sflag:s4], $0x0  }
0x19: {  	s7 =	sld [smem:$0x3F99]  }
0x1a: {  	s8 =	sadd.s32 $0xFFFFE003, lr  }
0x1b: {  	s9 =	sadd.s32 $0xFFFFFEF7, lr;
	s5 =	simm.s32 $0xFFFFFFFF;
	p2 =	slt.u32 s8, $0xFFFFF086  }
0x1c: {  	p1 =	slt.u32 s9, $0xF7A;
	s5 =	simm.s32 @!p2 $0x0  }
0x1d: {  	s5 =	simm.s32 @p1 $0x1;
	p0 =	seq.s32 s7, s2  }
0x1e: {  	s7 =	smul.u32 @!p0 $0xF7A, s2;
	p2 =	seq.s32 @!p0 s5, $0x0  }
0x1f: {  	s9 =	smul.u32 $0xF7A, s1;
	s8 =	simm.s32 @!p0 $0x1BF5;
	p2 =	por !p2, p0  }
0x20: {  	[sflag:s8] =	ssyncset.s32 @!p0 $0xFFFFF086;
	s6 =	sadd.s32 @!p0 s3, s7;
	s7 =	simm.s32 @!p0 $0x108  }
0x21: {  	s3 =	sadd.s32 s3, s9;
	s6 =	sadd.s32 @!p0 $0x88, s6;
	s7 =	simm.s32 @p2 $0x1082  }
0x22: {  	[simem:s7], [sflag:s8] =	dma.local @!p0 [hbm:s6], $0xF7A  }
0x23: {  	s9 =	sor.u32 $0xD0000000, s2;
	s6 =	simm.s32 $0x108;
	_ =	swait.ge @!p0 [sflag:s8], $0x0  }
0x24: {  	s3 =	sadd.s32 $0x88, s3;
	s6 =	simm.s32 @!p1 $0x1082;
	[sflag:s4] =	ssyncset.s32 $0xFFFFF086  }
0x25: {  	[simem:s6], [sflag:s4] =	dma.local [hbm:s3], $0xF7A  }
0x26: {  	[smem:$0x3F99] =	sst s1;
	(tag) =	ssettag s2;
	_ =	strace s9  }
0x27: {  	s1 =	sld [smem:$0x3FA9]  }
0x28: {  	s2 =	sld [smem:$0x3FAA]  }
0x29: {  	s4 =	sld [smem:$0x3FAC]  }
0x2a: {  	p0 =	seq.s32 s5, $0x0;
	s5 =	sld [smem:$0x3FAD]  }
0x2b: {  	s6 =	sld [smem:$0x3FAE]  }
0x2c: {  	s7 =	sld [smem:$0x3FAF]  }
0x2d: {  	s3 =	simm.s32 $0x108;
	s8 =	sld [smem:$0x3FB0]  }
0x2e: {  	s3 =	simm.s32 @!p0 $0x1082;
	s9 =	sld [smem:$0x3FB1]  }
0x2f: {  	lr =	sadd.s32 s0, s3;
	s0 =	sld [smem:$0x3FA8]  }
0x30: {  	s3 =	sld [smem:$0x3FAB]  }
0x31: {  	[smem:$0x3FB4] =	sst s10  }
0x32: {  	s10 =	sld [smem:$0x3FB2];
	_ =	sdelay $0x3  }
0x33: {  	p0 =	seq.s32 s10, $0x1;
	s10 =	sld [smem:$0x3FB4];
	_ =	sdelay $0x3  }
0x34: {  	[smem:$0x3FB4] =	sst s10  }
0x35: {  	s10 =	sld [smem:$0x3FB3];
	_ =	sdelay $0x3  }
0x36: {  	p1 =	seq.s32 s10, $0x1;
	s10 =	sld [smem:$0x3FB4];
	_ =	sdelay $0x3  }
0x37: {  	[smem:$0x3FB4] =	sst s10  }
0x38: {  	s10 =	sld [smem:$0x3FB5]  }
0x39: {  	_ = 	snop;
	(pc) =	sbr.ind lr, $3  }
0x3a: {  	_ = 	snop  }
0x3b: {  	_ = 	snop  }
0x3c: {  	p2 =	seq.s32 s10, $0x1;
	s10 =	sld [smem:$0x3FB4]  }
0x3d: {  	_ =	shalt  }
0x3e: {  	_ =	shalt  }
0x3f: {  	_ =	shalt  }
0x40: {  	_ =	shalt  }
0x41: {  	_ =	shalt  }
0x42: {  	_ =	shalt  }
0x43: {  	_ =	shalt  }
0x44: {  	_ =	shalt  }
0x45: {  	_ =	shalt  }
0x46: {  	_ =	shalt  }
0x47: {  	_ =	shalt  }
0x48: {  	_ =	shalt  }
0x49: {  	_ =	shalt  }
0x4a: {  	_ =	shalt  }
0x4b: {  	_ =	shalt  }
0x4c: {  	_ =	shalt  }
0x4d: {  	_ =	shalt  }
0x4e: {  	_ =	shalt  }
0x4f: {  	_ =	shalt  }
0x50: {  	_ =	shalt  }
0x51: {  	_ =	shalt  }
0x52: {  	_ =	shalt  }
0x53: {  	_ =	shalt  }
0x54: {  	_ =	shalt  }
0x55: {  	_ =	shalt  }
0x56: {  	_ =	shalt  }
0x57: {  	_ =	shalt  }
0x58: {  	_ =	shalt  }
0x59: {  	_ =	shalt  }
0x5a: {  	_ =	shalt  }
0x5b: {  	_ =	shalt  }
0x5c: {  	_ =	shalt  }
0x5d: {  	_ =	shalt  }
0x5e: {  	_ =	shalt  }
0x5f: {  	_ =	shalt  }
0x60: {  	_ =	shalt  }
0x61: {  	_ =	shalt  }
0x62: {  	_ =	shalt  }
0x63: {  	_ =	shalt  }
0x64: {  	_ =	shalt  }
0x65: {  	_ =	shalt  }
0x66: {  	_ =	shalt  }
0x67: {  	_ =	shalt  }
0x68: {  	_ =	shalt  }
0x69: {  	_ =	shalt  }
0x6a: {  	_ =	shalt  }
0x6b: {  	_ =	shalt  }
0x6c: {  	_ =	shalt  }
0x6d: {  	_ =	shalt  }
0x6e: {  	_ =	shalt  }
0x6f: {  	_ =	shalt  }
0x70: {  	_ =	shalt  }
0x71: {  	_ =	shalt  }
0x72: {  	_ =	shalt  }
0x73: {  	_ =	shalt  }
0x74: {  	_ =	shalt  }
0x75: {  	_ =	shalt  }
0x76: {  	_ =	shalt  }
0x77: {  	_ =	shalt  }
0x78: {  	_ =	shalt  }
0x79: {  	_ =	shalt  }
0x7a: {  	_ =	shalt  }
0x7b: {  	_ =	shalt  }
0x7c: {  	_ =	shalt  }
0x7d: {  	_ =	shalt  }
0x7e: {  	_ =	shalt  }
0x7f: {  	_ =	shalt  }
0x80: {  	_ =	shalt  }
0x81: {  	_ =	shalt  }
0x82: {  	_ =	shalt  }
0x83: {  	_ =	shalt  }
0x84: {  	_ =	shalt  }
0x85: {  	_ =	shalt  }
0x86: {  	_ =	shalt  }
0x87: {  	_ =	shalt  }
.Lfunc_end0:
.L_simem_size_0:
called_computation.1_lowered:
.L_overlay_start_0:
0x88: {  	s2 =	sld [smem:$0x3FD9]  }
0x89: {  	s3 =	sld [smem:$0x3FFE];
	_ =	sdelay $0x1  }
0x8a: {  	s1 =	srdreg.scid  }
0x8b: {  	s0 =	sand.u32 $0x1, s1  }
0x8c: {  	s17 =	sshll.u32 s0, $0xA;
	s2 =	sadd.s32 s3, s2  }
0x8d: {  	s2 =	sadd.s32 s2, s17  }
0x8e: {  	[smem:$0x3FC0] =	sst s2  }
0x8f: {  	_ = 	snop  }
0x90: {  	s2 =	sld [smem:$0x3FD0];
	(tm) =	ssettm $0x1  }
0x91: {  	s18 =	sld [smem:$0x3FFB];
	_ =	sdelay $0x3  }
0x92: {  	_ =	strace s18  }
0x93: {  	s3 =	sld [smem:$0x3FFC];
	_ =	sdelay $0x3  }
0x94: {  	_ =	strace s3  }
0x95: {  	s3 =	sld [smem:$0x3FFD];
	_ =	sdelay $0x3  }
0x96: {  	_ =	strace s3  }
0x97: {  	_ =	strace $0x8FFFFFFF  }
0x98: {  	s19 =	sld [smem:$0x3FDB];
	_ =	sdelay $0x1  }
0x99: {  	s4 =	simm.s32 $_scs_section_size  }
0x9a: {  	s5 =	simm.s32 $_size__tile_overlayer_lowered;
	s6 =	simm.s32 $_tile_overlayer_lowered  }
0x9b: {  	s22 =	simm.s32 $0x1BFF;
	s21 =	sshll.u32 s6, $0x1;
	s3 =	sadd.s32 s4, s19  }
0x9c: {  	s7 =	simm.s32 $0x0;
	s20 =	sshll.u32 s5, $0x1;
	s5 =	sadd.s32 s21, s3  }
0x9d: {  	[timem:s7], [sflag:s22] =	dma.local [hbm:s5], s20  }
0x9e: {  	_ =	swait.ge [sflag:s22], s20  }
0x9f: {  	s4 =	ssub.s32 $0x0, s20;
	[sflag:s22] =	ssyncset.done $0x0  }
0xa0: {  	[sflag:s22] =	ssyncadd.s32 s4;
	_ =	sdelay $0x1  }
0xa1: {  	s23 =	simm.s32 $0x1B8B  }
0xa2: {  	_ =	swait.ge [sflag:s23], $0x1  }
0xa3: {  	[sflag:s23] =	ssyncset.done $0x0  }
0xa4: {  	s25 =	simm.s32 $0x1B8E;
	s24 =	sld [smem:$0x3FFE];
	[sflag:s23] =	ssyncadd.s32 $0xFFFFFFFF  }
0xa5: {  	s26 =	simm.s32 $execute0_lowered;
	[smem:$0x3FD2] =	sst s25  }
0xa6: {  	s5 =	sshll.u32 s26, $0x1;
	_ =	strace $0x80000049;
	[dreg:$0x1] =	wrdreg $0xFFFFFFFF  }
0xa7: {  	s28 =	simm.s32 $_size_execute0_lowered;
	s3 =	sadd.s32 s3, s5;
	[dreg:$0x0] =	wrdreg $0x0  }
0xa8: {  	s5 =	sshll.u32 s28, $0x1;
	[dreg:$0x2] =	wrdreg s3  }
0xa9: {  	[dreg:$0x3] =	wrdreg s5  }
0xaa: {  	[dreg:$0x4] =	wrdreg $0xC0  }
0xab: {  	_ =	task [dreg:s7], $0x5FFFF  }
0xac: {  	[dreg:$0x1] =	wrdreg $0xFFFFFFFF  }
0xad: {  	[dreg:$0x0] =	wrdreg $0x60  }
0xae: {  	[dreg:$0x2] =	wrdreg s2  }
0xaf: {  	[dreg:$0x3] =	wrdreg s24  }
0xb0: {  	[dreg:$0x4] =	wrdreg $0xC4000  }
0xb1: {  	[dreg:$0x5] =	wrdreg $0x9  }
0xb2: {  	_ =	task.clear_ibuf [dreg:s7], $0x6FFFF;
	_ =	strace $0x90000049  }
0xb3: {  	s29 =	simm.s32 $0x9;
	_ =	strace $0x8000004B  }
0xb4: {  	_ =	swait.ge [sflag:s29], $0x1  }
0xb5: {  	[sflag:s29] =	ssyncadd.s32 $0xFFFFFFFF  }
0xb6: {  	_ =	strace $0x9000004B  }
0xb7: {  	_ =	sfence  }
0xb8: {  	s30 =	sld [smem:$0x0];
	_ =	sdelay $0x2  }
0xb9: {  	s31 =	sshll.u32 s1, $0xD;
	s1 =	sshrl.u32 s1, $0x2  }
0xba: {  	s3 =	sand.u32 $0x4000, s31;
	s1 =	sadd.s32 s1, s30  }
0xbb: {  	s0 =	sor.u32 s3, s0;
	s1 =	sshll.u32 s1, $0x11  }
0xbc: {  	s0 =	sor.u32 s1, s0  }
0xbd: {  	s0 =	sadd.s32 $0x8F2B, s0  }
0xbe: {  	[sflag:s0] =	ssyncadd.remote.s32 $0x1  }
0xbf: {  	_ =	sfence.sel $0xFFFF  }
0xc0: {  	[dreg:$0x0] =	wrdreg $0xFFFFFFFF;
	(pc) =	sbr.abs _section_cstart, $3  }
0xc1: {  	[dreg:$0x1] =	wrdreg $0xFFFFFFFF  }
0xc2: {  	_ =	task.clear_ibuf [dreg:s7], $0x2FFFF;
	_ =	strace $0x9FFFFFFF  }
0xc3: {  	(tm) =	ssettm $0x7FFFFFFF  }
tec
execute0_lowered:
.L_overlay_start_1:
0x0: {  	(tag) =	ssettag $0x1  }
0x1: {  	s1 =	rddreg [dreg:$0x0]  }
0x2: {  	s0 =	rddreg [dreg:$0x1]  }
0x3: {  	s2 =	rddreg [dreg:$0x2];
	s4 =	simm.s32 $0x0;
	s17 =	stileid.u32  }
0x4: {  	s5 =	srdreg.scid;
	[smem:$0x7FF] =	sst s4;
	s3 =	sadd.s32 $0x2C00, s0  }
0x5: {  	s7 =	sadd.s32 $0xCA00, s0;
	s8 =	smul.u32 $0x2700, s17;
	s10 =	sand.u32 $0x1, s5  }
0x6: {  	s9 =	smul.u32 $0x4E000, s17;
	s28 =	sadd.s32 $0x124800, s2;
	s29 =	sadd.s32 $0x3B100, s0  }
0x7: {  	s30 =	sadd.s32 $0x24900, s1;
	_ =	strace $0x8000004A;
	[dreg:$0x9] =	wrdreg s28  }
0x8: {  	s15 =	sshll.u32 s17, $0x4;
	p0 =	seq.s32 s17, $0xF;
	[dreg:$0xa] =	wrdreg s29  }
0x9: {  	s5 =	ssub.s32 $0x2, s10;
	s6 =	sshll.u32 s10, $0x4;
	[dreg:$0xb] =	wrdreg s30  }
0xa: {  	s29 =	sadd.s32 $0x89500, s0;
	p1 =	sne.s32 @p0 s10, $0x0;
	s11 =	sadd.s32 s8, s0  }
0xb: {  	s12 =	sshrl.u32 s5, $0x1;
	s26 =	sadd.s32 s1, s8;
	[dreg:$0x15] =	wrdreg s29  }
0xc: {  	s24 =	sshrl.u32 s9, $0x2;
	s0 =	sadd.s32 $0x62300, s0;
	[dreg:$0x8] =	wrdreg s26  }
0xd: {  	s13 =	sor.u32 s17, s6;
	s6 =	sadd.s32 s24, s2;
	[dreg:$0x16] =	wrdreg s0  }
0xe: {  	s9 =	sshll.u32 s10, $0x8;
	s25 =	sadd.s32 $0x16800, s11;
	[dreg:$0x6] =	wrdreg s6  }
0xf: {  	p4 =	por !p1, !p0;
	s26 =	sadd.s32 $0x64C00, s11;
	[dreg:$0x7] =	wrdreg s25  }
0x10: {  	s31 =	sshll.u32 s13, $0x4;
	s28 =	sadd.s32 $0x3DA00, s11;
	[dreg:$0x13] =	wrdreg s26  }
0x11: {  	s12 =	ssub.s32 s5, s12;
	s18 =	sadd.s32 s3, s31;
	[dreg:$0x14] =	wrdreg s28  }
0x12: {  	s23 =	ssub.s32 $0x9C3, s13;
	s19 =	sadd.s32 s7, s31;
	[dreg:$0xc] =	wrdreg s18  }
0x13: {  	s16 =	sor.u32 $0x200, s31;
	s30 =	smax.u32 s12, $0x1;
	[dreg:$0xd] =	wrdreg s19  }
0x14: {  	s14 =	sadd.s32 s9, s3;
	s20 =	sadd.s32 s3, s16;
	[dreg:$0x17] =	wrdreg s30  }
0x15: {  	s14 =	sadd.s32 s15, s14;
	s21 =	sadd.s32 s7, s16;
	[dreg:$0xe] =	wrdreg s20  }
0x16: {  	s8 =	sor.u32 $0x400, s31;
	s14 =	sadd.s32 $0x600, s14;
	[dreg:$0xf] =	wrdreg s21  }
0x17: {  	s5 =	sshrl.u32 s23, $0x5;
	s3 =	sadd.s32 s3, s8;
	[dreg:$0x4] =	wrdreg s14  }
0x18: {  	s25 =	sadd.s32 s9, s7;
	s23 =	sadd.s32 s7, s8;
	[dreg:$0x10] =	wrdreg s3  }
0x19: {  	s22 =	sand.u32 $0x1, s5;
	[dreg:$0x11] =	wrdreg s23;
	s3 =	sadd.s32 s15, s25  }
0x1a: {  	s24 =	sor.u32 $0x8, s22;
	s31 =	sadd.s32 $0x600, s3;
	s3 =	simm.s32 @!p4 $0x0  }
0x1b: {  	p1 =	por p1, !p0;
	[dreg:$0x12] =	wrdreg s24;
	s3 =	simm.s32 @p4 $0x1  }
0x1c: {  	p3 =	sne.s32 @!p0 s10, $0x0;
	[smem:$0x7FC] =	sst s3;
	s3 =	simm.s32 @!p1 $0x0  }
0x1d: {  	p2 =	por !p3, p0;
	[dreg:$0x5] =	wrdreg s31;
	s3 =	simm.s32 @p1 $0x1  }
0x1e: {  	p3 =	por p3, p0;
	s0 =	simm.s32 $0x0;
	[smem:$0x7FD] =	sst s3  }
.LBB2_1:
0x1f: {  	s6 =	rddreg [dreg:$0x9]  }
0x20: {  	s7 =	rddreg [dreg:$0xa];
	s8 =	sshrl.u32 @!p4 s6, $0x3  }
0x21: {  	s3 =	simm.s32 @!p4 $0x1FCA;
	[dreg:$0x18] =	wrdreg s8  }
0x22: {  	[spmem:s8], [sflag:s3] =	dma.local @!p4 [hbm:s7], $0x2800  }
0x23: {  	s3 =	simm.s32 @!p4 $0xA  }
0x24: {  	s7 =	sshrl.u32 @!p1 s6, $0x3;
	_ =	swait.ge @!p4 [sflag:s3], $0x2800  }
0x25: {  	[dreg:$0x19] =	wrdreg s7;
	[sflag:s3] =	ssyncset.done @!p4 $0x0  }
0x26: {  	s6 =	rddreg [dreg:$0xb];
	[sflag:s3] =	ssyncadd.s32 @!p4 $0xFFFFD800;
	s3 =	simm.s32 @!p1 $0x1FCA  }
0x27: {  	[spmem:s7], [sflag:s3] =	dma.local @!p1 [hbm:s6], $0x2800  }
0x28: {  	s3 =	simm.s32 @!p1 $0xA;
	s6 =	stileid.u32  }
0x29: {  	_ =	swait.ge @!p1 [sflag:s3], $0x2800;
	s7 =	sshll.u32 @!p2 s6, $0x6  }
0x2a: {  	[sflag:s3] =	ssyncset.done @!p1 $0x0;
	s28 =	sor.u32 @!p2 $0x1C0A, s7;
	s8 =	rddreg [dreg:$0x6]  }
0x2b: {  	[sflag:s3] =	ssyncadd.s32 @!p1 $0xFFFFD800;
	s29 =	sshrl.u32 @!p2 s8, $0x3;
	s3 =	rddreg [dreg:$0x7]  }
0x2c: {  	[spmem:s29], [sflag:s28] =	dma.local @!p2 [hbm:s3], $0x2700  }
0x2d: {  	s3 =	simm.s32 @!p2 $0xA  }
0x2e: {  	s7 =	sshll.u32 @!p3 s6, $0x6;
	_ =	swait.ge @!p2 [sflag:s3], $0x2700  }
0x2f: {  	s31 =	sor.u32 @!p3 $0x1C0A, s7;
	[sflag:s3] =	ssyncset.done @!p2 $0x0  }
0x30: {  	s7 =	sshrl.u32 @!p3 s8, $0x3;
	[sflag:s3] =	ssyncadd.s32 @!p2 $0xFFFFD900;
	s3 =	rddreg [dreg:$0x8]  }
0x31: {  	[spmem:s7], [sflag:s31] =	dma.local @!p3 [hbm:s3], $0x2700  }
0x32: {  	s3 =	simm.s32 @!p3 $0xA  }
0x33: {  	_ =	swait.ge @!p3 [sflag:s3], $0x2700  }
0x34: {  	[sflag:s3] =	ssyncset.done @!p3 $0x0  }
0x35: {  	s10 =	rddreg [dreg:$0xc];
	[sflag:s3] =	ssyncadd.s32 @!p3 $0xFFFFD900  }
0x36: {  	[tilespmem:s4], [sflag:$0x1] =	stream.linear.gather [hbm4b:s10+s4], $0x80, $0x38;
	[tilespmem:$0x1FC80] =	vst v63  }
0x37: {  	s12 =	simm.s32 $0x200;
	s11 =	rddreg [dreg:$0xd]  }
0x38: {  	[tilespmem:s12], [sflag:$0x1] =	stream.linear.gather [hbm4b:s11+s4], $0x80, $0x38;
	[tilespmem:$0x1FC80] =	vst v63  }
0x39: {  	s14 =	simm.s32 $0x80;
	s13 =	rddreg [dreg:$0xe]  }
0x3a: {  	[tilespmem:s14], [sflag:$0x2] =	stream.linear.gather [hbm4b:s13+s4], $0x80, $0x38;
	[tilespmem:$0x1FC80] =	vst v63  }
0x3b: {  	s16 =	simm.s32 $0x280;
	s15 =	rddreg [dreg:$0xf]  }
0x3c: {  	[tilespmem:s16], [sflag:$0x2] =	stream.linear.gather [hbm4b:s15+s4], $0x80, $0x38;
	[tilespmem:$0x1FC80] =	vst v63  }
0x3d: {  	s18 =	simm.s32 $0x100;
	s17 =	rddreg [dreg:$0x10]  }
0x3e: {  	[tilespmem:s18], [sflag:$0x3] =	stream.linear.gather [hbm4b:s17+s4], $0x80, $0x38;
	[tilespmem:$0x1FC80] =	vst v63  }
0x3f: {  	s20 =	simm.s32 $0x300;
	s21 =	simm.s32 $0x1;
	s19 =	rddreg [dreg:$0x11]  }
0x40: {  	[tilespmem:s20], [sflag:$0x3] =	stream.linear.gather [hbm4b:s19+s4], $0x80, $0x38;
	[tilespmem:$0x1FC80] =	vst v63  }
0x41: {  	_ =	swait.ge [sflag:s21], $0x80  }
0x42: {  	[sflag:s21] =	ssyncset.done $0x0  }
0x43: {  	[sflag:s21] =	ssyncadd.s32 $0xFFFFFF80  }
0x44: {  	_ =	swait.ge [sflag:s21], $0x80  }
0x45: {  	[sflag:s21] =	ssyncset.done $0x0  }
0x46: {  	s22 =	simm.s32 $0x2;
	s8 =	simm.s32 $0x400;
	[sflag:s21] =	ssyncadd.s32 $0xFFFFFF80  }
0x47: {  	[tilespmem:s8], [sflag:$0x5] =	stream.indirect.gather [hbm4b:s1+s14], $0x80, s4, s14, $0xb8;
	[tilespmem:$0x1FC80] =	vst v63  }
0x48: {  	_ =	swait.ge [sflag:s22], $0x80  }
0x49: {  	p4 =	slt.u32 s5, $0x0;
	[sflag:s22] =	ssyncset.done $0x0  }
0x4a: {  	p0 =	por @!p4 $0x1, $0x1;
	[sflag:s22] =	ssyncadd.s32 $0xFFFFFF80  }
0x4b: {  	p0 =	por p0, p4;
	_ =	swait.ge [sflag:s22], $0x80  }
0x4c: {  	s10 =	sxor.u32 @!p0 $0xFFFFFFFF, s4;
	[sflag:s22] =	ssyncset.done $0x0  }
0x4d: {  	s9 =	simm.s32 $0x4400;
	s10 =	sand.u32 @!p0 $0x1, s10;
	[sflag:s22] =	ssyncadd.s32 $0xFFFFFF80  }
0x4e: {  	[tilespmem:s9], [sflag:$0x6] =	stream.indirect.gather [hbm4b:s1+s14], $0x80, s14, s14, $0xb8;
	[tilespmem:$0x1FC80] =	vst v63  }
0x4f: {  	s3 =	smulhi.u32 $0xAAAAAAAB, s22;
	s10 =	sor.u32 @!p0 $0x8, s10;
	[bflag:$0x0] =	sbarrier.arrive $0xFFFF  }
0x50: {  	s23 =	smulhi.u32 $0xAAAAAAAB, s4;
	p1 =	slt.u32 @!p4 s5, $0x3;
	_ =	swait.ge @!p0 [sflag:s10], $0x4000  }
0x51: {  	s3 =	sshrl.u32 s3, $0x1;
	[sflag:s10] =	ssyncset.done @!p0 $0x0;
	s11 =	rddreg [dreg:$0x4]  }
0x52: {  	[sflag:s10] =	ssyncadd.s32 @!p0 $0xFFFFC000;
	s10 =	simm.s32 @!p4 $0x3;
	p0 =	por p1, p4  }
0x53: {  	s13 =	rddreg [dreg:$0x5];
	s10 =	sand.u32 @!p0 $0x3, s10;
	s12 =	simm.s32 @!p0 $0x0  }
0x54: {  	s11 =	sadd.s32 @!p0 $0x0, s11;
	s14 =	sshll.u32 @!p0 s10, $0x7;
	s10 =	sadd.s32 @!p0 $0x1, s10  }
0x55: {  	[tilespmem:s14], [sflag:s10] =	stream.linear.gather @!p0 [hbm4b:s11+s12], $0x80, $0x38;
	[tilespmem:$0x1FC80] =	vst v63  }
0x56: {  	s24 =	smul.u32 $0xFFFFFFF4, s3;
	s13 =	sadd.s32 @!p0 $0x0, s13;
	s11 =	sor.u32 @!p0 $0x200, s14  }
0x57: {  	[tilespmem:s11], [sflag:s10] =	stream.linear.gather @!p0 [hbm4b:s13+s12], $0x80, $0x38;
	[tilespmem:$0x1FC80] =	vst v63  }
0x58: {  	s25 =	sshrl.u32 s23, $0x1;
	s3 =	smul.u32 $0xFFFD0000, s3;
	p0 =	slt.u32 @!p4 s5, $0x2  }
0x59: {  	s26 =	smul.u32 $0xFFFFFFF4, s25;
	s10 =	simm.s32 @!p4 $0x2;
	p0 =	por p0, p4  }
0x5a: {  	s3 =	sshra.s32 s3, $0x2;
	s10 =	sand.u32 @!p0 $0x3, s10  }
0x5b: {  	s30 =	sshra.s32 s26, $0x2;
	s3 =	sadd.s32 $0x8400, s3;
	s11 =	sadd.s32 @!p0 $0x1, s10  }
0x5c: {  	s15 =	simm.s32 $0x0;
	s19 =	simm.s32 @!p4 $0x80;
	_ =	swait.ge @!p0 [sflag:s11], $0x80  }
0x5d: {  	s20 =	sadd.s32 $0x5, s30;
	s13 =	sshra.s32 s24, $0x2;
	[sflag:s11] =	ssyncset.done @!p0 $0x0  }
0x5e: {  	s12 =	sand.u32 @!p4 $0x600, s4;
	s13 =	sadd.s32 $0x7, s13;
	[sflag:s11] =	ssyncadd.s32 @!p0 $0xFFFFFF80  }
0x5f: {  	s12 =	sshrl.u32 @!p4 s12, $0x2;
	s14 =	simm.s32 @!p0 $0x80;
	_ =	swait.ge @!p0 [sflag:s11], $0x80  }
0x60: {  	s17 =	sor.u32 @!p4 $0x200, s12;
	s12 =	simm.s32 $0x6;
	[sflag:s11] =	ssyncset.done @!p0 $0x0  }
0x61: {  	s10 =	sshll.u32 @!p0 s10, $0x7;
	[sflag:s11] =	ssyncadd.s32 @!p0 $0xFFFFFF80;
	s11 =	sand.u32 @!p4 $0x1, s4  }
0x62: {  	[tilespmem:s3], [sflag:s13] =	stream.indirect.gather @!p0 [hbm4b:s1+s14], $0x80, s10, s14, $0xb8;
	[tilespmem:$0x1FC80] =	vst v63  }
0x63: {  	s10 =	simm.s32 $0x1;
	s16 =	sor.u32 @!p4 $0x8, s11;
	s3 =	smul.u32 $0xFFFD0000, s25  }
0x64: {  	s11 =	simm.s32 $0x4400;
	s13 =	simm.s32 $0x8;
	s14 =	simm.s32 $0x3  }
0x65: {  	_ =	swait.ge @!p4 [sflag:s20], $0x4000;
	s21 =	sshra.s32 s3, $0x2;
	s3 =	simm.s32 $0xC400  }
.LBB2_2:
0x66: {  	[sflag:s20] =	ssyncset.done @!p4 $0x0  }
0x67: {  	s15 =	sadd.s32 $0x200, s15;
	s22 =	smov.u32 s10;
	s10 =	sadd.s32 $0x1, s10  }
0x68: {  	s8 =	sadd.s32 s21, s8;
	s25 =	smulhi.u32 $0xAAAAAAAB, s14;
	[sflag:s20] =	ssyncadd.s32 @!p4 $0xFFFFC000  }
0x69: {  	[spmem:s2] =	stream.indirect.scatter.add.f32 @!p4 [tilespmem:s8], [sflag:s16], $0x80, s17, s19, $0xb8;
	[tilespmem:$0x1FC80] =	vst v63  }
0x6a: {  	s14 =	sadd.s32 $0x1, s14;
	p5 =	sne.s32 s10, $0x4F;
	s8 =	smov.u32 s11  }
0x6b: {  	p4 =	sgt.u32 s22, s5;
	s11 =	sadd.s32 $0x4000, s11;
	s25 =	sshrl.u32 s25, $0x1  }
0x6c: {  	p0 =	seq.s32 @!p4 s22, $0x0;
	s20 =	sadd.s32 @!p4 $0x3, s22;
	s21 =	sadd.s32 @!p4 $0x2, s22  }
0x6d: {  	s17 =	sand.u32 @!p4 $0x1, s22;
	s19 =	sand.u32 @!p4 $0x600, s15;
	s24 =	smul.u32 $0xFFFD0000, s25  }
0x6e: {  	s25 =	smul.u32 $0xFFFFFFF4, s25;
	p1 =	por p0, p4;
	p0 =	sgt.u32 @!p4 s20, s5  }
0x6f: {  	p6 =	sgt.u32 @!p4 s21, s5;
	s19 =	sshrl.u32 @!p4 s19, $0x2;
	s16 =	sxor.u32 @!p1 $0xFFFFFFFF, s22  }
0x70: {  	s22 =	smulhi.u32 $0xAAAAAAAB, s22;
	p0 =	por p0, p4;
	p6 =	por p6, p4  }
0x71: {  	s23 =	sand.u32 @!p1 $0x1, s16;
	s16 =	sor.u32 @!p4 $0x8, s17;
	s17 =	sor.u32 @!p4 $0x200, s19  }
0x72: {  	s19 =	simm.s32 @!p4 $0x80;
	s20 =	sand.u32 @!p0 $0x3, s20;
	s23 =	sor.u32 @!p1 $0x8, s23  }
0x73: {  	s21 =	sand.u32 @!p6 $0x3, s21;
	s18 =	sshll.u32 @!p0 s20, $0x7;
	_ =	swait.ge @!p1 [sflag:s23], $0x4000  }
0x74: {  	s20 =	sadd.s32 @!p0 $0x1, s20;
	s26 =	sshll.u32 @!p6 s21, $0x7;
	s6 =	rddreg [dreg:$0x4]  }
0x75: {  	s30 =	sor.u32 @!p0 $0x200, s18;
	[sflag:s23] =	ssyncset.done @!p1 $0x0;
	s9 =	rddreg [dreg:$0x5]  }
0x76: {  	[sflag:s23] =	ssyncadd.s32 @!p1 $0xFFFFC000;
	s23 =	simm.s32 @!p0 $0x0;
	s6 =	sadd.s32 @!p0 s15, s6  }
0x77: {  	[tilespmem:s18], [sflag:s20] =	stream.linear.gather @!p0 [hbm4b:s6+s23], $0x80, $0x38;
	[tilespmem:$0x1FC80] =	vst v63  }
0x78: {  	s9 =	sadd.s32 @!p0 s15, s9;
	s18 =	sshrl.u32 s22, $0x1;
	s22 =	sadd.s32 @!p6 $0x1, s21  }
0x79: {  	[tilespmem:s30], [sflag:s20] =	stream.linear.gather @!p0 [hbm4b:s9+s23], $0x80, $0x38;
	[tilespmem:$0x1FC80] =	vst v63  }
0x7a: {  	s6 =	sshra.s32 s25, $0x2;
	s25 =	smul.u32 $0xFFFFFFF4, s18;
	_ =	swait.ge @!p6 [sflag:s22], $0x80  }
0x7b: {  	s18 =	smul.u32 $0xFFFD0000, s18;
	s6 =	sadd.s32 s6, s13;
	[sflag:s22] =	ssyncset.done @!p6 $0x0  }
0x7c: {  	s13 =	sadd.s32 $0x1, s13;
	s30 =	sshra.s32 s24, $0x2;
	[sflag:s22] =	ssyncadd.s32 @!p6 $0xFFFFFF80  }
.Ltmp0:
0x7d: {  	s24 =	simm.s32 @!p6 $0x80;
	_ =	swait.ge @!p6 [sflag:s22], $0x80;
	(pc) =	sbr.rel @p5 .LBB2_2-.Ltmp0, $4  }
0x7e: {  	s9 =	sshra.s32 s25, $0x2;
	s23 =	sadd.s32 s30, s3;
	[sflag:s22] =	ssyncset.done @!p6 $0x0  }
0x7f: {  	s21 =	sshra.s32 s18, $0x2;
	s20 =	sadd.s32 s9, s12;
	[sflag:s22] =	ssyncadd.s32 @!p6 $0xFFFFFF80  }
0x80: {  	[tilespmem:s23], [sflag:s6] =	stream.indirect.gather @!p6 [hbm4b:s1+s24], $0x80, s26, s24, $0xb8;
	[tilespmem:$0x1FC80] =	vst v63  }
0x81: {  	s3 =	sadd.s32 $0x4000, s3;
	s12 =	sadd.s32 $0x1, s12;
	_ =	swait.ge @!p4 [sflag:s20], $0x4000  }
0x82: {  	[sflag:s20] =	ssyncset.done @!p4 $0x0  }
0x83: {  	s3 =	sadd.s32 s21, s8;
	s25 =	rddreg [dreg:$0x12];
	[sflag:s20] =	ssyncadd.s32 @!p4 $0xFFFFC000  }
0x84: {  	[spmem:s2] =	stream.indirect.scatter.add.f32 @!p4 [tilespmem:s3], [sflag:s16], $0x80, s17, s19, $0xb8;
	[tilespmem:$0x1FC80] =	vst v63  }
0x85: {  	_ =	swait.ge [sflag:s25], $0x4000  }
0x86: {  	[sflag:s25] =	ssyncset.done $0x0  }
0x87: {  	[sflag:s25] =	ssyncadd.s32 $0xFFFFC000  }
0x88: {  	[bflag:$0x0] =	sbarrier.arrive $0xFFFF  }
0x89: {  	s26 =	sld [smem:$0x7FC];
	_ =	sdelay $0x2  }
0x8a: {  	s6 =	rddreg [dreg:$0x15];
	p4 =	seq.s32 s26, $0x1  }
0x8b: {  	s8 =	rddreg [dreg:$0x18];
	s3 =	simm.s32 @!p4 $0x1FCA  }
0x8c: {  	[hbm:s6], [sflag:s3] =	dma.local @!p4 [spmem:s8], $0x2800  }
0x8d: {  	s3 =	simm.s32 @!p4 $0xA  }
0x8e: {  	_ =	swait.ge @!p4 [sflag:s3], $0x2800  }
0x8f: {  	s30 =	sld [smem:$0x7FD];
	_ =	sdelay $0x2  }
0x90: {  	[sflag:s3] =	ssyncset.done @!p4 $0x0;
	s6 =	rddreg [dreg:$0x16];
	p1 =	seq.s32 s30, $0x1  }
0x91: {  	s8 =	rddreg [dreg:$0x19];
	[sflag:s3] =	ssyncadd.s32 @!p4 $0xFFFFD800;
	s3 =	simm.s32 @!p1 $0x1FCA  }
0x92: {  	[hbm:s6], [sflag:s3] =	dma.local @!p1 [spmem:s8], $0x2800  }
0x93: {  	s3 =	simm.s32 @!p1 $0xA  }
0x94: {  	_ =	swait.ge @!p1 [sflag:s3], $0x2800  }
0x95: {  	[sflag:s3] =	ssyncset.done @!p1 $0x0  }
0x96: {  	[sflag:s3] =	ssyncadd.s32 @!p1 $0xFFFFD800;
	s3 =	rddreg [dreg:$0x13]  }
0x97: {  	[hbm:s3], [sflag:s28] =	dma.local @!p2 [spmem:s29], $0x2700  }
0x98: {  	s3 =	simm.s32 @!p2 $0xA  }
0x99: {  	_ =	swait.ge @!p2 [sflag:s3], $0x2700  }
0x9a: {  	[sflag:s3] =	ssyncset.done @!p2 $0x0  }
0x9b: {  	[sflag:s3] =	ssyncadd.s32 @!p2 $0xFFFFD900;
	s3 =	rddreg [dreg:$0x14]  }
0x9c: {  	[hbm:s3], [sflag:s31] =	dma.local @!p3 [spmem:s7], $0x2700  }
0x9d: {  	s3 =	simm.s32 @!p3 $0xA  }
0x9e: {  	_ =	swait.ge @!p3 [sflag:s3], $0x2700  }
0x9f: {  	s0 =	sadd.s32 $0x1, s0;
	s31 =	rddreg [dreg:$0x17]  }
0xa0: {  	p0 =	sne.s32 s0, s31  }
.Ltmp1:
0xa1: {  	_ = 	snop;
	(pc) =	sbr.rel @p0 .LBB2_1-.Ltmp1, $3  }
0xa2: {  	_ =	sdelay $0x1  }
0xa3: {  	[sflag:s3] =	ssyncset.done @!p3 $0x0  }
0xa4: {  	[sflag:s3] =	ssyncadd.s32 @!p3 $0xFFFFD900  }
0xa5: {  	_ =	sfence.sel $0x180000  }
0xa6: {  	[bflag:$0x0] =	sbarrier.arrive $0xFFFF  }
0xa7: {  	_ =	strace $0x9000004A  }
0xa8: {  	s0 =	stileid.u32;
	[bflag:$0x2] =	sbarrier.arrive $0xFFFF  }
0xa9: {  	p0 =	sne.s32 s0, $0x0;
	s0 =	rddreg [dreg:$0x3]  }
0xaa: {  	s0 =	sadd.s32 @!p0 $0x100000, s0  }
0xab: {  	[sflag:s0] =	ssyncadd.tile.s32 @!p0 $0x1;
	_ =	shalt  }
.Lfunc_end2:
_tile_overlayer_lowered:
.L_overlay_start_2:
0xac: {  	(tag) =	ssettag $0x2  }
0xad: {  	s0 =	rddreg [dreg:$0x0];
	s2 =	stileid.u32  }
0xae: {  	s1 =	rddreg [dreg:$0x1];
	p0 =	sne.s32 s2, $0x0  }
0xaf: {  	s3 =	rddreg [dreg:$0x2];
	[bflag:$0x3] =	sbarrier.arrive $0xFFFF;
	s2 =	simm.s32 @!p0 $0x1C0A  }
0xb0: {  	[timem:s3], [sflag:s2] =	dma.local @!p0 [hbm:s0], s1  }
0xb1: {  	s0 =	simm.s32 @!p0 $0xA  }
0xb2: {  	_ =	swait.ge @!p0 [sflag:s0], s1  }
0xb3: {  	s1 =	ssub.s32 @!p0 $0x0, s1;
	[sflag:s0] =	ssyncset.done @!p0 $0x0  }
0xb4: {  	[sflag:s0] =	ssyncadd.s32 @!p0 s1  }
0xb5: {  	[bflag:$0x3] =	sbarrier.arrive $0xFFFF  }
0xb6: {  	_ =	shalt  }

// kernel: kernel.14.cloned.1.call-start
scs
__scs_entry_jumppad:
0x0: {  	(pc) =	sbr.rel $0x88, $3  }
0x1: {  	(tag) =	ssettag $0x0;
	lr =	simm.s32 $0x1  }
0x2: {  	[smem:$0x3F99] =	sst lr;
	_ =	strace $0xD0000000  }
0x3: {  	_ = 	snop  }
0x4: {  	_ = 	snop  }
0x5: {  	_ = 	snop  }
0x6: {  	_ = 	snop  }
0x7: {  	_ = 	snop  }
__scs_overlays_trampoline_lowered:
0x8: {  	[smem:$0x3FA8] =	sst s0  }
0x9: {  	[smem:$0x3FA9] =	sst s1  }
0xa: {  	[smem:$0x3FAA] =	sst s2  }
0xb: {  	[smem:$0x3FAB] =	sst s3  }
0xc: {  	[smem:$0x3FAC] =	sst s4  }
0xd: {  	[smem:$0x3FAD] =	sst s5  }
0xe: {  	[smem:$0x3FAE] =	sst s6  }
0xf: {  	[smem:$0x3FAF] =	sst s7  }
0x10: {  	[smem:$0x3FB0] =	sst s8  }
0x11: {  	[smem:$0x3FB1] =	sst s9;
	s0 =	simm.s32 @!p0 $0x0  }
0x12: {  	s1 =	sld [smem:$0x3F97];
	s0 =	simm.s32 @p0 $0x1  }
0x13: {  	[smem:$0x3FB2] =	sst s0;
	s0 =	simm.s32 @!p1 $0x0  }
0x14: {  	s2 =	sld [smem:$0x3F96];
	s0 =	simm.s32 @p1 $0x1  }
0x15: {  	[smem:$0x3FB3] =	sst s0;
	s0 =	simm.s32 @!p2 $0x0  }
0x16: {  	s3 =	sld [smem:$0x3FDB];
	s0 =	simm.s32 @p2 $0x1  }
0x17: {  	s4 =	simm.s32 $0x1BF5;
	[smem:$0x3FB5] =	sst s0  }
0x18: {  	s0 =	sld [smem:$0x3F98];
	_ =	swait.ge [sflag:s4], $0x0  }
0x19: {  	s7 =	sld [smem:$0x3F99]  }
0x1a: {  	s8 =	sadd.s32 $0xFFFFE003, lr  }
0x1b: {  	s9 =	sadd.s32 $0xFFFFFEF7, lr;
	s5 =	simm.s32 $0xFFFFFFFF;
	p2 =	slt.u32 s8, $0xFFFFF086  }
0x1c: {  	p1 =	slt.u32 s9, $0xF7A;
	s5 =	simm.s32 @!p2 $0x0  }
0x1d: {  	s5 =	simm.s32 @p1 $0x1;
	p0 =	seq.s32 s7, s2  }
0x1e: {  	s7 =	smul.u32 @!p0 $0xF7A, s2;
	p2 =	seq.s32 @!p0 s5, $0x0  }
0x1f: {  	s9 =	smul.u32 $0xF7A, s1;
	s8 =	simm.s32 @!p0 $0x1BF5;
	p2 =	por !p2, p0  }
0x20: {  	[sflag:s8] =	ssyncset.s32 @!p0 $0xFFFFF086;
	s6 =	sadd.s32 @!p0 s3, s7;
	s7 =	simm.s32 @!p0 $0x108  }
0x21: {  	s3 =	sadd.s32 s3, s9;
	s6 =	sadd.s32 @!p0 $0x88, s6;
	s7 =	simm.s32 @p2 $0x1082  }
0x22: {  	[simem:s7], [sflag:s8] =	dma.local @!p0 [hbm:s6], $0xF7A  }
0x23: {  	s9 =	sor.u32 $0xD0000000, s2;
	s6 =	simm.s32 $0x108;
	_ =	swait.ge @!p0 [sflag:s8], $0x0  }
0x24: {  	s3 =	sadd.s32 $0x88, s3;
	s6 =	simm.s32 @!p1 $0x1082;
	[sflag:s4] =	ssyncset.s32 $0xFFFFF086  }
0x25: {  	[simem:s6], [sflag:s4] =	dma.local [hbm:s3], $0xF7A  }
0x26: {  	[smem:$0x3F99] =	sst s1;
	(tag) =	ssettag s2;
	_ =	strace s9  }
0x27: {  	s1 =	sld [smem:$0x3FA9]  }
0x28: {  	s2 =	sld [smem:$0x3FAA]  }
0x29: {  	s4 =	sld [smem:$0x3FAC]  }
0x2a: {  	p0 =	seq.s32 s5, $0x0;
	s5 =	sld [smem:$0x3FAD]  }
0x2b: {  	s6 =	sld [smem:$0x3FAE]  }
0x2c: {  	s7 =	sld [smem:$0x3FAF]  }
0x2d: {  	s3 =	simm.s32 $0x108;
	s8 =	sld [smem:$0x3FB0]  }
0x2e: {  	s3 =	simm.s32 @!p0 $0x1082;
	s9 =	sld [smem:$0x3FB1]  }
0x2f: {  	lr =	sadd.s32 s0, s3;
	s0 =	sld [smem:$0x3FA8]  }
0x30: {  	s3 =	sld [smem:$0x3FAB]  }
0x31: {  	[smem:$0x3FB4] =	sst s10  }
0x32: {  	s10 =	sld [smem:$0x3FB2];
	_ =	sdelay $0x3  }
0x33: {  	p0 =	seq.s32 s10, $0x1;
	s10 =	sld [smem:$0x3FB4];
	_ =	sdelay $0x3  }
0x34: {  	[smem:$0x3FB4] =	sst s10  }
0x35: {  	s10 =	sld [smem:$0x3FB3];
	_ =	sdelay $0x3  }
0x36: {  	p1 =	seq.s32 s10, $0x1;
	s10 =	sld [smem:$0x3FB4];
	_ =	sdelay $0x3  }
0x37: {  	[smem:$0x3FB4] =	sst s10  }
0x38: {  	s10 =	sld [smem:$0x3FB5]  }
0x39: {  	_ = 	snop;
	(pc) =	sbr.ind lr, $3  }
0x3a: {  	_ = 	snop  }
0x3b: {  	_ = 	snop  }
0x3c: {  	p2 =	seq.s32 s10, $0x1;
	s10 =	sld [smem:$0x3FB4]  }
0x3d: {  	_ =	shalt  }
0x3e: {  	_ =	shalt  }
0x3f: {  	_ =	shalt  }
0x40: {  	_ =	shalt  }
0x41: {  	_ =	shalt  }
0x42: {  	_ =	shalt  }
0x43: {  	_ =	shalt  }
0x44: {  	_ =	shalt  }
0x45: {  	_ =	shalt  }
0x46: {  	_ =	shalt  }
0x47: {  	_ =	shalt  }
0x48: {  	_ =	shalt  }
0x49: {  	_ =	shalt  }
0x4a: {  	_ =	shalt  }
0x4b: {  	_ =	shalt  }
0x4c: {  	_ =	shalt  }
0x4d: {  	_ =	shalt  }
0x4e: {  	_ =	shalt  }
0x4f: {  	_ =	shalt  }
0x50: {  	_ =	shalt  }
0x51: {  	_ =	shalt  }
0x52: {  	_ =	shalt  }
0x53: {  	_ =	shalt  }
0x54: {  	_ =	shalt  }
0x55: {  	_ =	shalt  }
0x56: {  	_ =	shalt  }
0x57: {  	_ =	shalt  }
0x58: {  	_ =	shalt  }
0x59: {  	_ =	shalt  }
0x5a: {  	_ =	shalt  }
0x5b: {  	_ =	shalt  }
0x5c: {  	_ =	shalt  }
0x5d: {  	_ =	shalt  }
0x5e: {  	_ =	shalt  }
0x5f: {  	_ =	shalt  }
0x60: {  	_ =	shalt  }
0x61: {  	_ =	shalt  }
0x62: {  	_ =	shalt  }
0x63: {  	_ =	shalt  }
0x64: {  	_ =	shalt  }
0x65: {  	_ =	shalt  }
0x66: {  	_ =	shalt  }
0x67: {  	_ =	shalt  }
0x68: {  	_ =	shalt  }
0x69: {  	_ =	shalt  }
0x6a: {  	_ =	shalt  }
0x6b: {  	_ =	shalt  }
0x6c: {  	_ =	shalt  }
0x6d: {  	_ =	shalt  }
0x6e: {  	_ =	shalt  }
0x6f: {  	_ =	shalt  }
0x70: {  	_ =	shalt  }
0x71: {  	_ =	shalt  }
0x72: {  	_ =	shalt  }
0x73: {  	_ =	shalt  }
0x74: {  	_ =	shalt  }
0x75: {  	_ =	shalt  }
0x76: {  	_ =	shalt  }
0x77: {  	_ =	shalt  }
0x78: {  	_ =	shalt  }
0x79: {  	_ =	shalt  }
0x7a: {  	_ =	shalt  }
0x7b: {  	_ =	shalt  }
0x7c: {  	_ =	shalt  }
0x7d: {  	_ =	shalt  }
0x7e: {  	_ =	shalt  }
0x7f: {  	_ =	shalt  }
0x80: {  	_ =	shalt  }
0x81: {  	_ =	shalt  }
0x82: {  	_ =	shalt  }
0x83: {  	_ =	shalt  }
0x84: {  	_ =	shalt  }
0x85: {  	_ =	shalt  }
0x86: {  	_ =	shalt  }
0x87: {  	_ =	shalt  }
.Lfunc_end0:
.L_simem_size_0:
called_computation.2_lowered:
.L_overlay_start_0:
0x88: {  	s2 =	sld [smem:$0x3FD9]  }
0x89: {  	s3 =	sld [smem:$0x3FFE];
	_ =	sdelay $0x1  }
0x8a: {  	s1 =	srdreg.scid  }
0x8b: {  	s0 =	sand.u32 $0x1, s1  }
0x8c: {  	s17 =	sshll.u32 s0, $0xA;
	s2 =	sadd.s32 s3, s2  }
0x8d: {  	s2 =	sadd.s32 s2, s17  }
0x8e: {  	[smem:$0x3FC0] =	sst s2  }
0x8f: {  	_ = 	snop  }
0x90: {  	s2 =	sld [smem:$0x3FD0];
	(tm) =	ssettm $0x1  }
0x91: {  	s18 =	sld [smem:$0x3FFB];
	_ =	sdelay $0x3  }
0x92: {  	_ =	strace s18  }
0x93: {  	s3 =	sld [smem:$0x3FFC];
	_ =	sdelay $0x3  }
0x94: {  	_ =	strace s3  }
0x95: {  	s3 =	sld [smem:$0x3FFD];
	_ =	sdelay $0x3  }
0x96: {  	_ =	strace s3  }
0x97: {  	_ =	strace $0x8FFFFFFF  }
0x98: {  	s19 =	sld [smem:$0x3FDB];
	_ =	sdelay $0x1  }
0x99: {  	s4 =	simm.s32 $_scs_section_size  }
0x9a: {  	s5 =	simm.s32 $_size__tile_overlayer_lowered;
	s6 =	simm.s32 $_tile_overlayer_lowered  }
0x9b: {  	s22 =	simm.s32 $0x1BFF;
	s21 =	sshll.u32 s6, $0x1;
	s3 =	sadd.s32 s4, s19  }
0x9c: {  	s7 =	simm.s32 $0x0;
	s20 =	sshll.u32 s5, $0x1;
	s5 =	sadd.s32 s21, s3  }
0x9d: {  	[timem:s7], [sflag:s22] =	dma.local [hbm:s5], s20  }
0x9e: {  	_ =	swait.ge [sflag:s22], s20  }
0x9f: {  	s4 =	ssub.s32 $0x0, s20;
	[sflag:s22] =	ssyncset.done $0x0  }
0xa0: {  	[sflag:s22] =	ssyncadd.s32 s4;
	_ =	sdelay $0x1  }
0xa1: {  	s23 =	simm.s32 $0x1B8B  }
0xa2: {  	_ =	swait.ge [sflag:s23], $0x1  }
0xa3: {  	[sflag:s23] =	ssyncset.done $0x0  }
0xa4: {  	s25 =	simm.s32 $0x1B8E;
	s24 =	sld [smem:$0x3FFE];
	[sflag:s23] =	ssyncadd.s32 $0xFFFFFFFF  }
0xa5: {  	s26 =	simm.s32 $execute0_lowered;
	[smem:$0x3FD2] =	sst s25  }
0xa6: {  	s5 =	sshll.u32 s26, $0x1;
	_ =	strace $0x8000004C;
	[dreg:$0x1] =	wrdreg $0xFFFFFFFF  }
0xa7: {  	s28 =	simm.s32 $_size_execute0_lowered;
	s3 =	sadd.s32 s3, s5;
	[dreg:$0x0] =	wrdreg $0x0  }
0xa8: {  	s5 =	sshll.u32 s28, $0x1;
	[dreg:$0x2] =	wrdreg s3  }
0xa9: {  	[dreg:$0x3] =	wrdreg s5  }
0xaa: {  	[dreg:$0x4] =	wrdreg $0xC0  }
0xab: {  	_ =	task [dreg:s7], $0x5FFFF  }
0xac: {  	[dreg:$0x1] =	wrdreg $0xFFFFFFFF  }
0xad: {  	[dreg:$0x0] =	wrdreg $0x60  }
0xae: {  	[dreg:$0x2] =	wrdreg s2  }
0xaf: {  	[dreg:$0x3] =	wrdreg s24  }
0xb0: {  	[dreg:$0x4] =	wrdreg $0xC4000  }
0xb1: {  	[dreg:$0x5] =	wrdreg $0x9  }
0xb2: {  	_ =	task.clear_ibuf [dreg:s7], $0x6FFFF;
	_ =	strace $0x9000004C  }
0xb3: {  	s29 =	simm.s32 $0x9;
	_ =	strace $0x8000004E  }
0xb4: {  	_ =	swait.ge [sflag:s29], $0x1  }
0xb5: {  	[sflag:s29] =	ssyncadd.s32 $0xFFFFFFFF  }
0xb6: {  	_ =	strace $0x9000004E  }
0xb7: {  	_ =	sfence  }
0xb8: {  	s30 =	sld [smem:$0x0];
	_ =	sdelay $0x2  }
0xb9: {  	s31 =	sshll.u32 s1, $0xD;
	s1 =	sshrl.u32 s1, $0x2  }
0xba: {  	s3 =	sand.u32 $0x4000, s31;
	s1 =	sadd.s32 s1, s30  }
0xbb: {  	s0 =	sor.u32 s3, s0;
	s1 =	sshll.u32 s1, $0x11  }
0xbc: {  	s0 =	sor.u32 s1, s0  }
0xbd: {  	s0 =	sadd.s32 $0x8F2B, s0  }
0xbe: {  	[sflag:s0] =	ssyncadd.remote.s32 $0x1  }
0xbf: {  	_ =	sfence.sel $0xFFFF  }
0xc0: {  	[dreg:$0x0] =	wrdreg $0xFFFFFFFF;
	(pc) =	sbr.abs _section_cstart, $3  }
0xc1: {  	[dreg:$0x1] =	wrdreg $0xFFFFFFFF  }
0xc2: {  	_ =	task.clear_ibuf [dreg:s7], $0x2FFFF;
	_ =	strace $0x9FFFFFFF  }
0xc3: {  	(tm) =	ssettm $0x7FFFFFFF  }
tec
execute0_lowered:
.L_overlay_start_1:
0x0: {  	(tag) =	ssettag $0x1  }
0x1: {  	s1 =	rddreg [dreg:$0x0]  }
0x2: {  	s0 =	rddreg [dreg:$0x1]  }
0x3: {  	s2 =	rddreg [dreg:$0x2];
	s4 =	simm.s32 $0x0;
	s17 =	stileid.u32  }
0x4: {  	s5 =	srdreg.scid;
	[smem:$0x7FF] =	sst s4;
	s3 =	sadd.s32 $0x2C00, s0  }
0x5: {  	s7 =	sadd.s32 $0xCA00, s0;
	s8 =	smul.u32 $0x2700, s17;
	s10 =	sand.u32 $0x1, s5  }
0x6: {  	s9 =	smul.u32 $0x4E000, s17;
	s28 =	sadd.s32 $0x124800, s2;
	s29 =	sadd.s32 $0x3B100, s0  }
0x7: {  	s30 =	sadd.s32 $0x24900, s1;
	_ =	strace $0x8000004D;
	[dreg:$0x9] =	wrdreg s28  }
0x8: {  	s15 =	sshll.u32 s17, $0x4;
	p0 =	seq.s32 s17, $0xF;
	[dreg:$0xa] =	wrdreg s29  }
0x9: {  	s5 =	ssub.s32 $0x2, s10;
	s6 =	sshll.u32 s10, $0x4;
	[dreg:$0xb] =	wrdreg s30  }
0xa: {  	s29 =	sadd.s32 $0x89500, s0;
	p1 =	sne.s32 @p0 s10, $0x0;
	s11 =	sadd.s32 s8, s0  }
0xb: {  	s12 =	sshrl.u32 s5, $0x1;
	s26 =	sadd.s32 s1, s8;
	[dreg:$0x15] =	wrdreg s29  }
0xc: {  	s24 =	sshrl.u32 s9, $0x2;
	s0 =	sadd.s32 $0x62300, s0;
	[dreg:$0x8] =	wrdreg s26  }
0xd: {  	s13 =	sor.u32 s17, s6;
	s6 =	sadd.s32 s24, s2;
	[dreg:$0x16] =	wrdreg s0  }
0xe: {  	s9 =	sshll.u32 s10, $0x8;
	s25 =	sadd.s32 $0x16800, s11;
	[dreg:$0x6] =	wrdreg s6  }
0xf: {  	p4 =	por !p1, !p0;
	s26 =	sadd.s32 $0x64C00, s11;
	[dreg:$0x7] =	wrdreg s25  }
0x10: {  	s31 =	sshll.u32 s13, $0x4;
	s28 =	sadd.s32 $0x3DA00, s11;
	[dreg:$0x13] =	wrdreg s26  }
0x11: {  	s12 =	ssub.s32 s5, s12;
	s18 =	sadd.s32 s3, s31;
	[dreg:$0x14] =	wrdreg s28  }
0x12: {  	s23 =	ssub.s32 $0x9C3, s13;
	s19 =	sadd.s32 s7, s31;
	[dreg:$0xc] =	wrdreg s18  }
0x13: {  	s16 =	sor.u32 $0x200, s31;
	s30 =	smax.u32 s12, $0x1;
	[dreg:$0xd] =	wrdreg s19  }
0x14: {  	s14 =	sadd.s32 s9, s3;
	s20 =	sadd.s32 s3, s16;
	[dreg:$0x17] =	wrdreg s30  }
0x15: {  	s14 =	sadd.s32 s15, s14;
	s21 =	sadd.s32 s7, s16;
	[dreg:$0xe] =	wrdreg s20  }
0x16: {  	s8 =	sor.u32 $0x400, s31;
	s14 =	sadd.s32 $0x600, s14;
	[dreg:$0xf] =	wrdreg s21  }
0x17: {  	s5 =	sshrl.u32 s23, $0x5;
	s3 =	sadd.s32 s3, s8;
	[dreg:$0x4] =	wrdreg s14  }
0x18: {  	s25 =	sadd.s32 s9, s7;
	s23 =	sadd.s32 s7, s8;
	[dreg:$0x10] =	wrdreg s3  }
0x19: {  	s22 =	sand.u32 $0x1, s5;
	[dreg:$0x11] =	wrdreg s23;
	s3 =	sadd.s32 s15, s25  }
0x1a: {  	s24 =	sor.u32 $0x8, s22;
	s31 =	sadd.s32 $0x600, s3;
	s3 =	simm.s32 @!p4 $0x0  }
0x1b: {  	p1 =	por p1, !p0;
	[dreg:$0x12] =	wrdreg s24;
	s3 =	simm.s32 @p4 $0x1  }
0x1c: {  	p3 =	sne.s32 @!p0 s10, $0x0;
	[smem:$0x7FC] =	sst s3;
	s3 =	simm.s32 @!p1 $0x0  }
0x1d: {  	p2 =	por !p3, p0;
	[dreg:$0x5] =	wrdreg s31;
	s3 =	simm.s32 @p1 $0x1  }
0x1e: {  	p3 =	por p3, p0;
	s0 =	simm.s32 $0x0;
	[smem:$0x7FD] =	sst s3  }
.LBB2_1:
0x1f: {  	s6 =	rddreg [dreg:$0x9]  }
0x20: {  	s7 =	rddreg [dreg:$0xa];
	s8 =	sshrl.u32 @!p4 s6, $0x3  }
0x21: {  	s3 =	simm.s32 @!p4 $0x1FCA;
	[dreg:$0x18] =	wrdreg s8  }
0x22: {  	[spmem:s8], [sflag:s3] =	dma.local @!p4 [hbm:s7], $0x2800  }
0x23: {  	s3 =	simm.s32 @!p4 $0xA  }
0x24: {  	s7 =	sshrl.u32 @!p1 s6, $0x3;
	_ =	swait.ge @!p4 [sflag:s3], $0x2800  }
0x25: {  	[dreg:$0x19] =	wrdreg s7;
	[sflag:s3] =	ssyncset.done @!p4 $0x0  }
0x26: {  	s6 =	rddreg [dreg:$0xb];
	[sflag:s3] =	ssyncadd.s32 @!p4 $0xFFFFD800;
	s3 =	simm.s32 @!p1 $0x1FCA  }
0x27: {  	[spmem:s7], [sflag:s3] =	dma.local @!p1 [hbm:s6], $0x2800  }
0x28: {  	s3 =	simm.s32 @!p1 $0xA;
	s6 =	stileid.u32  }
0x29: {  	_ =	swait.ge @!p1 [sflag:s3], $0x2800;
	s7 =	sshll.u32 @!p2 s6, $0x6  }
0x2a: {  	[sflag:s3] =	ssyncset.done @!p1 $0x0;
	s28 =	sor.u32 @!p2 $0x1C0A, s7;
	s8 =	rddreg [dreg:$0x6]  }
0x2b: {  	[sflag:s3] =	ssyncadd.s32 @!p1 $0xFFFFD800;
	s29 =	sshrl.u32 @!p2 s8, $0x3;
	s3 =	rddreg [dreg:$0x7]  }
0x2c: {  	[spmem:s29], [sflag:s28] =	dma.local @!p2 [hbm:s3], $0x2700  }
0x2d: {  	s3 =	simm.s32 @!p2 $0xA  }
0x2e: {  	s7 =	sshll.u32 @!p3 s6, $0x6;
	_ =	swait.ge @!p2 [sflag:s3], $0x2700  }
0x2f: {  	s31 =	sor.u32 @!p3 $0x1C0A, s7;
	[sflag:s3] =	ssyncset.done @!p2 $0x0  }
0x30: {  	s7 =	sshrl.u32 @!p3 s8, $0x3;
	[sflag:s3] =	ssyncadd.s32 @!p2 $0xFFFFD900;
	s3 =	rddreg [dreg:$0x8]  }
0x31: {  	[spmem:s7], [sflag:s31] =	dma.local @!p3 [hbm:s3], $0x2700  }
0x32: {  	s3 =	simm.s32 @!p3 $0xA  }
0x33: {  	_ =	swait.ge @!p3 [sflag:s3], $0x2700  }
0x34: {  	[sflag:s3] =	ssyncset.done @!p3 $0x0  }
0x35: {  	s10 =	rddreg [dreg:$0xc];
	[sflag:s3] =	ssyncadd.s32 @!p3 $0xFFFFD900  }
0x36: {  	[tilespmem:s4], [sflag:$0x1] =	stream.linear.gather [hbm4b:s10+s4], $0x80, $0x38;
	[tilespmem:$0x1FC80] =	vst v63  }
0x37: {  	s12 =	simm.s32 $0x200;
	s11 =	rddreg [dreg:$0xd]  }
0x38: {  	[tilespmem:s12], [sflag:$0x1] =	stream.linear.gather [hbm4b:s11+s4], $0x80, $0x38;
	[tilespmem:$0x1FC80] =	vst v63  }
0x39: {  	s14 =	simm.s32 $0x80;
	s13 =	rddreg [dreg:$0xe]  }
0x3a: {  	[tilespmem:s14], [sflag:$0x2] =	stream.linear.gather [hbm4b:s13+s4], $0x80, $0x38;
	[tilespmem:$0x1FC80] =	vst v63  }
0x3b: {  	s16 =	simm.s32 $0x280;
	s15 =	rddreg [dreg:$0xf]  }
0x3c: {  	[tilespmem:s16], [sflag:$0x2] =	stream.linear.gather [hbm4b:s15+s4], $0x80, $0x38;
	[tilespmem:$0x1FC80] =	vst v63  }
0x3d: {  	s18 =	simm.s32 $0x100;
	s17 =	rddreg [dreg:$0x10]  }
0x3e: {  	[tilespmem:s18], [sflag:$0x3] =	stream.linear.gather [hbm4b:s17+s4], $0x80, $0x38;
	[tilespmem:$0x1FC80] =	vst v63  }
0x3f: {  	s20 =	simm.s32 $0x300;
	s21 =	simm.s32 $0x1;
	s19 =	rddreg [dreg:$0x11]  }
0x40: {  	[tilespmem:s20], [sflag:$0x3] =	stream.linear.gather [hbm4b:s19+s4], $0x80, $0x38;
	[tilespmem:$0x1FC80] =	vst v63  }
0x41: {  	_ =	swait.ge [sflag:s21], $0x80  }
0x42: {  	[sflag:s21] =	ssyncset.done $0x0  }
0x43: {  	[sflag:s21] =	ssyncadd.s32 $0xFFFFFF80  }
0x44: {  	_ =	swait.ge [sflag:s21], $0x80  }
0x45: {  	[sflag:s21] =	ssyncset.done $0x0  }
0x46: {  	s22 =	simm.s32 $0x2;
	s8 =	simm.s32 $0x400;
	[sflag:s21] =	ssyncadd.s32 $0xFFFFFF80  }
0x47: {  	[tilespmem:s8], [sflag:$0x5] =	stream.indirect.gather [hbm4b:s1+s14], $0x80, s4, s14, $0xb8;
	[tilespmem:$0x1FC80] =	vst v63  }
0x48: {  	_ =	swait.ge [sflag:s22], $0x80  }
0x49: {  	p4 =	slt.u32 s5, $0x0;
	[sflag:s22] =	ssyncset.done $0x0  }
0x4a: {  	p0 =	por @!p4 $0x1, $0x1;
	[sflag:s22] =	ssyncadd.s32 $0xFFFFFF80  }
0x4b: {  	p0 =	por p0, p4;
	_ =	swait.ge [sflag:s22], $0x80  }
0x4c: {  	s10 =	sxor.u32 @!p0 $0xFFFFFFFF, s4;
	[sflag:s22] =	ssyncset.done $0x0  }
0x4d: {  	s9 =	simm.s32 $0x4400;
	s10 =	sand.u32 @!p0 $0x1, s10;
	[sflag:s22] =	ssyncadd.s32 $0xFFFFFF80  }
0x4e: {  	[tilespmem:s9], [sflag:$0x6] =	stream.indirect.gather [hbm4b:s1+s14], $0x80, s14, s14, $0xb8;
	[tilespmem:$0x1FC80] =	vst v63  }
0x4f: {  	s3 =	smulhi.u32 $0xAAAAAAAB, s22;
	s10 =	sor.u32 @!p0 $0x8, s10;
	[bflag:$0x0] =	sbarrier.arrive $0xFFFF  }
0x50: {  	s23 =	smulhi.u32 $0xAAAAAAAB, s4;
	p1 =	slt.u32 @!p4 s5, $0x3;
	_ =	swait.ge @!p0 [sflag:s10], $0x4000  }
0x51: {  	s3 =	sshrl.u32 s3, $0x1;
	[sflag:s10] =	ssyncset.done @!p0 $0x0;
	s11 =	rddreg [dreg:$0x4]  }
0x52: {  	[sflag:s10] =	ssyncadd.s32 @!p0 $0xFFFFC000;
	s10 =	simm.s32 @!p4 $0x3;
	p0 =	por p1, p4  }
0x53: {  	s13 =	rddreg [dreg:$0x5];
	s10 =	sand.u32 @!p0 $0x3, s10;
	s12 =	simm.s32 @!p0 $0x0  }
0x54: {  	s11 =	sadd.s32 @!p0 $0x0, s11;
	s14 =	sshll.u32 @!p0 s10, $0x7;
	s10 =	sadd.s32 @!p0 $0x1, s10  }
0x55: {  	[tilespmem:s14], [sflag:s10] =	stream.linear.gather @!p0 [hbm4b:s11+s12], $0x80, $0x38;
	[tilespmem:$0x1FC80] =	vst v63  }
0x56: {  	s24 =	smul.u32 $0xFFFFFFF4, s3;
	s13 =	sadd.s32 @!p0 $0x0, s13;
	s11 =	sor.u32 @!p0 $0x200, s14  }
0x57: {  	[tilespmem:s11], [sflag:s10] =	stream.linear.gather @!p0 [hbm4b:s13+s12], $0x80, $0x38;
	[tilespmem:$0x1FC80] =	vst v63  }
0x58: {  	s25 =	sshrl.u32 s23, $0x1;
	s3 =	smul.u32 $0xFFFD0000, s3;
	p0 =	slt.u32 @!p4 s5, $0x2  }
0x59: {  	s26 =	smul.u32 $0xFFFFFFF4, s25;
	s10 =	simm.s32 @!p4 $0x2;
	p0 =	por p0, p4  }
0x5a: {  	s3 =	sshra.s32 s3, $0x2;
	s10 =	sand.u32 @!p0 $0x3, s10  }
0x5b: {  	s30 =	sshra.s32 s26, $0x2;
	s3 =	sadd.s32 $0x8400, s3;
	s11 =	sadd.s32 @!p0 $0x1, s10  }
0x5c: {  	s15 =	simm.s32 $0x0;
	s19 =	simm.s32 @!p4 $0x80;
	_ =	swait.ge @!p0 [sflag:s11], $0x80  }
0x5d: {  	s20 =	sadd.s32 $0x5, s30;
	s13 =	sshra.s32 s24, $0x2;
	[sflag:s11] =	ssyncset.done @!p0 $0x0  }
0x5e: {  	s12 =	sand.u32 @!p4 $0x600, s4;
	s13 =	sadd.s32 $0x7, s13;
	[sflag:s11] =	ssyncadd.s32 @!p0 $0xFFFFFF80  }
0x5f: {  	s12 =	sshrl.u32 @!p4 s12, $0x2;
	s14 =	simm.s32 @!p0 $0x80;
	_ =	swait.ge @!p0 [sflag:s11], $0x80  }
0x60: {  	s17 =	sor.u32 @!p4 $0x200, s12;
	s12 =	simm.s32 $0x6;
	[sflag:s11] =	ssyncset.done @!p0 $0x0  }
0x61: {  	s10 =	sshll.u32 @!p0 s10, $0x7;
	[sflag:s11] =	ssyncadd.s32 @!p0 $0xFFFFFF80;
	s11 =	sand.u32 @!p4 $0x1, s4  }
0x62: {  	[tilespmem:s3], [sflag:s13] =	stream.indirect.gather @!p0 [hbm4b:s1+s14], $0x80, s10, s14, $0xb8;
	[tilespmem:$0x1FC80] =	vst v63  }
0x63: {  	s10 =	simm.s32 $0x1;
	s16 =	sor.u32 @!p4 $0x8, s11;
	s3 =	smul.u32 $0xFFFD0000, s25  }
0x64: {  	s11 =	simm.s32 $0x4400;
	s13 =	simm.s32 $0x8;
	s14 =	simm.s32 $0x3  }
0x65: {  	_ =	swait.ge @!p4 [sflag:s20], $0x4000;
	s21 =	sshra.s32 s3, $0x2;
	s3 =	simm.s32 $0xC400  }
.LBB2_2:
0x66: {  	[sflag:s20] =	ssyncset.done @!p4 $0x0  }
0x67: {  	s15 =	sadd.s32 $0x200, s15;
	s22 =	smov.u32 s10;
	s10 =	sadd.s32 $0x1, s10  }
0x68: {  	s8 =	sadd.s32 s21, s8;
	s25 =	smulhi.u32 $0xAAAAAAAB, s14;
	[sflag:s20] =	ssyncadd.s32 @!p4 $0xFFFFC000  }
0x69: {  	[spmem:s2] =	stream.indirect.scatter.add.f32 @!p4 [tilespmem:s8], [sflag:s16], $0x80, s17, s19, $0xb8;
	[tilespmem:$0x1FC80] =	vst v63  }
0x6a: {  	s14 =	sadd.s32 $0x1, s14;
	p5 =	sne.s32 s10, $0x4F;
	s8 =	smov.u32 s11  }
0x6b: {  	p4 =	sgt.u32 s22, s5;
	s11 =	sadd.s32 $0x4000, s11;
	s25 =	sshrl.u32 s25, $0x1  }
0x6c: {  	p0 =	seq.s32 @!p4 s22, $0x0;
	s20 =	sadd.s32 @!p4 $0x3, s22;
	s21 =	sadd.s32 @!p4 $0x2, s22  }
0x6d: {  	s17 =	sand.u32 @!p4 $0x1, s22;
	s19 =	sand.u32 @!p4 $0x600, s15;
	s24 =	smul.u32 $0xFFFD0000, s25  }
0x6e: {  	s25 =	smul.u32 $0xFFFFFFF4, s25;
	p1 =	por p0, p4;
	p0 =	sgt.u32 @!p4 s20, s5  }
0x6f: {  	p6 =	sgt.u32 @!p4 s21, s5;
	s19 =	sshrl.u32 @!p4 s19, $0x2;
	s16 =	sxor.u32 @!p1 $0xFFFFFFFF, s22  }
0x70: {  	s22 =	smulhi.u32 $0xAAAAAAAB, s22;
	p0 =	por p0, p4;
	p6 =	por p6, p4  }
0x71: {  	s23 =	sand.u32 @!p1 $0x1, s16;
	s16 =	sor.u32 @!p4 $0x8, s17;
	s17 =	sor.u32 @!p4 $0x200, s19  }
0x72: {  	s19 =	simm.s32 @!p4 $0x80;
	s20 =	sand.u32 @!p0 $0x3, s20;
	s23 =	sor.u32 @!p1 $0x8, s23  }
0x73: {  	s21 =	sand.u32 @!p6 $0x3, s21;
	s18 =	sshll.u32 @!p0 s20, $0x7;
	_ =	swait.ge @!p1 [sflag:s23], $0x4000  }
0x74: {  	s20 =	sadd.s32 @!p0 $0x1, s20;
	s26 =	sshll.u32 @!p6 s21, $0x7;
	s6 =	rddreg [dreg:$0x4]  }
0x75: {  	s30 =	sor.u32 @!p0 $0x200, s18;
	[sflag:s23] =	ssyncset.done @!p1 $0x0;
	s9 =	rddreg [dreg:$0x5]  }
0x76: {  	[sflag:s23] =	ssyncadd.s32 @!p1 $0xFFFFC000;
	s23 =	simm.s32 @!p0 $0x0;
	s6 =	sadd.s32 @!p0 s15, s6  }
0x77: {  	[tilespmem:s18], [sflag:s20] =	stream.linear.gather @!p0 [hbm4b:s6+s23], $0x80, $0x38;
	[tilespmem:$0x1FC80] =	vst v63  }
0x78: {  	s9 =	sadd.s32 @!p0 s15, s9;
	s18 =	sshrl.u32 s22, $0x1;
	s22 =	sadd.s32 @!p6 $0x1, s21  }
0x79: {  	[tilespmem:s30], [sflag:s20] =	stream.linear.gather @!p0 [hbm4b:s9+s23], $0x80, $0x38;
	[tilespmem:$0x1FC80] =	vst v63  }
0x7a: {  	s6 =	sshra.s32 s25, $0x2;
	s25 =	smul.u32 $0xFFFFFFF4, s18;
	_ =	swait.ge @!p6 [sflag:s22], $0x80  }
0x7b: {  	s18 =	smul.u32 $0xFFFD0000, s18;
	s6 =	sadd.s32 s6, s13;
	[sflag:s22] =	ssyncset.done @!p6 $0x0  }
0x7c: {  	s13 =	sadd.s32 $0x1, s13;
	s30 =	sshra.s32 s24, $0x2;
	[sflag:s22] =	ssyncadd.s32 @!p6 $0xFFFFFF80  }
.Ltmp0:
0x7d: {  	s24 =	simm.s32 @!p6 $0x80;
	_ =	swait.ge @!p6 [sflag:s22], $0x80;
	(pc) =	sbr.rel @p5 .LBB2_2-.Ltmp0, $4  }
0x7e: {  	s9 =	sshra.s32 s25, $0x2;
	s23 =	sadd.s32 s30, s3;
	[sflag:s22] =	ssyncset.done @!p6 $0x0  }
0x7f: {  	s21 =	sshra.s32 s18, $0x2;
	s20 =	sadd.s32 s9, s12;
	[sflag:s22] =	ssyncadd.s32 @!p6 $0xFFFFFF80  }
0x80: {  	[tilespmem:s23], [sflag:s6] =	stream.indirect.gather @!p6 [hbm4b:s1+s24], $0x80, s26, s24, $0xb8;
	[tilespmem:$0x1FC80] =	vst v63  }
0x81: {  	s3 =	sadd.s32 $0x4000, s3;
	s12 =	sadd.s32 $0x1, s12;
	_ =	swait.ge @!p4 [sflag:s20], $0x4000  }
0x82: {  	[sflag:s20] =	ssyncset.done @!p4 $0x0  }
0x83: {  	s3 =	sadd.s32 s21, s8;
	s25 =	rddreg [dreg:$0x12];
	[sflag:s20] =	ssyncadd.s32 @!p4 $0xFFFFC000  }
0x84: {  	[spmem:s2] =	stream.indirect.scatter.add.f32 @!p4 [tilespmem:s3], [sflag:s16], $0x80, s17, s19, $0xb8;
	[tilespmem:$0x1FC80] =	vst v63  }
0x85: {  	_ =	swait.ge [sflag:s25], $0x4000  }
0x86: {  	[sflag:s25] =	ssyncset.done $0x0  }
0x87: {  	[sflag:s25] =	ssyncadd.s32 $0xFFFFC000  }
0x88: {  	[bflag:$0x0] =	sbarrier.arrive $0xFFFF  }
0x89: {  	s26 =	sld [smem:$0x7FC];
	_ =	sdelay $0x2  }
0x8a: {  	s6 =	rddreg [dreg:$0x15];
	p4 =	seq.s32 s26, $0x1  }
0x8b: {  	s8 =	rddreg [dreg:$0x18];
	s3 =	simm.s32 @!p4 $0x1FCA  }
0x8c: {  	[hbm:s6], [sflag:s3] =	dma.local @!p4 [spmem:s8], $0x2800  }
0x8d: {  	s3 =	simm.s32 @!p4 $0xA  }
0x8e: {  	_ =	swait.ge @!p4 [sflag:s3], $0x2800  }
0x8f: {  	s30 =	sld [smem:$0x7FD];
	_ =	sdelay $0x2  }
0x90: {  	[sflag:s3] =	ssyncset.done @!p4 $0x0;
	s6 =	rddreg [dreg:$0x16];
	p1 =	seq.s32 s30, $0x1  }
0x91: {  	s8 =	rddreg [dreg:$0x19];
	[sflag:s3] =	ssyncadd.s32 @!p4 $0xFFFFD800;
	s3 =	simm.s32 @!p1 $0x1FCA  }
0x92: {  	[hbm:s6], [sflag:s3] =	dma.local @!p1 [spmem:s8], $0x2800  }
0x93: {  	s3 =	simm.s32 @!p1 $0xA  }
0x94: {  	_ =	swait.ge @!p1 [sflag:s3], $0x2800  }
0x95: {  	[sflag:s3] =	ssyncset.done @!p1 $0x0  }
0x96: {  	[sflag:s3] =	ssyncadd.s32 @!p1 $0xFFFFD800;
	s3 =	rddreg [dreg:$0x13]  }
0x97: {  	[hbm:s3], [sflag:s28] =	dma.local @!p2 [spmem:s29], $0x2700  }
0x98: {  	s3 =	simm.s32 @!p2 $0xA  }
0x99: {  	_ =	swait.ge @!p2 [sflag:s3], $0x2700  }
0x9a: {  	[sflag:s3] =	ssyncset.done @!p2 $0x0  }
0x9b: {  	[sflag:s3] =	ssyncadd.s32 @!p2 $0xFFFFD900;
	s3 =	rddreg [dreg:$0x14]  }
0x9c: {  	[hbm:s3], [sflag:s31] =	dma.local @!p3 [spmem:s7], $0x2700  }
0x9d: {  	s3 =	simm.s32 @!p3 $0xA  }
0x9e: {  	_ =	swait.ge @!p3 [sflag:s3], $0x2700  }
0x9f: {  	s0 =	sadd.s32 $0x1, s0;
	s31 =	rddreg [dreg:$0x17]  }
0xa0: {  	p0 =	sne.s32 s0, s31  }
.Ltmp1:
0xa1: {  	_ = 	snop;
	(pc) =	sbr.rel @p0 .LBB2_1-.Ltmp1, $3  }
0xa2: {  	_ =	sdelay $0x1  }
0xa3: {  	[sflag:s3] =	ssyncset.done @!p3 $0x0  }
0xa4: {  	[sflag:s3] =	ssyncadd.s32 @!p3 $0xFFFFD900  }
0xa5: {  	_ =	sfence.sel $0x180000  }
0xa6: {  	[bflag:$0x0] =	sbarrier.arrive $0xFFFF  }
0xa7: {  	_ =	strace $0x9000004D  }
0xa8: {  	s0 =	stileid.u32;
	[bflag:$0x2] =	sbarrier.arrive $0xFFFF  }
0xa9: {  	p0 =	sne.s32 s0, $0x0;
	s0 =	rddreg [dreg:$0x3]  }
0xaa: {  	s0 =	sadd.s32 @!p0 $0x100000, s0  }
0xab: {  	[sflag:s0] =	ssyncadd.tile.s32 @!p0 $0x1;
	_ =	shalt  }
.Lfunc_end2:
_tile_overlayer_lowered:
.L_overlay_start_2:
0xac: {  	(tag) =	ssettag $0x2  }
0xad: {  	s0 =	rddreg [dreg:$0x0];
	s2 =	stileid.u32  }
0xae: {  	s1 =	rddreg [dreg:$0x1];
	p0 =	sne.s32 s2, $0x0  }
0xaf: {  	s3 =	rddreg [dreg:$0x2];
	[bflag:$0x3] =	sbarrier.arrive $0xFFFF;
	s2 =	simm.s32 @!p0 $0x1C0A  }
0xb0: {  	[timem:s3], [sflag:s2] =	dma.local @!p0 [hbm:s0], s1  }
0xb1: {  	s0 =	simm.s32 @!p0 $0xA  }
0xb2: {  	_ =	swait.ge @!p0 [sflag:s0], s1  }
0xb3: {  	s1 =	ssub.s32 @!p0 $0x0, s1;
	[sflag:s0] =	ssyncset.done @!p0 $0x0  }
0xb4: {  	[sflag:s0] =	ssyncadd.s32 @!p0 s1  }
0xb5: {  	[bflag:$0x3] =	sbarrier.arrive $0xFFFF  }
0xb6: {  	_ =	shalt  }

// kernel: kernel.8.cloned.1.call-start
scs
__scs_entry_jumppad:
0x0: {  	(pc) =	sbr.rel $0x88, $3  }
0x1: {  	(tag) =	ssettag $0x0;
	lr =	simm.s32 $0x1  }
0x2: {  	[smem:$0x3F99] =	sst lr;
	_ =	strace $0xD0000000  }
0x3: {  	_ = 	snop  }
0x4: {  	_ = 	snop  }
0x5: {  	_ = 	snop  }
0x6: {  	_ = 	snop  }
0x7: {  	_ = 	snop  }
__scs_overlays_trampoline_lowered:
0x8: {  	[smem:$0x3FA8] =	sst s0  }
0x9: {  	[smem:$0x3FA9] =	sst s1  }
0xa: {  	[smem:$0x3FAA] =	sst s2  }
0xb: {  	[smem:$0x3FAB] =	sst s3  }
0xc: {  	[smem:$0x3FAC] =	sst s4  }
0xd: {  	[smem:$0x3FAD] =	sst s5  }
0xe: {  	[smem:$0x3FAE] =	sst s6  }
0xf: {  	[smem:$0x3FAF] =	sst s7  }
0x10: {  	[smem:$0x3FB0] =	sst s8  }
0x11: {  	[smem:$0x3FB1] =	sst s9;
	s0 =	simm.s32 @!p0 $0x0  }
0x12: {  	s1 =	sld [smem:$0x3F97];
	s0 =	simm.s32 @p0 $0x1  }
0x13: {  	[smem:$0x3FB2] =	sst s0;
	s0 =	simm.s32 @!p1 $0x0  }
0x14: {  	s2 =	sld [smem:$0x3F96];
	s0 =	simm.s32 @p1 $0x1  }
0x15: {  	[smem:$0x3FB3] =	sst s0;
	s0 =	simm.s32 @!p2 $0x0  }
0x16: {  	s3 =	sld [smem:$0x3FDB];
	s0 =	simm.s32 @p2 $0x1  }
0x17: {  	s4 =	simm.s32 $0x1BF5;
	[smem:$0x3FB5] =	sst s0  }
0x18: {  	s0 =	sld [smem:$0x3F98];
	_ =	swait.ge [sflag:s4], $0x0  }
0x19: {  	s7 =	sld [smem:$0x3F99]  }
0x1a: {  	s8 =	sadd.s32 $0xFFFFE003, lr  }
0x1b: {  	s9 =	sadd.s32 $0xFFFFFEF7, lr;
	s5 =	simm.s32 $0xFFFFFFFF;
	p2 =	slt.u32 s8, $0xFFFFF086  }
0x1c: {  	p1 =	slt.u32 s9, $0xF7A;
	s5 =	simm.s32 @!p2 $0x0  }
0x1d: {  	s5 =	simm.s32 @p1 $0x1;
	p0 =	seq.s32 s7, s2  }
0x1e: {  	s7 =	smul.u32 @!p0 $0xF7A, s2;
	p2 =	seq.s32 @!p0 s5, $0x0  }
0x1f: {  	s9 =	smul.u32 $0xF7A, s1;
	s8 =	simm.s32 @!p0 $0x1BF5;
	p2 =	por !p2, p0  }
0x20: {  	[sflag:s8] =	ssyncset.s32 @!p0 $0xFFFFF086;
	s6 =	sadd.s32 @!p0 s3, s7;
	s7 =	simm.s32 @!p0 $0x108  }
0x21: {  	s3 =	sadd.s32 s3, s9;
	s6 =	sadd.s32 @!p0 $0x88, s6;
	s7 =	simm.s32 @p2 $0x1082  }
0x22: {  	[simem:s7], [sflag:s8] =	dma.local @!p0 [hbm:s6], $0xF7A  }
0x23: {  	s9 =	sor.u32 $0xD0000000, s2;
	s6 =	simm.s32 $0x108;
	_ =	swait.ge @!p0 [sflag:s8], $0x0  }
0x24: {  	s3 =	sadd.s32 $0x88, s3;
	s6 =	simm.s32 @!p1 $0x1082;
	[sflag:s4] =	ssyncset.s32 $0xFFFFF086  }
0x25: {  	[simem:s6], [sflag:s4] =	dma.local [hbm:s3], $0xF7A  }
0x26: {  	[smem:$0x3F99] =	sst s1;
	(tag) =	ssettag s2;
	_ =	strace s9  }
0x27: {  	s1 =	sld [smem:$0x3FA9]  }
0x28: {  	s2 =	sld [smem:$0x3FAA]  }
0x29: {  	s4 =	sld [smem:$0x3FAC]  }
0x2a: {  	p0 =	seq.s32 s5, $0x0;
	s5 =	sld [smem:$0x3FAD]  }
0x2b: {  	s6 =	sld [smem:$0x3FAE]  }
0x2c: {  	s7 =	sld [smem:$0x3FAF]  }
0x2d: {  	s3 =	simm.s32 $0x108;
	s8 =	sld [smem:$0x3FB0]  }
0x2e: {  	s3 =	simm.s32 @!p0 $0x1082;
	s9 =	sld [smem:$0x3FB1]  }
0x2f: {  	lr =	sadd.s32 s0, s3;
	s0 =	sld [smem:$0x3FA8]  }
0x30: {  	s3 =	sld [smem:$0x3FAB]  }
0x31: {  	[smem:$0x3FB4] =	sst s10  }
0x32: {  	s10 =	sld [smem:$0x3FB2];
	_ =	sdelay $0x3  }
0x33: {  	p0 =	seq.s32 s10, $0x1;
	s10 =	sld [smem:$0x3FB4];
	_ =	sdelay $0x3  }
0x34: {  	[smem:$0x3FB4] =	sst s10  }
0x35: {  	s10 =	sld [smem:$0x3FB3];
	_ =	sdelay $0x3  }
0x36: {  	p1 =	seq.s32 s10, $0x1;
	s10 =	sld [smem:$0x3FB4];
	_ =	sdelay $0x3  }
0x37: {  	[smem:$0x3FB4] =	sst s10  }
0x38: {  	s10 =	sld [smem:$0x3FB5]  }
0x39: {  	_ = 	snop;
	(pc) =	sbr.ind lr, $3  }
0x3a: {  	_ = 	snop  }
0x3b: {  	_ = 	snop  }
0x3c: {  	p2 =	seq.s32 s10, $0x1;
	s10 =	sld [smem:$0x3FB4]  }
0x3d: {  	_ =	shalt  }
0x3e: {  	_ =	shalt  }
0x3f: {  	_ =	shalt  }
0x40: {  	_ =	shalt  }
0x41: {  	_ =	shalt  }
0x42: {  	_ =	shalt  }
0x43: {  	_ =	shalt  }
0x44: {  	_ =	shalt  }
0x45: {  	_ =	shalt  }
0x46: {  	_ =	shalt  }
0x47: {  	_ =	shalt  }
0x48: {  	_ =	shalt  }
0x49: {  	_ =	shalt  }
0x4a: {  	_ =	shalt  }
0x4b: {  	_ =	shalt  }
0x4c: {  	_ =	shalt  }
0x4d: {  	_ =	shalt  }
0x4e: {  	_ =	shalt  }
0x4f: {  	_ =	shalt  }
0x50: {  	_ =	shalt  }
0x51: {  	_ =	shalt  }
0x52: {  	_ =	shalt  }
0x53: {  	_ =	shalt  }
0x54: {  	_ =	shalt  }
0x55: {  	_ =	shalt  }
0x56: {  	_ =	shalt  }
0x57: {  	_ =	shalt  }
0x58: {  	_ =	shalt  }
0x59: {  	_ =	shalt  }
0x5a: {  	_ =	shalt  }
0x5b: {  	_ =	shalt  }
0x5c: {  	_ =	shalt  }
0x5d: {  	_ =	shalt  }
0x5e: {  	_ =	shalt  }
0x5f: {  	_ =	shalt  }
0x60: {  	_ =	shalt  }
0x61: {  	_ =	shalt  }
0x62: {  	_ =	shalt  }
0x63: {  	_ =	shalt  }
0x64: {  	_ =	shalt  }
0x65: {  	_ =	shalt  }
0x66: {  	_ =	shalt  }
0x67: {  	_ =	shalt  }
0x68: {  	_ =	shalt  }
0x69: {  	_ =	shalt  }
0x6a: {  	_ =	shalt  }
0x6b: {  	_ =	shalt  }
0x6c: {  	_ =	shalt  }
0x6d: {  	_ =	shalt  }
0x6e: {  	_ =	shalt  }
0x6f: {  	_ =	shalt  }
0x70: {  	_ =	shalt  }
0x71: {  	_ =	shalt  }
0x72: {  	_ =	shalt  }
0x73: {  	_ =	shalt  }
0x74: {  	_ =	shalt  }
0x75: {  	_ =	shalt  }
0x76: {  	_ =	shalt  }
0x77: {  	_ =	shalt  }
0x78: {  	_ =	shalt  }
0x79: {  	_ =	shalt  }
0x7a: {  	_ =	shalt  }
0x7b: {  	_ =	shalt  }
0x7c: {  	_ =	shalt  }
0x7d: {  	_ =	shalt  }
0x7e: {  	_ =	shalt  }
0x7f: {  	_ =	shalt  }
0x80: {  	_ =	shalt  }
0x81: {  	_ =	shalt  }
0x82: {  	_ =	shalt  }
0x83: {  	_ =	shalt  }
0x84: {  	_ =	shalt  }
0x85: {  	_ =	shalt  }
0x86: {  	_ =	shalt  }
0x87: {  	_ =	shalt  }
.Lfunc_end0:
.L_simem_size_0:
called_computation_lowered:
.L_overlay_start_0:
0x88: {  	s2 =	sld [smem:$0x3FD9]  }
0x89: {  	s3 =	sld [smem:$0x3FFE];
	_ =	sdelay $0x1  }
0x8a: {  	s1 =	srdreg.scid  }
0x8b: {  	s0 =	sand.u32 $0x1, s1  }
0x8c: {  	s17 =	sshll.u32 s0, $0xA;
	s2 =	sadd.s32 s3, s2  }
0x8d: {  	s2 =	sadd.s32 s2, s17  }
0x8e: {  	[smem:$0x3FC0] =	sst s2  }
0x8f: {  	_ = 	snop  }
0x90: {  	s2 =	sld [smem:$0x3FD0];
	(tm) =	ssettm $0x1  }
0x91: {  	s18 =	sld [smem:$0x3FFB];
	_ =	sdelay $0x3  }
0x92: {  	_ =	strace s18  }
0x93: {  	s3 =	sld [smem:$0x3FFC];
	_ =	sdelay $0x3  }
0x94: {  	_ =	strace s3  }
0x95: {  	s3 =	sld [smem:$0x3FFD];
	_ =	sdelay $0x3  }
0x96: {  	_ =	strace s3  }
0x97: {  	_ =	strace $0x8FFFFFFF  }
0x98: {  	s19 =	sld [smem:$0x3FDB];
	_ =	sdelay $0x1  }
0x99: {  	s4 =	simm.s32 $_scs_section_size  }
0x9a: {  	s5 =	simm.s32 $_size__tile_overlayer_lowered;
	s6 =	simm.s32 $_tile_overlayer_lowered  }
0x9b: {  	s22 =	simm.s32 $0x1BFF;
	s21 =	sshll.u32 s6, $0x1;
	s3 =	sadd.s32 s4, s19  }
0x9c: {  	s7 =	simm.s32 $0x0;
	s20 =	sshll.u32 s5, $0x1;
	s5 =	sadd.s32 s21, s3  }
0x9d: {  	[timem:s7], [sflag:s22] =	dma.local [hbm:s5], s20  }
0x9e: {  	_ =	swait.ge [sflag:s22], s20  }
0x9f: {  	s4 =	ssub.s32 $0x0, s20;
	[sflag:s22] =	ssyncset.done $0x0  }
0xa0: {  	[sflag:s22] =	ssyncadd.s32 s4;
	_ =	sdelay $0x1  }
0xa1: {  	s23 =	simm.s32 $0x1B8B  }
0xa2: {  	_ =	swait.ge [sflag:s23], $0x1  }
0xa3: {  	[sflag:s23] =	ssyncset.done $0x0  }
0xa4: {  	s25 =	simm.s32 $0x1B8E;
	s24 =	sld [smem:$0x3FFE];
	[sflag:s23] =	ssyncadd.s32 $0xFFFFFFFF  }
0xa5: {  	s26 =	simm.s32 $execute0_lowered;
	[smem:$0x3FD2] =	sst s25  }
0xa6: {  	s5 =	sshll.u32 s26, $0x1;
	_ =	strace $0x80000046;
	[dreg:$0x1] =	wrdreg $0xFFFFFFFF  }
0xa7: {  	s28 =	simm.s32 $_size_execute0_lowered;
	s3 =	sadd.s32 s3, s5;
	[dreg:$0x0] =	wrdreg $0x0  }
0xa8: {  	s5 =	sshll.u32 s28, $0x1;
	[dreg:$0x2] =	wrdreg s3  }
0xa9: {  	[dreg:$0x3] =	wrdreg s5  }
0xaa: {  	[dreg:$0x4] =	wrdreg $0xC0  }
0xab: {  	_ =	task [dreg:s7], $0x5FFFF  }
0xac: {  	[dreg:$0x1] =	wrdreg $0xFFFFFFFF  }
0xad: {  	[dreg:$0x0] =	wrdreg $0x60  }
0xae: {  	[dreg:$0x2] =	wrdreg s24  }
0xaf: {  	[dreg:$0x3] =	wrdreg s2  }
0xb0: {  	[dreg:$0x4] =	wrdreg $0x9  }
0xb1: {  	_ =	task.clear_ibuf [dreg:s7], $0x5FFFF;
	_ =	strace $0x90000046  }
0xb2: {  	s29 =	simm.s32 $0x9;
	_ =	strace $0x80000048  }
0xb3: {  	_ =	swait.ge [sflag:s29], $0x1  }
0xb4: {  	[sflag:s29] =	ssyncadd.s32 $0xFFFFFFFF  }
0xb5: {  	_ =	strace $0x90000048  }
0xb6: {  	_ =	sfence  }
0xb7: {  	s30 =	sld [smem:$0x0];
	_ =	sdelay $0x2  }
0xb8: {  	s31 =	sshll.u32 s1, $0xD;
	s1 =	sshrl.u32 s1, $0x2  }
0xb9: {  	s3 =	sand.u32 $0x4000, s31;
	s1 =	sadd.s32 s1, s30  }
0xba: {  	s0 =	sor.u32 s3, s0;
	s1 =	sshll.u32 s1, $0x11  }
0xbb: {  	s0 =	sor.u32 s1, s0  }
0xbc: {  	s0 =	sadd.s32 $0x8F2B, s0  }
0xbd: {  	[sflag:s0] =	ssyncadd.remote.s32 $0x1  }
0xbe: {  	_ =	sfence.sel $0xFFFF  }
0xbf: {  	[dreg:$0x0] =	wrdreg $0xFFFFFFFF;
	(pc) =	sbr.abs _section_cstart, $3  }
0xc0: {  	[dreg:$0x1] =	wrdreg $0xFFFFFFFF  }
0xc1: {  	_ =	task.clear_ibuf [dreg:s7], $0x2FFFF;
	_ =	strace $0x9FFFFFFF  }
0xc2: {  	(tm) =	ssettm $0x7FFFFFFF  }
0xc3: {  	_ =	shalt  }
tec
execute0_lowered:
.L_overlay_start_1:
0x0: {  	(tag) =	ssettag $0x1  }
0x1: {  	s4 =	rddreg [dreg:$0x0]  }
0x2: {  	s0 =	srdreg.scid;
	s5 =	rddreg [dreg:$0x1]  }
0x3: {  	s2 =	simm.s32 $0x0;
	s10 =	simm.s32 $0x1;
	s3 =	sand.u32 $0x1, s0  }
0x4: {  	s11 =	simm.s32 $0x7D0;
	s0 =	stileid.u32;
	s1 =	sshll.u32 s3, $0x4  }
0x5: {  	s12 =	simm.s32 $0x1000;
	s13 =	simm.s32 $0x2;
	s1 =	sor.u32 s0, s1  }
0x6: {  	s14 =	simm.s32 $0x3;
	s3 =	ssub.s32 $0x2, s3;
	s6 =	smul.u32 $0x2710, s1  }
0x7: {  	s15 =	simm.s32 $0x0;
	[smem:$0x7FF] =	sst s2;
	s31 =	sshrl.u32 s3, $0x1  }
0x8: {  	s1 =	rddreg [dreg:$0x2];
	_ =	strace $0x80000047;
	s6 =	sshrl.u32 s6, $0x3  }
0x9: {  	s7 =	ssub.s32 s3, s31;
	s9 =	sadd.s32 s6, s4;
	s4 =	sadd.s32 s5, s6  }
0xa: {  	s5 =	smax.u32 s7, $0x1;
	s3 =	sadd.s32 $0xCA00, s9;
	s6 =	sadd.s32 $0xCAFA, s9  }
0xb: {  	v0 =	vimm.f32 $0.0e+00;
	v1 =	vimm.f32 $1.000000000e+00;
	s7 =	sadd.s32 $0xCBF4, s9;
	s8 =	sadd.s32 $0xCCEE, s9;
	s9 =	sadd.s32 $0xCDE8, s9  }
.LBB2_1:
0xc: {  	s16 =	simm.s32 $0x40;
	s17 =	simm.s32 $0x0  }
.LBB2_2:
0xd: {  	p0 =	seq.s32 s16, $0x9C00;
	[tilespmem:s17+$0x1000] =	vst v0;
	s17 =	smov.u32 s16;
	s16 =	sadd.s32 $0x40, s16  }
.Ltmp0:
0xe: {  	(pc) =	sbr.rel @!p0 .LBB2_2-.Ltmp0, $2  }
0xf: {  	_ =	sdelay $0x2  }
0x10: {  	s17 =	sshra.s32 s17, $0x2  }
0x11: {  	[tilespmem:s17+$0x1000] =	vst v0;
	s16 =	simm.s32 $0x0  }
0x12: {  	[tilespmem:s16], [sflag:$0x1] =	stream.linear.gather [hbm4b:s3+s16], $0x7D0, $0x38;
	[tilespmem:$0x3780] =	vst v63  }
0x13: {  	_ =	swait.ge [sflag:s10], $0x7D0  }
0x14: {  	[sflag:s10] =	ssyncset.done $0x0  }
0x15: {  	[sflag:s10] =	ssyncadd.s32 $0xFFFFF830  }
0x16: {  	[tilespmem:s11], [sflag:$0x2] =	stream.linear.gather [hbm4b:s6+s16], $0x7D0, $0x38;
	[tilespmem:$0x3780] =	vst v63  }
0x17: {  	s17 =	simm.s32 $0x0;
	s16 =	simm.s32 $0x40  }
.LBB2_4:
0x18: {  	p0 =	seq.s32 s16, $0x1F00;
	v2 =	vld [tilespmem:s17+$0x0];
	_ =	sdelay $0x3  }
.Ltmp1:
0x19: {  	(pc) =	sbr.rel @!p0 .LBB2_4-.Ltmp1, $2  }
0x1a: {  	_ =	sdelay $0x2  }
0x1b: {  	s17 =	sshra.s32 s16, $0x2;
	s16 =	sadd.s32 $0x40, s16;
	[tilespmem:v2+s12+$0x0] =	vst.idx.add.f32.msk $0xffff, v1  }
0x1c: {  	v2 =	vld [tilespmem:s17+$0x0];
	_ =	sdelay $0x7  }
0x1d: {  	[tilespmem:v2+s12+$0x0] =	vst.idx.add.f32.msk $0xffff, v1  }
0x1e: {  	_ =	swait.ge [sflag:s13], $0x7D0  }
0x1f: {  	[sflag:s13] =	ssyncset.done $0x0  }
0x20: {  	s16 =	simm.s32 $0x0;
	[sflag:s13] =	ssyncadd.s32 $0xFFFFF830  }
0x21: {  	[tilespmem:s16], [sflag:$0x1] =	stream.linear.gather [hbm4b:s7+s16], $0x7D0, $0x38;
	[tilespmem:$0x3780] =	vst v63  }
0x22: {  	s17 =	simm.s32 $0x0;
	s16 =	simm.s32 $0x40  }
.LBB2_6:
0x23: {  	p0 =	sne.s32 s16, $0x1F00;
	v2 =	vld [tilespmem:s17+$0x7D0];
	_ =	sdelay $0x3  }
.Ltmp2:
0x24: {  	(pc) =	sbr.rel @p0 .LBB2_6-.Ltmp2, $2  }
0x25: {  	_ =	sdelay $0x2  }
0x26: {  	s17 =	sshra.s32 s16, $0x2;
	s16 =	sadd.s32 $0x40, s16;
	[tilespmem:v2+s12+$0x0] =	vst.idx.add.f32.msk $0xffff, v1  }
0x27: {  	v2 =	vld [tilespmem:s17+$0x7D0];
	_ =	sdelay $0x7  }
0x28: {  	[tilespmem:v2+s12+$0x0] =	vst.idx.add.f32.msk $0xffff, v1  }
0x29: {  	_ =	swait.ge [sflag:s10], $0x7D0  }
0x2a: {  	[sflag:s10] =	ssyncset.done $0x0  }
0x2b: {  	s16 =	simm.s32 $0x0;
	[sflag:s10] =	ssyncadd.s32 $0xFFFFF830  }
0x2c: {  	[tilespmem:s11], [sflag:$0x2] =	stream.linear.gather [hbm4b:s8+s16], $0x7D0, $0x38;
	[tilespmem:$0x3780] =	vst v63  }
0x2d: {  	s17 =	simm.s32 $0x0;
	s16 =	simm.s32 $0x40  }
.LBB2_8:
0x2e: {  	p0 =	sne.s32 s16, $0x1F00;
	v2 =	vld [tilespmem:s17+$0x0];
	_ =	sdelay $0x3  }
.Ltmp3:
0x2f: {  	(pc) =	sbr.rel @p0 .LBB2_8-.Ltmp3, $2  }
0x30: {  	_ =	sdelay $0x2  }
0x31: {  	s17 =	sshra.s32 s16, $0x2;
	s16 =	sadd.s32 $0x40, s16;
	[tilespmem:v2+s12+$0x0] =	vst.idx.add.f32.msk $0xffff, v1  }
0x32: {  	v2 =	vld [tilespmem:s17+$0x0];
	_ =	sdelay $0x7  }
0x33: {  	[tilespmem:v2+s12+$0x0] =	vst.idx.add.f32.msk $0xffff, v1  }
0x34: {  	_ =	swait.ge [sflag:s13], $0x7D0  }
0x35: {  	[sflag:s13] =	ssyncset.done $0x0  }
0x36: {  	s16 =	simm.s32 $0x0;
	[sflag:s13] =	ssyncadd.s32 $0xFFFFF830  }
0x37: {  	[tilespmem:s16], [sflag:$0x1] =	stream.linear.gather [hbm4b:s9+s16], $0x7D0, $0x38;
	[tilespmem:$0x3780] =	vst v63  }
0x38: {  	s17 =	simm.s32 $0x0;
	s16 =	simm.s32 $0x40  }
.LBB2_10:
0x39: {  	p0 =	sne.s32 s16, $0x1F00;
	v2 =	vld [tilespmem:s17+$0x7D0];
	_ =	sdelay $0x3  }
.Ltmp4:
0x3a: {  	(pc) =	sbr.rel @p0 .LBB2_10-.Ltmp4, $2  }
0x3b: {  	_ =	sdelay $0x2  }
0x3c: {  	s17 =	sshra.s32 s16, $0x2;
	s16 =	sadd.s32 $0x40, s16;
	[tilespmem:v2+s12+$0x0] =	vst.idx.add.f32.msk $0xffff, v1  }
0x3d: {  	v2 =	vld [tilespmem:s17+$0x7D0];
	_ =	sdelay $0x7  }
0x3e: {  	[tilespmem:v2+s12+$0x0] =	vst.idx.add.f32.msk $0xffff, v1  }
0x3f: {  	_ =	swait.ge [sflag:s10], $0x7D0  }
0x40: {  	[sflag:s10] =	ssyncset.done $0x0  }
0x41: {  	s17 =	simm.s32 $0x0;
	s16 =	simm.s32 $0x40;
	[sflag:s10] =	ssyncadd.s32 $0xFFFFF830  }
.LBB2_12:
0x42: {  	p0 =	sne.s32 s16, $0x1F00;
	v2 =	vld [tilespmem:s17+$0x0];
	_ =	sdelay $0x3  }
.Ltmp5:
0x43: {  	(pc) =	sbr.rel @p0 .LBB2_12-.Ltmp5, $2  }
0x44: {  	_ =	sdelay $0x2  }
0x45: {  	s17 =	sshra.s32 s16, $0x2;
	s16 =	sadd.s32 $0x40, s16;
	[tilespmem:v2+s12+$0x0] =	vst.idx.add.f32.msk $0xffff, v1  }
0x46: {  	v2 =	vld [tilespmem:s17+$0x0];
	_ =	sdelay $0x5  }
0x47: {  	s15 =	sadd.s32 $0x1, s15  }
0x48: {  	p0 =	seq.s32 s15, s5  }
.Ltmp6:
0x49: {  	[tilespmem:v2+s12+$0x0] =	vst.idx.add.f32.msk $0xffff, v1;
	(pc) =	sbr.rel @!p0 .LBB2_1-.Ltmp6, $4  }
0x4a: {  	[hbm4b:s4+s2] =	stream.linear.scatter [tilespmem:s12], [sflag:$0x3], $0x2710, $0x38;
	[tilespmem:$0x3780] =	vst v63  }
0x4b: {  	_ =	swait.ge [sflag:s14], $0x2710  }
0x4c: {  	[sflag:s14] =	ssyncset.done $0x0  }
0x4d: {  	[sflag:s14] =	ssyncadd.s32 $0xFFFFD8F0  }
0x4e: {  	_ =	sfence.sel $0x180000  }
0x4f: {  	[bflag:$0x0] =	sbarrier.arrive $0xFFFF  }
0x50: {  	p0 =	sne.s32 s0, $0x0;
	_ =	strace $0x90000047  }
0x51: {  	s0 =	sadd.s32 @!p0 $0x100000, s1;
	[bflag:$0x2] =	sbarrier.arrive $0xFFFF  }
0x52: {  	[sflag:s0] =	ssyncadd.tile.s32 @!p0 $0x1;
	_ =	shalt  }
.Lfunc_end2:
_tile_overlayer_lowered:
.L_overlay_start_2:
0x53: {  	(tag) =	ssettag $0x2  }
0x54: {  	s0 =	rddreg [dreg:$0x0];
	s2 =	stileid.u32  }
0x55: {  	s1 =	rddreg [dreg:$0x1];
	p0 =	sne.s32 s2, $0x0  }
0x56: {  	s3 =	rddreg [dreg:$0x2];
	[bflag:$0x3] =	sbarrier.arrive $0xFFFF;
	s2 =	simm.s32 @!p0 $0x1C03  }
0x57: {  	[timem:s3], [sflag:s2] =	dma.local @!p0 [hbm:s0], s1  }
0x58: {  	s0 =	simm.s32 @!p0 $0x3  }
0x59: {  	_ =	swait.ge @!p0 [sflag:s0], s1  }
0x5a: {  	s1 =	ssub.s32 @!p0 $0x0, s1;
	[sflag:s0] =	ssyncset.done @!p0 $0x0  }
0x5b: {  	[sflag:s0] =	ssyncadd.s32 @!p0 s1  }
0x5c: {  	[bflag:$0x3] =	sbarrier.arrive $0xFFFF  }
0x5d: {  	_ =	shalt  }

</sc_bundles>
